<compile_context>
chip_gen: v7x
topology: tpu7x:2x2x1
jax: 0.10.2.dev20260603
libtpu: 0.0.44.dev20260713+nightly
codegen_flags: <defaults>
</compile_context>

<pallas_src>
import jax
import jax.numpy as jnp
from jax import lax
from jax.experimental import pallas as pl
from jax.experimental.pallas import tpu as pltpu
from jax.experimental.pallas import tpu_sc as plsc

NC = 2
NS = 16
LANES = 16

KK = 4
CE = 40


def _xw_body(x_ref, w_ref, o_ref):
    o_ref[...] = jnp.dot(x_ref[...], w_ref[...],
                         preferred_element_type=jnp.float32)


def _compute_xw(features, w2, n_blk):
    n, d_in = features.shape
    d_cols = w2.shape[1]
    return pl.pallas_call(
        _xw_body,
        grid=(n // n_blk,),
        in_specs=[
            pl.BlockSpec((n_blk, d_in), lambda i: (i, 0)),
            pl.BlockSpec((d_in, d_cols), lambda i: (0, 0)),
        ],
        out_specs=pl.BlockSpec((n_blk, d_cols), lambda i: (i, 0)),
        out_shape=jax.ShapeDtypeStruct((n, d_cols), jnp.float32),
    )(features, w2)


def _sc_body(src_hbm, dst_hbm, p0_hbm, p1_hbm, xw_hbm, outp_hbm, degp_hbm,
             src_v, dst_v, ps0_v, ps1_v, bas_v, rows_v, msg_v, ones_v,
             degcol_v, acc_sh, deg_sh):
    c = lax.axis_index("c")
    s = lax.axis_index("s")
    wid = c * NS + s

    n_nodes = acc_sh.shape[0]
    d_out = acc_sh.shape[1]
    rpt = (n_nodes // (NS * 8)) * 8
    tail = n_nodes - NS * rpt
    e_total = src_hbm.shape[0]
    e_per_w = e_total // (NC * NS)
    n_chunks = e_per_w // CE

    zero16 = jnp.zeros((LANES,), jnp.float32)
    one16 = jnp.ones((LANES,), jnp.float32)

    @pl.loop(0, CE)
    def _zz(i):
        for v in range(d_out // LANES):
            msg_v[i, pl.ds(v * LANES, LANES)] = zero16

    for j in range(rpt // CE):
        pltpu.sync_copy(msg_v, acc_sh.at[pl.ds(s * rpt + j * CE, CE)])
    zt = rpt - (rpt // CE) * CE
    if zt:
        pltpu.sync_copy(msg_v.at[pl.ds(0, zt)],
                        acc_sh.at[pl.ds(s * rpt + (rpt // CE) * CE, zt)])

    @pl.loop(0, rpt // LANES)
    def _zd(i):
        degcol_v[pl.ds(i * LANES, LANES)] = zero16

    pltpu.sync_copy(degcol_v, deg_sh.at[pl.ds(s * rpt, rpt)])

    @pl.when(s == 0)
    def _ztail():
        pltpu.sync_copy(msg_v.at[pl.ds(0, tail)],
                        acc_sh.at[pl.ds(NS * rpt, tail)])
        pltpu.sync_copy(degcol_v.at[pl.ds(0, tail)],
                        deg_sh.at[pl.ds(NS * rpt, tail)])

    offs = list(range(0, CE - LANES + 1, LANES))
    if CE % LANES:
        offs.append(CE - LANES)

    for o in offs:
        ones_v[pl.ds(o, LANES)] = one16

    plsc.subcore_barrier()

    base_w = wid * e_per_w

    @pl.loop(0, n_chunks)
    def _chunk(ci):
        base = base_w + ci * CE
        pltpu.sync_copy(src_hbm.at[pl.ds(base, CE)], src_v)
        pltpu.sync_copy(dst_hbm.at[pl.ds(base, CE)], dst_v)
        pltpu.sync_copy(p0_hbm.at[pl.ds(base, CE)], ps0_v)
        pltpu.sync_copy(p1_hbm.at[pl.ds(base, CE)], ps1_v)

        for o in offs:
            p0 = ps0_v[pl.ds(o, LANES)]
            p1 = ps1_v[pl.ds(o, LANES)]
            q0 = 1.0 - p0
            q1 = 1.0 - p1
            bas_v[0, pl.ds(o, LANES)] = q0 * q1
            bas_v[1, pl.ds(o, LANES)] = q0 * p1
            bas_v[2, pl.ds(o, LANES)] = p0 * q1
            bas_v[3, pl.ds(o, LANES)] = p0 * p1

        pltpu.sync_copy(xw_hbm.at[src_v], rows_v)

        @pl.loop(0, CE)
        def _edge(e):
            b = [bas_v[k, pl.ds(e, LANES)][0] for k in range(KK)]
            for v in range(d_out // LANES):
                acc = b[0] * rows_v[e, pl.ds(v * LANES, LANES)]
                for k in range(1, KK):
                    acc = acc + b[k] * rows_v[e, pl.ds(k * d_out + v * LANES,
                                                       LANES)]
                msg_v[e, pl.ds(v * LANES, LANES)] = acc

        pltpu.sync_copy(msg_v, acc_sh.at[dst_v], add=True)
        pltpu.sync_copy(ones_v, deg_sh.at[dst_v], add=True)

    plsc.subcore_barrier()

    for j in range(rpt // CE):
        pltpu.sync_copy(acc_sh.at[pl.ds(s * rpt + j * CE, CE)], msg_v)
        pltpu.sync_copy(msg_v, outp_hbm.at[c, pl.ds(s * rpt + j * CE, CE)])
    if zt:
        pltpu.sync_copy(acc_sh.at[pl.ds(s * rpt + (rpt // CE) * CE, zt)],
                        msg_v.at[pl.ds(0, zt)])
        pltpu.sync_copy(msg_v.at[pl.ds(0, zt)],
                        outp_hbm.at[c, pl.ds(s * rpt + (rpt // CE) * CE,
                                             zt)])

    pltpu.sync_copy(deg_sh.at[pl.ds(s * rpt, rpt)], degcol_v)
    pltpu.sync_copy(degcol_v,
                    degp_hbm.at[pl.ds(c * n_nodes + s * rpt, rpt)])

    @pl.when(s == 0)
    def _dtail():
        pltpu.sync_copy(acc_sh.at[pl.ds(NS * rpt, tail)],
                        msg_v.at[pl.ds(0, tail)])
        pltpu.sync_copy(msg_v.at[pl.ds(0, tail)],
                        outp_hbm.at[c, pl.ds(NS * rpt, tail)])
        pltpu.sync_copy(deg_sh.at[pl.ds(NS * rpt, tail)],
                        degcol_v.at[pl.ds(0, tail)])
        pltpu.sync_copy(degcol_v.at[pl.ds(0, tail)],
                        degp_hbm.at[pl.ds(c * n_nodes + NS * rpt, tail)])


def _sc_scatter(src, dst, p0, p1, xw, n_nodes, d_out):
    mesh = plsc.VectorSubcoreMesh(core_axis_name="c", subcore_axis_name="s",
                                  num_cores=NC, num_subcores=NS)
    rpt = (n_nodes // (NS * 8)) * 8
    fn = pl.kernel(
        _sc_body,
        out_type=[
            jax.ShapeDtypeStruct((NC, n_nodes, d_out), jnp.float32),
            jax.ShapeDtypeStruct((NC * n_nodes,), jnp.float32),
        ],
        mesh=mesh,
        compiler_params=pltpu.CompilerParams(needs_layout_passes=False),
        scratch_types=[
            pltpu.VMEM((CE,), jnp.int32),
            pltpu.VMEM((CE,), jnp.int32),
            pltpu.VMEM((CE,), jnp.float32),
            pltpu.VMEM((CE,), jnp.float32),
            pltpu.VMEM((KK, CE + LANES), jnp.float32),
            pltpu.VMEM((CE, KK * d_out), jnp.float32),
            pltpu.VMEM((CE, d_out), jnp.float32),
            pltpu.VMEM((CE,), jnp.float32),
            pltpu.VMEM((rpt,), jnp.float32),
            pltpu.MemorySpace.VMEM_SHARED((n_nodes, d_out), jnp.float32),
            pltpu.MemorySpace.VMEM_SHARED((n_nodes,), jnp.float32),
        ],
    )
    return fn(src, dst, p0, p1, xw)


def _fin_body(op_ref, da_ref, db_ref, b_ref, o_ref):
    deg = jnp.clip(da_ref[...] + db_ref[...], 1.0, None)
    o_ref[...] = (op_ref[0] + op_ref[1]) / deg + b_ref[...][None, :]


def _finalize(outp, deg_a, deg_b, bias, n_blk):
    _, n, d_out = outp.shape
    return pl.pallas_call(
        _fin_body,
        grid=(n // n_blk,),
        in_specs=[
            pl.BlockSpec((NC, n_blk, d_out), lambda i: (0, i, 0)),
            pl.BlockSpec((n_blk, 1), lambda i: (i, 0)),
            pl.BlockSpec((n_blk, 1), lambda i: (i, 0)),
            pl.BlockSpec((d_out,), lambda i: (0,)),
        ],
        out_specs=pl.BlockSpec((n_blk, d_out), lambda i: (i, 0)),
        out_shape=jax.ShapeDtypeStruct((n, d_out), jnp.float32),
    )(outp, deg_a, deg_b, bias)


@jax.jit
def kernel(edge_index, pseudo, features, weight, bias):
    n, d_in = features.shape
    kk, _, d_out = weight.shape

    w2 = jnp.transpose(weight, (1, 0, 2)).reshape(d_in, kk * d_out)
    xw = _compute_xw(features, w2, n_blk=1000)

    src = edge_index[0]
    dst = edge_index[1]
    p0 = pseudo[:, 0]
    p1 = pseudo[:, 1]
    outp, degp = _sc_scatter(src, dst, p0, p1, xw, n, d_out)

    deg_a = degp[:n][:, None]
    deg_b = degp[n:][:, None]
    return _finalize(outp, deg_a, deg_b, bias, n_blk=1000)

# --- scband reference (transcript-rebuilt; emitter-appended) ---
"""Pipeline reference for scband-spline-gcn-20839181320473 (READ-ONLY COPY).

The authoritative reference and input builder live on the scoring server;
editing this copy changes nothing except your own understanding.
"""

import jax, jax.numpy as jnp
import numpy as np

N = 10000
E = 320000
D_IN = 128
D_OUT = 128
DIM = 2
KERNEL_SIZE = (2, 2)
K = 4


def _spline_basis_deg1(pseudo, kernel_size):
    # Degree-1 (linear) open B-spline basis over pseudo coords in [0,1]^dim.
    # Returns basis [E, 2^dim] and flattened kernel weight indices wi [E, 2^dim].
    e = pseudo.shape[0]
    dim = pseudo.shape[1]
    m0 = kernel_size[0]
    pos = pseudo[:, 0] * (m0 - 1)
    bot = jnp.clip(jnp.floor(pos), 0, m0 - 1)
    frac = pos - bot
    bot_i = bot.astype(jnp.int32)
    top_i = jnp.clip(bot_i + 1, 0, m0 - 1)
    basis = jnp.stack([1.0 - frac, frac], axis=1)
    wi = jnp.stack([bot_i, top_i], axis=1)
    for j in range(1, dim):
        m = kernel_size[j]
        pos = pseudo[:, j] * (m - 1)
        bot = jnp.clip(jnp.floor(pos), 0, m - 1)
        frac = pos - bot
        bot_i = bot.astype(jnp.int32)
        top_i = jnp.clip(bot_i + 1, 0, m - 1)
        b_j = jnp.stack([1.0 - frac, frac], axis=1)
        i_j = jnp.stack([bot_i, top_i], axis=1)
        basis = (basis[:, :, None] * b_j[:, None, :]).reshape(e, -1)
        wi = (wi[:, :, None] * m + i_j[:, None, :]).reshape(e, -1)
    return basis, wi


def setup_inputs(seed: int = 0):
    key = jax.random.key(seed)
    k1, k2, k3, k4, k5 = jax.random.split(key, 5)
    edge_index = jax.random.randint(k1, (2, E), 0, N, dtype=jnp.int32)
    pseudo = jax.random.uniform(k2, (E, DIM), dtype=jnp.float32)
    features = jax.random.normal(k3, (N, D_IN), dtype=jnp.float32)
    stdv = 1.0 / np.sqrt(D_IN * K)
    weight = jax.random.uniform(k4, (K, D_IN, D_OUT), minval=-stdv, maxval=stdv, dtype=jnp.float32)
    bias = jax.random.uniform(k5, (D_OUT,), minval=-stdv, maxval=stdv, dtype=jnp.float32)
    return {"edge_index": edge_index, "pseudo": pseudo, "features": features, "weight": weight, "bias": bias}


def reference(edge_index, pseudo, features, weight, bias):
    src = edge_index[0]
    dst = edge_index[1]
    basis, wi = _spline_basis_deg1(pseudo, KERNEL_SIZE)
    # Precompute per-node transforms for every kernel weight: [N, K, D_OUT]
    xw = jnp.einsum('nd,kdo->nko', features, weight)
    msg = jnp.zeros((src.shape[0], D_OUT), dtype=features.dtype)
    for s in range(basis.shape[1]):
        g = xw[src, wi[:, s]]  # gather [E, D_OUT]
        msg = msg + basis[:, s:s + 1] * g
    out = jnp.zeros((N, D_OUT), dtype=features.dtype).at[dst].add(msg)
    deg = jnp.zeros((N,), dtype=features.dtype).at[dst].add(1.0)
    out = out / jnp.clip(deg, 1.0, None)[:, None]
    out = out + bias
    return out

if __name__ == "__main__":
    import jax
    _d = setup_inputs()
    print(jax.jit(kernel)(*tuple(_d.values())))

</pallas_src>

<mosaic_0001>
#map = affine_map<(d0, d1) -> (0)>
#map1 = affine_map<(d0, d1) -> (0, 0)>
#map2 = affine_map<(d0, d1) -> (0, 0, 0)>
module attributes {stable_mosaic.version = 14 : i64} {
  func.func @_sc_body(%arg0: i32, %arg1: i32, %arg2: memref<320000xi32, #tpu.memory_space<hbm>>, %arg3: memref<320000xi32, #tpu.memory_space<hbm>>, %arg4: memref<320000xf32, #tpu.memory_space<hbm>>, %arg5: memref<320000xf32, #tpu.memory_space<hbm>>, %arg6: memref<10000x512xf32, #tpu.memory_space<hbm>>, %arg7: memref<2x10000x128xf32, #tpu.memory_space<hbm>>, %arg8: memref<20000xf32, #tpu.memory_space<hbm>>, %arg9: memref<40xi32, #tpu.memory_space<vmem>>, %arg10: memref<40xi32, #tpu.memory_space<vmem>>, %arg11: memref<40xf32, #tpu.memory_space<vmem>>, %arg12: memref<40xf32, #tpu.memory_space<vmem>>, %arg13: memref<4x56xf32, #tpu.memory_space<vmem>>, %arg14: memref<40x512xf32, #tpu.memory_space<vmem>>, %arg15: memref<40x128xf32, #tpu.memory_space<vmem>>, %arg16: memref<40xf32, #tpu.memory_space<vmem>>, %arg17: memref<624xf32, #tpu.memory_space<vmem>>, %arg18: memref<10000x128xf32, #tpu.memory_space<vmem_shared>>, %arg19: memref<10000xf32, #tpu.memory_space<vmem_shared>>) attributes {dimension_semantics = [#tpu.dimension_semantics<core_parallel>, #tpu.dimension_semantics<subcore_parallel>], iteration_bounds = array<i64: 2, 16>, scalar_prefetch = 0 : i64, scratch_operands = 11 : i64, tpu.core_type = #tpu.core_type<sc_vector_subcore>, window_params = [{transform_indices = #map}, {transform_indices = #map}, {transform_indices = #map}, {transform_indices = #map}, {transform_indices = #map1}, {transform_indices = #map2}, {transform_indices = #map}]} {
    %mul3A = arith.constant 16 : i32
    %mul3A_0 = arith.muli %arg0, %mul3A : i32
    %add3A = arith.addi %mul3A_0, %arg1 : i32
    %broadcast_in_dim3A = arith.constant 0.000000e+00 : f32
    %broadcast_in_dim3A_1 = vector.broadcast %broadcast_in_dim3A : f32 to vector<16xf32>
    %broadcast_in_dim3A_2 = arith.constant 1.000000e+00 : f32
    %broadcast_in_dim3A_3 = vector.broadcast %broadcast_in_dim3A_2 : f32 to vector<16xf32>
    %scan3A = arith.constant 0 : i32
    %scan3A_4 = arith.constant 40 : i32
    %scan3A_5 = arith.addi %scan3A, %scan3A_4 : i32
    %scan3A_6 = arith.constant 1 : i32
    scf.for %scan3A_234 = %scan3A to %scan3A_5 step %scan3A_6  : i32 {
      %mul3A_235 = arith.constant 1 : i32
      %mul3A_236 = arith.muli %scan3A_234, %mul3A_235 : i32
      %add3A_237 = arith.constant 0 : i32
      %add3A_238 = arith.addi %add3A_237, %mul3A_236 : i32
      %swap3A_239 = arith.index_cast %add3A_238 : i32 to index
      %swap3A_240 = arith.constant 0 : index
      %swap3A_241 = tpu.vector_load %arg15[%swap3A_239, %swap3A_240] {strides = array<i32>} : memref<40x128xf32, #tpu.memory_space<vmem>>, vector<16xf32>,
      tpu.vector_store %arg15[%swap3A_239, %swap3A_240], %broadcast_in_dim3A_1 {strides = array<i32>} : memref<40x128xf32, #tpu.memory_space<vmem>>, vector<16xf32>,
      %swap3A_242 = arith.index_cast %add3A_238 : i32 to index
      %swap3A_243 = arith.constant 16 : index
      %swap3A_244 = tpu.vector_load %arg15[%swap3A_242, %swap3A_243] {strides = array<i32>} : memref<40x128xf32, #tpu.memory_space<vmem>>, vector<16xf32>,
      tpu.vector_store %arg15[%swap3A_242, %swap3A_243], %broadcast_in_dim3A_1 {strides = array<i32>} : memref<40x128xf32, #tpu.memory_space<vmem>>, vector<16xf32>,
      %swap3A_245 = arith.index_cast %add3A_238 : i32 to index
      %swap3A_246 = arith.constant 32 : index
      %swap3A_247 = tpu.vector_load %arg15[%swap3A_245, %swap3A_246] {strides = array<i32>} : memref<40x128xf32, #tpu.memory_space<vmem>>, vector<16xf32>,
      tpu.vector_store %arg15[%swap3A_245, %swap3A_246], %broadcast_in_dim3A_1 {strides = array<i32>} : memref<40x128xf32, #tpu.memory_space<vmem>>, vector<16xf32>,
      %swap3A_248 = arith.index_cast %add3A_238 : i32 to index
      %swap3A_249 = arith.constant 48 : index
      %swap3A_250 = tpu.vector_load %arg15[%swap3A_248, %swap3A_249] {strides = array<i32>} : memref<40x128xf32, #tpu.memory_space<vmem>>, vector<16xf32>,
      tpu.vector_store %arg15[%swap3A_248, %swap3A_249], %broadcast_in_dim3A_1 {strides = array<i32>} : memref<40x128xf32, #tpu.memory_space<vmem>>, vector<16xf32>,
      %swap3A_251 = arith.index_cast %add3A_238 : i32 to index
      %swap3A_252 = arith.constant 64 : index
      %swap3A_253 = tpu.vector_load %arg15[%swap3A_251, %swap3A_252] {strides = array<i32>} : memref<40x128xf32, #tpu.memory_space<vmem>>, vector<16xf32>,
      tpu.vector_store %arg15[%swap3A_251, %swap3A_252], %broadcast_in_dim3A_1 {strides = array<i32>} : memref<40x128xf32, #tpu.memory_space<vmem>>, vector<16xf32>,
      %swap3A_254 = arith.index_cast %add3A_238 : i32 to index
      %swap3A_255 = arith.constant 80 : index
      %swap3A_256 = tpu.vector_load %arg15[%swap3A_254, %swap3A_255] {strides = array<i32>} : memref<40x128xf32, #tpu.memory_space<vmem>>, vector<16xf32>,
      tpu.vector_store %arg15[%swap3A_254, %swap3A_255], %broadcast_in_dim3A_1 {strides = array<i32>} : memref<40x128xf32, #tpu.memory_space<vmem>>, vector<16xf32>,
      %swap3A_257 = arith.index_cast %add3A_238 : i32 to index
      %swap3A_258 = arith.constant 96 : index
      %swap3A_259 = tpu.vector_load %arg15[%swap3A_257, %swap3A_258] {strides = array<i32>} : memref<40x128xf32, #tpu.memory_space<vmem>>, vector<16xf32>,
      tpu.vector_store %arg15[%swap3A_257, %swap3A_258], %broadcast_in_dim3A_1 {strides = array<i32>} : memref<40x128xf32, #tpu.memory_space<vmem>>, vector<16xf32>,
      %swap3A_260 = arith.index_cast %add3A_238 : i32 to index
      %swap3A_261 = arith.constant 112 : index
      %swap3A_262 = tpu.vector_load %arg15[%swap3A_260, %swap3A_261] {strides = array<i32>} : memref<40x128xf32, #tpu.memory_space<vmem>>, vector<16xf32>,
      tpu.vector_store %arg15[%swap3A_260, %swap3A_261], %broadcast_in_dim3A_1 {strides = array<i32>} : memref<40x128xf32, #tpu.memory_space<vmem>>, vector<16xf32>,
    }
    %scan3A_7 = arith.constant 40 : i32
    %mul3A_8 = arith.constant 624 : i32
    %mul3A_9 = arith.muli %arg1, %mul3A_8 : i32
    %add3A_10 = arith.constant 0 : i32
    %add3A_11 = arith.addi %mul3A_9, %add3A_10 : i32
    "tpu.region"() ({
      %run_scoped3A = tpu.sem_alloc : memref<!tpu.dma_semaphore, #tpu.memory_space<semaphore_mem>>
      %dma_start3A = arith.constant 0 : i32
      %dma_start3A_234 = tpu.memref_slice %arg18[%add3A_11, %dma_start3A] : memref<10000x128xf32, #tpu.memory_space<vmem_shared>> -> memref<40x128xf32, #tpu.memory_space<vmem_shared>>
      %dma_start3A_235 = arith.constant 0 : i32
      %dma_start3A_236 = tpu.memref_slice %arg18[%add3A_11, %dma_start3A_235] : memref<10000x128xf32, #tpu.memory_space<vmem_shared>> -> memref<40x128xf32, #tpu.memory_space<vmem_shared>>
      tpu.enqueue_dma source(%arg15 : memref<40x128xf32, #tpu.memory_space<vmem>>) target(%dma_start3A_236 : memref<40x128xf32, #tpu.memory_space<vmem_shared>>) target_semaphore(%run_scoped3A : memref<!tpu.dma_semaphore, #tpu.memory_space<semaphore_mem>>)
      %dma_wait3A = arith.constant 0 : i32
      %dma_wait3A_237 = tpu.memref_slice %arg18[%add3A_11, %dma_wait3A] : memref<10000x128xf32, #tpu.memory_space<vmem_shared>> -> memref<40x128xf32, #tpu.memory_space<vmem_shared>>
      %dma_wait3A_238 = arith.constant 0 : i32
      %dma_wait3A_239 = tpu.memref_slice %arg18[%add3A_11, %dma_wait3A_238] : memref<10000x128xf32, #tpu.memory_space<vmem_shared>> -> memref<40x128xf32, #tpu.memory_space<vmem_shared>>
      tpu.wait_dma2 semaphore(%run_scoped3A : memref<!tpu.dma_semaphore, #tpu.memory_space<semaphore_mem>>) src(%arg15 : memref<40x128xf32, #tpu.memory_space<vmem>>) dst(%dma_wait3A_239 : memref<40x128xf32, #tpu.memory_space<vmem_shared>>)
      tpu.yield
    }) : () -> ()
    %mul3A_12 = arith.constant 624 : i32
    %mul3A_13 = arith.muli %arg1, %mul3A_12 : i32
    %add3A_14 = arith.constant 40 : i32
    %add3A_15 = arith.addi %mul3A_13, %add3A_14 : i32
    "tpu.region"() ({
      %run_scoped3A = tpu.sem_alloc : memref<!tpu.dma_semaphore, #tpu.memory_space<semaphore_mem>>
      %dma_start3A = arith.constant 0 : i32
      %dma_start3A_234 = tpu.memref_slice %arg18[%add3A_15, %dma_start3A] : memref<10000x128xf32, #tpu.memory_space<vmem_shared>> -> memref<40x128xf32, #tpu.memory_space<vmem_shared>>
      %dma_start3A_235 = arith.constant 0 : i32
      %dma_start3A_236 = tpu.memref_slice %arg18[%add3A_15, %dma_start3A_235] : memref<10000x128xf32, #tpu.memory_space<vmem_shared>> -> memref<40x128xf32, #tpu.memory_space<vmem_shared>>
      tpu.enqueue_dma source(%arg15 : memref<40x128xf32, #tpu.memory_space<vmem>>) target(%dma_start3A_236 : memref<40x128xf32, #tpu.memory_space<vmem_shared>>) target_semaphore(%run_scoped3A : memref<!tpu.dma_semaphore, #tpu.memory_space<semaphore_mem>>)
      %dma_wait3A = arith.constant 0 : i32
      %dma_wait3A_237 = tpu.memref_slice %arg18[%add3A_15, %dma_wait3A] : memref<10000x128xf32, #tpu.memory_space<vmem_shared>> -> memref<40x128xf32, #tpu.memory_space<vmem_shared>>
      %dma_wait3A_238 = arith.constant 0 : i32
      %dma_wait3A_239 = tpu.memref_slice %arg18[%add3A_15, %dma_wait3A_238] : memref<10000x128xf32, #tpu.memory_space<vmem_shared>> -> memref<40x128xf32, #tpu.memory_space<vmem_shared>>
      tpu.wait_dma2 semaphore(%run_scoped3A : memref<!tpu.dma_semaphore, #tpu.memory_space<semaphore_mem>>) src(%arg15 : memref<40x128xf32, #tpu.memory_space<vmem>>) dst(%dma_wait3A_239 : memref<40x128xf32, #tpu.memory_space<vmem_shared>>)
      tpu.yield
    }) : () -> ()
    %mul3A_16 = arith.constant 624 : i32
    %mul3A_17 = arith.muli %arg1, %mul3A_16 : i32
    %add3A_18 = arith.constant 80 : i32
    %add3A_19 = arith.addi %mul3A_17, %add3A_18 : i32
    "tpu.region"() ({
      %run_scoped3A = tpu.sem_alloc : memref<!tpu.dma_semaphore, #tpu.memory_space<semaphore_mem>>
      %dma_start3A = arith.constant 0 : i32
      %dma_start3A_234 = tpu.memref_slice %arg18[%add3A_19, %dma_start3A] : memref<10000x128xf32, #tpu.memory_space<vmem_shared>> -> memref<40x128xf32, #tpu.memory_space<vmem_shared>>
      %dma_start3A_235 = arith.constant 0 : i32
      %dma_start3A_236 = tpu.memref_slice %arg18[%add3A_19, %dma_start3A_235] : memref<10000x128xf32, #tpu.memory_space<vmem_shared>> -> memref<40x128xf32, #tpu.memory_space<vmem_shared>>
      tpu.enqueue_dma source(%arg15 : memref<40x128xf32, #tpu.memory_space<vmem>>) target(%dma_start3A_236 : memref<40x128xf32, #tpu.memory_space<vmem_shared>>) target_semaphore(%run_scoped3A : memref<!tpu.dma_semaphore, #tpu.memory_space<semaphore_mem>>)
      %dma_wait3A = arith.constant 0 : i32
      %dma_wait3A_237 = tpu.memref_slice %arg18[%add3A_19, %dma_wait3A] : memref<10000x128xf32, #tpu.memory_space<vmem_shared>> -> memref<40x128xf32, #tpu.memory_space<vmem_shared>>
      %dma_wait3A_238 = arith.constant 0 : i32
      %dma_wait3A_239 = tpu.memref_slice %arg18[%add3A_19, %dma_wait3A_238] : memref<10000x128xf32, #tpu.memory_space<vmem_shared>> -> memref<40x128xf32, #tpu.memory_space<vmem_shared>>
      tpu.wait_dma2 semaphore(%run_scoped3A : memref<!tpu.dma_semaphore, #tpu.memory_space<semaphore_mem>>) src(%arg15 : memref<40x128xf32, #tpu.memory_space<vmem>>) dst(%dma_wait3A_239 : memref<40x128xf32, #tpu.memory_space<vmem_shared>>)
      tpu.yield
    }) : () -> ()
    %mul3A_20 = arith.constant 624 : i32
    %mul3A_21 = arith.muli %arg1, %mul3A_20 : i32
    %add3A_22 = arith.constant 120 : i32
    %add3A_23 = arith.addi %mul3A_21, %add3A_22 : i32
    "tpu.region"() ({
      %run_scoped3A = tpu.sem_alloc : memref<!tpu.dma_semaphore, #tpu.memory_space<semaphore_mem>>
      %dma_start3A = arith.constant 0 : i32
      %dma_start3A_234 = tpu.memref_slice %arg18[%add3A_23, %dma_start3A] : memref<10000x128xf32, #tpu.memory_space<vmem_shared>> -> memref<40x128xf32, #tpu.memory_space<vmem_shared>>
      %dma_start3A_235 = arith.constant 0 : i32
      %dma_start3A_236 = tpu.memref_slice %arg18[%add3A_23, %dma_start3A_235] : memref<10000x128xf32, #tpu.memory_space<vmem_shared>> -> memref<40x128xf32, #tpu.memory_space<vmem_shared>>
      tpu.enqueue_dma source(%arg15 : memref<40x128xf32, #tpu.memory_space<vmem>>) target(%dma_start3A_236 : memref<40x128xf32, #tpu.memory_space<vmem_shared>>) target_semaphore(%run_scoped3A : memref<!tpu.dma_semaphore, #tpu.memory_space<semaphore_mem>>)
      %dma_wait3A = arith.constant 0 : i32
      %dma_wait3A_237 = tpu.memref_slice %arg18[%add3A_23, %dma_wait3A] : memref<10000x128xf32, #tpu.memory_space<vmem_shared>> -> memref<40x128xf32, #tpu.memory_space<vmem_shared>>
      %dma_wait3A_238 = arith.constant 0 : i32
      %dma_wait3A_239 = tpu.memref_slice %arg18[%add3A_23, %dma_wait3A_238] : memref<10000x128xf32, #tpu.memory_space<vmem_shared>> -> memref<40x128xf32, #tpu.memory_space<vmem_shared>>
      tpu.wait_dma2 semaphore(%run_scoped3A : memref<!tpu.dma_semaphore, #tpu.memory_space<semaphore_mem>>) src(%arg15 : memref<40x128xf32, #tpu.memory_space<vmem>>) dst(%dma_wait3A_239 : memref<40x128xf32, #tpu.memory_space<vmem_shared>>)
      tpu.yield
    }) : () -> ()
    %mul3A_24 = arith.constant 624 : i32
    %mul3A_25 = arith.muli %arg1, %mul3A_24 : i32
    %add3A_26 = arith.constant 160 : i32
    %add3A_27 = arith.addi %mul3A_25, %add3A_26 : i32
    "tpu.region"() ({
      %run_scoped3A = tpu.sem_alloc : memref<!tpu.dma_semaphore, #tpu.memory_space<semaphore_mem>>
      %dma_start3A = arith.constant 0 : i32
      %dma_start3A_234 = tpu.memref_slice %arg18[%add3A_27, %dma_start3A] : memref<10000x128xf32, #tpu.memory_space<vmem_shared>> -> memref<40x128xf32, #tpu.memory_space<vmem_shared>>
      %dma_start3A_235 = arith.constant 0 : i32
      %dma_start3A_236 = tpu.memref_slice %arg18[%add3A_27, %dma_start3A_235] : memref<10000x128xf32, #tpu.memory_space<vmem_shared>> -> memref<40x128xf32, #tpu.memory_space<vmem_shared>>
      tpu.enqueue_dma source(%arg15 : memref<40x128xf32, #tpu.memory_space<vmem>>) target(%dma_start3A_236 : memref<40x128xf32, #tpu.memory_space<vmem_shared>>) target_semaphore(%run_scoped3A : memref<!tpu.dma_semaphore, #tpu.memory_space<semaphore_mem>>)
      %dma_wait3A = arith.constant 0 : i32
      %dma_wait3A_237 = tpu.memref_slice %arg18[%add3A_27, %dma_wait3A] : memref<10000x128xf32, #tpu.memory_space<vmem_shared>> -> memref<40x128xf32, #tpu.memory_space<vmem_shared>>
      %dma_wait3A_238 = arith.constant 0 : i32
      %dma_wait3A_239 = tpu.memref_slice %arg18[%add3A_27, %dma_wait3A_238] : memref<10000x128xf32, #tpu.memory_space<vmem_shared>> -> memref<40x128xf32, #tpu.memory_space<vmem_shared>>
      tpu.wait_dma2 semaphore(%run_scoped3A : memref<!tpu.dma_semaphore, #tpu.memory_space<semaphore_mem>>) src(%arg15 : memref<40x128xf32, #tpu.memory_space<vmem>>) dst(%dma_wait3A_239 : memref<40x128xf32, #tpu.memory_space<vmem_shared>>)
      tpu.yield
    }) : () -> ()
    %mul3A_28 = arith.constant 624 : i32
    %mul3A_29 = arith.muli %arg1, %mul3A_28 : i32
    %add3A_30 = arith.constant 200 : i32
    %add3A_31 = arith.addi %mul3A_29, %add3A_30 : i32
    "tpu.region"() ({
      %run_scoped3A = tpu.sem_alloc : memref<!tpu.dma_semaphore, #tpu.memory_space<semaphore_mem>>
      %dma_start3A = arith.constant 0 : i32
      %dma_start3A_234 = tpu.memref_slice %arg18[%add3A_31, %dma_start3A] : memref<10000x128xf32, #tpu.memory_space<vmem_shared>> -> memref<40x128xf32, #tpu.memory_space<vmem_shared>>
      %dma_start3A_235 = arith.constant 0 : i32
      %dma_start3A_236 = tpu.memref_slice %arg18[%add3A_31, %dma_start3A_235] : memref<10000x128xf32, #tpu.memory_space<vmem_shared>> -> memref<40x128xf32, #tpu.memory_space<vmem_shared>>
      tpu.enqueue_dma source(%arg15 : memref<40x128xf32, #tpu.memory_space<vmem>>) target(%dma_start3A_236 : memref<40x128xf32, #tpu.memory_space<vmem_shared>>) target_semaphore(%run_scoped3A : memref<!tpu.dma_semaphore, #tpu.memory_space<semaphore_mem>>)
      %dma_wait3A = arith.constant 0 : i32
      %dma_wait3A_237 = tpu.memref_slice %arg18[%add3A_31, %dma_wait3A] : memref<10000x128xf32, #tpu.memory_space<vmem_shared>> -> memref<40x128xf32, #tpu.memory_space<vmem_shared>>
      %dma_wait3A_238 = arith.constant 0 : i32
      %dma_wait3A_239 = tpu.memref_slice %arg18[%add3A_31, %dma_wait3A_238] : memref<10000x128xf32, #tpu.memory_space<vmem_shared>> -> memref<40x128xf32, #tpu.memory_space<vmem_shared>>
      tpu.wait_dma2 semaphore(%run_scoped3A : memref<!tpu.dma_semaphore, #tpu.memory_space<semaphore_mem>>) src(%arg15 : memref<40x128xf32, #tpu.memory_space<vmem>>) dst(%dma_wait3A_239 : memref<40x128xf32, #tpu.memory_space<vmem_shared>>)
      tpu.yield
    }) : () -> ()
    %mul3A_32 = arith.constant 624 : i32
    %mul3A_33 = arith.muli %arg1, %mul3A_32 : i32
    %add3A_34 = arith.constant 240 : i32
    %add3A_35 = arith.addi %mul3A_33, %add3A_34 : i32
    "tpu.region"() ({
      %run_scoped3A = tpu.sem_alloc : memref<!tpu.dma_semaphore, #tpu.memory_space<semaphore_mem>>
      %dma_start3A = arith.constant 0 : i32
      %dma_start3A_234 = tpu.memref_slice %arg18[%add3A_35, %dma_start3A] : memref<10000x128xf32, #tpu.memory_space<vmem_shared>> -> memref<40x128xf32, #tpu.memory_space<vmem_shared>>
      %dma_start3A_235 = arith.constant 0 : i32
      %dma_start3A_236 = tpu.memref_slice %arg18[%add3A_35, %dma_start3A_235] : memref<10000x128xf32, #tpu.memory_space<vmem_shared>> -> memref<40x128xf32, #tpu.memory_space<vmem_shared>>
      tpu.enqueue_dma source(%arg15 : memref<40x128xf32, #tpu.memory_space<vmem>>) target(%dma_start3A_236 : memref<40x128xf32, #tpu.memory_space<vmem_shared>>) target_semaphore(%run_scoped3A : memref<!tpu.dma_semaphore, #tpu.memory_space<semaphore_mem>>)
      %dma_wait3A = arith.constant 0 : i32
      %dma_wait3A_237 = tpu.memref_slice %arg18[%add3A_35, %dma_wait3A] : memref<10000x128xf32, #tpu.memory_space<vmem_shared>> -> memref<40x128xf32, #tpu.memory_space<vmem_shared>>
      %dma_wait3A_238 = arith.constant 0 : i32
      %dma_wait3A_239 = tpu.memref_slice %arg18[%add3A_35, %dma_wait3A_238] : memref<10000x128xf32, #tpu.memory_space<vmem_shared>> -> memref<40x128xf32, #tpu.memory_space<vmem_shared>>
      tpu.wait_dma2 semaphore(%run_scoped3A : memref<!tpu.dma_semaphore, #tpu.memory_space<semaphore_mem>>) src(%arg15 : memref<40x128xf32, #tpu.memory_space<vmem>>) dst(%dma_wait3A_239 : memref<40x128xf32, #tpu.memory_space<vmem_shared>>)
      tpu.yield
    }) : () -> ()
    %mul3A_36 = arith.constant 624 : i32
    %mul3A_37 = arith.muli %arg1, %mul3A_36 : i32
    %add3A_38 = arith.constant 280 : i32
    %add3A_39 = arith.addi %mul3A_37, %add3A_38 : i32
    "tpu.region"() ({
      %run_scoped3A = tpu.sem_alloc : memref<!tpu.dma_semaphore, #tpu.memory_space<semaphore_mem>>
      %dma_start3A = arith.constant 0 : i32
      %dma_start3A_234 = tpu.memref_slice %arg18[%add3A_39, %dma_start3A] : memref<10000x128xf32, #tpu.memory_space<vmem_shared>> -> memref<40x128xf32, #tpu.memory_space<vmem_shared>>
      %dma_start3A_235 = arith.constant 0 : i32
      %dma_start3A_236 = tpu.memref_slice %arg18[%add3A_39, %dma_start3A_235] : memref<10000x128xf32, #tpu.memory_space<vmem_shared>> -> memref<40x128xf32, #tpu.memory_space<vmem_shared>>
      tpu.enqueue_dma source(%arg15 : memref<40x128xf32, #tpu.memory_space<vmem>>) target(%dma_start3A_236 : memref<40x128xf32, #tpu.memory_space<vmem_shared>>) target_semaphore(%run_scoped3A : memref<!tpu.dma_semaphore, #tpu.memory_space<semaphore_mem>>)
      %dma_wait3A = arith.constant 0 : i32
      %dma_wait3A_237 = tpu.memref_slice %arg18[%add3A_39, %dma_wait3A] : memref<10000x128xf32, #tpu.memory_space<vmem_shared>> -> memref<40x128xf32, #tpu.memory_space<vmem_shared>>
      %dma_wait3A_238 = arith.constant 0 : i32
      %dma_wait3A_239 = tpu.memref_slice %arg18[%add3A_39, %dma_wait3A_238] : memref<10000x128xf32, #tpu.memory_space<vmem_shared>> -> memref<40x128xf32, #tpu.memory_space<vmem_shared>>
      tpu.wait_dma2 semaphore(%run_scoped3A : memref<!tpu.dma_semaphore, #tpu.memory_space<semaphore_mem>>) src(%arg15 : memref<40x128xf32, #tpu.memory_space<vmem>>) dst(%dma_wait3A_239 : memref<40x128xf32, #tpu.memory_space<vmem_shared>>)
      tpu.yield
    }) : () -> ()
    %mul3A_40 = arith.constant 624 : i32
    %mul3A_41 = arith.muli %arg1, %mul3A_40 : i32
    %add3A_42 = arith.constant 320 : i32
    %add3A_43 = arith.addi %mul3A_41, %add3A_42 : i32
    "tpu.region"() ({
      %run_scoped3A = tpu.sem_alloc : memref<!tpu.dma_semaphore, #tpu.memory_space<semaphore_mem>>
      %dma_start3A = arith.constant 0 : i32
      %dma_start3A_234 = tpu.memref_slice %arg18[%add3A_43, %dma_start3A] : memref<10000x128xf32, #tpu.memory_space<vmem_shared>> -> memref<40x128xf32, #tpu.memory_space<vmem_shared>>
      %dma_start3A_235 = arith.constant 0 : i32
      %dma_start3A_236 = tpu.memref_slice %arg18[%add3A_43, %dma_start3A_235] : memref<10000x128xf32, #tpu.memory_space<vmem_shared>> -> memref<40x128xf32, #tpu.memory_space<vmem_shared>>
      tpu.enqueue_dma source(%arg15 : memref<40x128xf32, #tpu.memory_space<vmem>>) target(%dma_start3A_236 : memref<40x128xf32, #tpu.memory_space<vmem_shared>>) target_semaphore(%run_scoped3A : memref<!tpu.dma_semaphore, #tpu.memory_space<semaphore_mem>>)
      %dma_wait3A = arith.constant 0 : i32
      %dma_wait3A_237 = tpu.memref_slice %arg18[%add3A_43, %dma_wait3A] : memref<10000x128xf32, #tpu.memory_space<vmem_shared>> -> memref<40x128xf32, #tpu.memory_space<vmem_shared>>
      %dma_wait3A_238 = arith.constant 0 : i32
      %dma_wait3A_239 = tpu.memref_slice %arg18[%add3A_43, %dma_wait3A_238] : memref<10000x128xf32, #tpu.memory_space<vmem_shared>> -> memref<40x128xf32, #tpu.memory_space<vmem_shared>>
      tpu.wait_dma2 semaphore(%run_scoped3A : memref<!tpu.dma_semaphore, #tpu.memory_space<semaphore_mem>>) src(%arg15 : memref<40x128xf32, #tpu.memory_space<vmem>>) dst(%dma_wait3A_239 : memref<40x128xf32, #tpu.memory_space<vmem_shared>>)
      tpu.yield
    }) : () -> ()
    %mul3A_44 = arith.constant 624 : i32
    %mul3A_45 = arith.muli %arg1, %mul3A_44 : i32
    %add3A_46 = arith.constant 360 : i32
    %add3A_47 = arith.addi %mul3A_45, %add3A_46 : i32
    "tpu.region"() ({
      %run_scoped3A = tpu.sem_alloc : memref<!tpu.dma_semaphore, #tpu.memory_space<semaphore_mem>>
      %dma_start3A = arith.constant 0 : i32
      %dma_start3A_234 = tpu.memref_slice %arg18[%add3A_47, %dma_start3A] : memref<10000x128xf32, #tpu.memory_space<vmem_shared>> -> memref<40x128xf32, #tpu.memory_space<vmem_shared>>
      %dma_start3A_235 = arith.constant 0 : i32
      %dma_start3A_236 = tpu.memref_slice %arg18[%add3A_47, %dma_start3A_235] : memref<10000x128xf32, #tpu.memory_space<vmem_shared>> -> memref<40x128xf32, #tpu.memory_space<vmem_shared>>
      tpu.enqueue_dma source(%arg15 : memref<40x128xf32, #tpu.memory_space<vmem>>) target(%dma_start3A_236 : memref<40x128xf32, #tpu.memory_space<vmem_shared>>) target_semaphore(%run_scoped3A : memref<!tpu.dma_semaphore, #tpu.memory_space<semaphore_mem>>)
      %dma_wait3A = arith.constant 0 : i32
      %dma_wait3A_237 = tpu.memref_slice %arg18[%add3A_47, %dma_wait3A] : memref<10000x128xf32, #tpu.memory_space<vmem_shared>> -> memref<40x128xf32, #tpu.memory_space<vmem_shared>>
      %dma_wait3A_238 = arith.constant 0 : i32
      %dma_wait3A_239 = tpu.memref_slice %arg18[%add3A_47, %dma_wait3A_238] : memref<10000x128xf32, #tpu.memory_space<vmem_shared>> -> memref<40x128xf32, #tpu.memory_space<vmem_shared>>
      tpu.wait_dma2 semaphore(%run_scoped3A : memref<!tpu.dma_semaphore, #tpu.memory_space<semaphore_mem>>) src(%arg15 : memref<40x128xf32, #tpu.memory_space<vmem>>) dst(%dma_wait3A_239 : memref<40x128xf32, #tpu.memory_space<vmem_shared>>)
      tpu.yield
    }) : () -> ()
    %mul3A_48 = arith.constant 624 : i32
    %mul3A_49 = arith.muli %arg1, %mul3A_48 : i32
    %add3A_50 = arith.constant 400 : i32
    %add3A_51 = arith.addi %mul3A_49, %add3A_50 : i32
    "tpu.region"() ({
      %run_scoped3A = tpu.sem_alloc : memref<!tpu.dma_semaphore, #tpu.memory_space<semaphore_mem>>
      %dma_start3A = arith.constant 0 : i32
      %dma_start3A_234 = tpu.memref_slice %arg18[%add3A_51, %dma_start3A] : memref<10000x128xf32, #tpu.memory_space<vmem_shared>> -> memref<40x128xf32, #tpu.memory_space<vmem_shared>>
      %dma_start3A_235 = arith.constant 0 : i32
      %dma_start3A_236 = tpu.memref_slice %arg18[%add3A_51, %dma_start3A_235] : memref<10000x128xf32, #tpu.memory_space<vmem_shared>> -> memref<40x128xf32, #tpu.memory_space<vmem_shared>>
      tpu.enqueue_dma source(%arg15 : memref<40x128xf32, #tpu.memory_space<vmem>>) target(%dma_start3A_236 : memref<40x128xf32, #tpu.memory_space<vmem_shared>>) target_semaphore(%run_scoped3A : memref<!tpu.dma_semaphore, #tpu.memory_space<semaphore_mem>>)
      %dma_wait3A = arith.constant 0 : i32
      %dma_wait3A_237 = tpu.memref_slice %arg18[%add3A_51, %dma_wait3A] : memref<10000x128xf32, #tpu.memory_space<vmem_shared>> -> memref<40x128xf32, #tpu.memory_space<vmem_shared>>
      %dma_wait3A_238 = arith.constant 0 : i32
      %dma_wait3A_239 = tpu.memref_slice %arg18[%add3A_51, %dma_wait3A_238] : memref<10000x128xf32, #tpu.memory_space<vmem_shared>> -> memref<40x128xf32, #tpu.memory_space<vmem_shared>>
      tpu.wait_dma2 semaphore(%run_scoped3A : memref<!tpu.dma_semaphore, #tpu.memory_space<semaphore_mem>>) src(%arg15 : memref<40x128xf32, #tpu.memory_space<vmem>>) dst(%dma_wait3A_239 : memref<40x128xf32, #tpu.memory_space<vmem_shared>>)
      tpu.yield
    }) : () -> ()
    %mul3A_52 = arith.constant 624 : i32
    %mul3A_53 = arith.muli %arg1, %mul3A_52 : i32
    %add3A_54 = arith.constant 440 : i32
    %add3A_55 = arith.addi %mul3A_53, %add3A_54 : i32
    "tpu.region"() ({
      %run_scoped3A = tpu.sem_alloc : memref<!tpu.dma_semaphore, #tpu.memory_space<semaphore_mem>>
      %dma_start3A = arith.constant 0 : i32
      %dma_start3A_234 = tpu.memref_slice %arg18[%add3A_55, %dma_start3A] : memref<10000x128xf32, #tpu.memory_space<vmem_shared>> -> memref<40x128xf32, #tpu.memory_space<vmem_shared>>
      %dma_start3A_235 = arith.constant 0 : i32
      %dma_start3A_236 = tpu.memref_slice %arg18[%add3A_55, %dma_start3A_235] : memref<10000x128xf32, #tpu.memory_space<vmem_shared>> -> memref<40x128xf32, #tpu.memory_space<vmem_shared>>
      tpu.enqueue_dma source(%arg15 : memref<40x128xf32, #tpu.memory_space<vmem>>) target(%dma_start3A_236 : memref<40x128xf32, #tpu.memory_space<vmem_shared>>) target_semaphore(%run_scoped3A : memref<!tpu.dma_semaphore, #tpu.memory_space<semaphore_mem>>)
      %dma_wait3A = arith.constant 0 : i32
      %dma_wait3A_237 = tpu.memref_slice %arg18[%add3A_55, %dma_wait3A] : memref<10000x128xf32, #tpu.memory_space<vmem_shared>> -> memref<40x128xf32, #tpu.memory_space<vmem_shared>>
      %dma_wait3A_238 = arith.constant 0 : i32
      %dma_wait3A_239 = tpu.memref_slice %arg18[%add3A_55, %dma_wait3A_238] : memref<10000x128xf32, #tpu.memory_space<vmem_shared>> -> memref<40x128xf32, #tpu.memory_space<vmem_shared>>
      tpu.wait_dma2 semaphore(%run_scoped3A : memref<!tpu.dma_semaphore, #tpu.memory_space<semaphore_mem>>) src(%arg15 : memref<40x128xf32, #tpu.memory_space<vmem>>) dst(%dma_wait3A_239 : memref<40x128xf32, #tpu.memory_space<vmem_shared>>)
      tpu.yield
    }) : () -> ()
    %mul3A_56 = arith.constant 624 : i32
    %mul3A_57 = arith.muli %arg1, %mul3A_56 : i32
    %add3A_58 = arith.constant 480 : i32
    %add3A_59 = arith.addi %mul3A_57, %add3A_58 : i32
    "tpu.region"() ({
      %run_scoped3A = tpu.sem_alloc : memref<!tpu.dma_semaphore, #tpu.memory_space<semaphore_mem>>
      %dma_start3A = arith.constant 0 : i32
      %dma_start3A_234 = tpu.memref_slice %arg18[%add3A_59, %dma_start3A] : memref<10000x128xf32, #tpu.memory_space<vmem_shared>> -> memref<40x128xf32, #tpu.memory_space<vmem_shared>>
      %dma_start3A_235 = arith.constant 0 : i32
      %dma_start3A_236 = tpu.memref_slice %arg18[%add3A_59, %dma_start3A_235] : memref<10000x128xf32, #tpu.memory_space<vmem_shared>> -> memref<40x128xf32, #tpu.memory_space<vmem_shared>>
      tpu.enqueue_dma source(%arg15 : memref<40x128xf32, #tpu.memory_space<vmem>>) target(%dma_start3A_236 : memref<40x128xf32, #tpu.memory_space<vmem_shared>>) target_semaphore(%run_scoped3A : memref<!tpu.dma_semaphore, #tpu.memory_space<semaphore_mem>>)
      %dma_wait3A = arith.constant 0 : i32
      %dma_wait3A_237 = tpu.memref_slice %arg18[%add3A_59, %dma_wait3A] : memref<10000x128xf32, #tpu.memory_space<vmem_shared>> -> memref<40x128xf32, #tpu.memory_space<vmem_shared>>
      %dma_wait3A_238 = arith.constant 0 : i32
      %dma_wait3A_239 = tpu.memref_slice %arg18[%add3A_59, %dma_wait3A_238] : memref<10000x128xf32, #tpu.memory_space<vmem_shared>> -> memref<40x128xf32, #tpu.memory_space<vmem_shared>>
      tpu.wait_dma2 semaphore(%run_scoped3A : memref<!tpu.dma_semaphore, #tpu.memory_space<semaphore_mem>>) src(%arg15 : memref<40x128xf32, #tpu.memory_space<vmem>>) dst(%dma_wait3A_239 : memref<40x128xf32, #tpu.memory_space<vmem_shared>>)
      tpu.yield
    }) : () -> ()
    %mul3A_60 = arith.constant 624 : i32
    %mul3A_61 = arith.muli %arg1, %mul3A_60 : i32
    %add3A_62 = arith.constant 520 : i32
    %add3A_63 = arith.addi %mul3A_61, %add3A_62 : i32
    "tpu.region"() ({
      %run_scoped3A = tpu.sem_alloc : memref<!tpu.dma_semaphore, #tpu.memory_space<semaphore_mem>>
      %dma_start3A = arith.constant 0 : i32
      %dma_start3A_234 = tpu.memref_slice %arg18[%add3A_63, %dma_start3A] : memref<10000x128xf32, #tpu.memory_space<vmem_shared>> -> memref<40x128xf32, #tpu.memory_space<vmem_shared>>
      %dma_start3A_235 = arith.constant 0 : i32
      %dma_start3A_236 = tpu.memref_slice %arg18[%add3A_63, %dma_start3A_235] : memref<10000x128xf32, #tpu.memory_space<vmem_shared>> -> memref<40x128xf32, #tpu.memory_space<vmem_shared>>
      tpu.enqueue_dma source(%arg15 : memref<40x128xf32, #tpu.memory_space<vmem>>) target(%dma_start3A_236 : memref<40x128xf32, #tpu.memory_space<vmem_shared>>) target_semaphore(%run_scoped3A : memref<!tpu.dma_semaphore, #tpu.memory_space<semaphore_mem>>)
      %dma_wait3A = arith.constant 0 : i32
      %dma_wait3A_237 = tpu.memref_slice %arg18[%add3A_63, %dma_wait3A] : memref<10000x128xf32, #tpu.memory_space<vmem_shared>> -> memref<40x128xf32, #tpu.memory_space<vmem_shared>>
      %dma_wait3A_238 = arith.constant 0 : i32
      %dma_wait3A_239 = tpu.memref_slice %arg18[%add3A_63, %dma_wait3A_238] : memref<10000x128xf32, #tpu.memory_space<vmem_shared>> -> memref<40x128xf32, #tpu.memory_space<vmem_shared>>
      tpu.wait_dma2 semaphore(%run_scoped3A : memref<!tpu.dma_semaphore, #tpu.memory_space<semaphore_mem>>) src(%arg15 : memref<40x128xf32, #tpu.memory_space<vmem>>) dst(%dma_wait3A_239 : memref<40x128xf32, #tpu.memory_space<vmem_shared>>)
      tpu.yield
    }) : () -> ()
    %mul3A_64 = arith.constant 624 : i32
    %mul3A_65 = arith.muli %arg1, %mul3A_64 : i32
    %add3A_66 = arith.constant 560 : i32
    %add3A_67 = arith.addi %mul3A_65, %add3A_66 : i32
    "tpu.region"() ({
      %run_scoped3A = tpu.sem_alloc : memref<!tpu.dma_semaphore, #tpu.memory_space<semaphore_mem>>
      %dma_start3A = arith.constant 0 : i32
      %dma_start3A_234 = tpu.memref_slice %arg18[%add3A_67, %dma_start3A] : memref<10000x128xf32, #tpu.memory_space<vmem_shared>> -> memref<40x128xf32, #tpu.memory_space<vmem_shared>>
      %dma_start3A_235 = arith.constant 0 : i32
      %dma_start3A_236 = tpu.memref_slice %arg18[%add3A_67, %dma_start3A_235] : memref<10000x128xf32, #tpu.memory_space<vmem_shared>> -> memref<40x128xf32, #tpu.memory_space<vmem_shared>>
      tpu.enqueue_dma source(%arg15 : memref<40x128xf32, #tpu.memory_space<vmem>>) target(%dma_start3A_236 : memref<40x128xf32, #tpu.memory_space<vmem_shared>>) target_semaphore(%run_scoped3A : memref<!tpu.dma_semaphore, #tpu.memory_space<semaphore_mem>>)
      %dma_wait3A = arith.constant 0 : i32
      %dma_wait3A_237 = tpu.memref_slice %arg18[%add3A_67, %dma_wait3A] : memref<10000x128xf32, #tpu.memory_space<vmem_shared>> -> memref<40x128xf32, #tpu.memory_space<vmem_shared>>
      %dma_wait3A_238 = arith.constant 0 : i32
      %dma_wait3A_239 = tpu.memref_slice %arg18[%add3A_67, %dma_wait3A_238] : memref<10000x128xf32, #tpu.memory_space<vmem_shared>> -> memref<40x128xf32, #tpu.memory_space<vmem_shared>>
      tpu.wait_dma2 semaphore(%run_scoped3A : memref<!tpu.dma_semaphore, #tpu.memory_space<semaphore_mem>>) src(%arg15 : memref<40x128xf32, #tpu.memory_space<vmem>>) dst(%dma_wait3A_239 : memref<40x128xf32, #tpu.memory_space<vmem_shared>>)
      tpu.yield
    }) : () -> ()
    %mul3A_68 = arith.constant 624 : i32
    %mul3A_69 = arith.muli %arg1, %mul3A_68 : i32
    %add3A_70 = arith.constant 600 : i32
    %add3A_71 = arith.addi %mul3A_69, %add3A_70 : i32
    "tpu.region"() ({
      %run_scoped3A = tpu.sem_alloc : memref<!tpu.dma_semaphore, #tpu.memory_space<semaphore_mem>>
      %dma_start3A = arith.constant 0 : i32
      %dma_start3A_234 = arith.constant 0 : i32
      %dma_start3A_235 = tpu.memref_slice %arg15[%dma_start3A, %dma_start3A_234] : memref<40x128xf32, #tpu.memory_space<vmem>> -> memref<24x128xf32, #tpu.memory_space<vmem>>
      %dma_start3A_236 = arith.constant 0 : i32
      %dma_start3A_237 = tpu.memref_slice %arg18[%add3A_71, %dma_start3A_236] : memref<10000x128xf32, #tpu.memory_space<vmem_shared>> -> memref<24x128xf32, #tpu.memory_space<vmem_shared>>
      %dma_start3A_238 = arith.constant 0 : i32
      %dma_start3A_239 = tpu.memref_slice %arg18[%add3A_71, %dma_start3A_238] : memref<10000x128xf32, #tpu.memory_space<vmem_shared>> -> memref<24x128xf32, #tpu.memory_space<vmem_shared>>
      %dma_start3A_240 = arith.constant 0 : i32
      %dma_start3A_241 = arith.constant 0 : i32
      %dma_start3A_242 = tpu.memref_slice %arg15[%dma_start3A_240, %dma_start3A_241] : memref<40x128xf32, #tpu.memory_space<vmem>> -> memref<24x128xf32, #tpu.memory_space<vmem>>
      tpu.enqueue_dma source(%dma_start3A_242 : memref<24x128xf32, #tpu.memory_space<vmem>>) target(%dma_start3A_239 : memref<24x128xf32, #tpu.memory_space<vmem_shared>>) target_semaphore(%run_scoped3A : memref<!tpu.dma_semaphore, #tpu.memory_space<semaphore_mem>>)
      %dma_wait3A = arith.constant 0 : i32
      %dma_wait3A_243 = arith.constant 0 : i32
      %dma_wait3A_244 = tpu.memref_slice %arg15[%dma_wait3A, %dma_wait3A_243] : memref<40x128xf32, #tpu.memory_space<vmem>> -> memref<24x128xf32, #tpu.memory_space<vmem>>
      %dma_wait3A_245 = arith.constant 0 : i32
      %dma_wait3A_246 = tpu.memref_slice %arg18[%add3A_71, %dma_wait3A_245] : memref<10000x128xf32, #tpu.memory_space<vmem_shared>> -> memref<24x128xf32, #tpu.memory_space<vmem_shared>>
      %dma_wait3A_247 = arith.constant 0 : i32
      %dma_wait3A_248 = tpu.memref_slice %arg18[%add3A_71, %dma_wait3A_247] : memref<10000x128xf32, #tpu.memory_space<vmem_shared>> -> memref<24x128xf32, #tpu.memory_space<vmem_shared>>
      %dma_wait3A_249 = arith.constant 0 : i32
      %dma_wait3A_250 = arith.constant 0 : i32
      %dma_wait3A_251 = tpu.memref_slice %arg15[%dma_wait3A_249, %dma_wait3A_250] : memref<40x128xf32, #tpu.memory_space<vmem>> -> memref<24x128xf32, #tpu.memory_space<vmem>>
      tpu.wait_dma2 semaphore(%run_scoped3A : memref<!tpu.dma_semaphore, #tpu.memory_space<semaphore_mem>>) src(%dma_wait3A_251 : memref<24x128xf32, #tpu.memory_space<vmem>>) dst(%dma_wait3A_248 : memref<24x128xf32, #tpu.memory_space<vmem_shared>>)
      tpu.yield
    }) : () -> ()
    %scan3A_72 = arith.constant 0 : i32
    %scan3A_73 = arith.constant 39 : i32
    %scan3A_74 = arith.addi %scan3A_72, %scan3A_73 : i32
    %scan3A_75 = arith.constant 1 : i32
    scf.for %scan3A_234 = %scan3A_72 to %scan3A_74 step %scan3A_75  : i32 {
      %mul3A_235 = arith.constant 1 : i32
      %mul3A_236 = arith.muli %scan3A_234, %mul3A_235 : i32
      %add3A_237 = arith.constant 0 : i32
      %add3A_238 = arith.addi %add3A_237, %mul3A_236 : i32
      %mul3A_239 = arith.constant 16 : i32
      %mul3A_240 = arith.muli %add3A_238, %mul3A_239 : i32
      %swap3A_241 = arith.index_cast %mul3A_240 : i32 to index
      %swap3A_242 = tpu.vector_load %arg17[%swap3A_241] {strides = array<i32>} : memref<624xf32, #tpu.memory_space<vmem>>, vector<16xf32>,
      tpu.vector_store %arg17[%swap3A_241], %broadcast_in_dim3A_1 {strides = array<i32>} : memref<624xf32, #tpu.memory_space<vmem>>, vector<16xf32>,
    }
    %scan3A_76 = arith.constant 39 : i32
    %mul3A_77 = arith.constant 624 : i32
    %mul3A_78 = arith.muli %arg1, %mul3A_77 : i32
    "tpu.region"() ({
      %run_scoped3A = tpu.sem_alloc : memref<!tpu.dma_semaphore, #tpu.memory_space<semaphore_mem>>
      %dma_start3A = tpu.memref_slice %arg19[%mul3A_78] : memref<10000xf32, #tpu.memory_space<vmem_shared>> -> memref<624xf32, #tpu.memory_space<vmem_shared>>
      %dma_start3A_234 = tpu.memref_slice %arg19[%mul3A_78] : memref<10000xf32, #tpu.memory_space<vmem_shared>> -> memref<624xf32, #tpu.memory_space<vmem_shared>>
      tpu.enqueue_dma source(%arg17 : memref<624xf32, #tpu.memory_space<vmem>>) target(%dma_start3A_234 : memref<624xf32, #tpu.memory_space<vmem_shared>>) target_semaphore(%run_scoped3A : memref<!tpu.dma_semaphore, #tpu.memory_space<semaphore_mem>>)
      %dma_wait3A = tpu.memref_slice %arg19[%mul3A_78] : memref<10000xf32, #tpu.memory_space<vmem_shared>> -> memref<624xf32, #tpu.memory_space<vmem_shared>>
      %dma_wait3A_235 = tpu.memref_slice %arg19[%mul3A_78] : memref<10000xf32, #tpu.memory_space<vmem_shared>> -> memref<624xf32, #tpu.memory_space<vmem_shared>>
      tpu.wait_dma2 semaphore(%run_scoped3A : memref<!tpu.dma_semaphore, #tpu.memory_space<semaphore_mem>>) src(%arg17 : memref<624xf32, #tpu.memory_space<vmem>>) dst(%dma_wait3A_235 : memref<624xf32, #tpu.memory_space<vmem_shared>>)
      tpu.yield
    }) : () -> ()
    %eq3A = arith.constant 0 : i32
    %eq3A_79 = arith.cmpi eq, %arg1, %eq3A : i32
    %convert_element_type3A = arith.extui %eq3A_79 : i1 to i32
    %cond3A = arith.constant 0 : i32
    %cond3A_80 = arith.cmpi ne, %convert_element_type3A, %cond3A : i32
    scf.if %cond3A_80 {
      "tpu.region"() ({
        %run_scoped3A = tpu.sem_alloc : memref<!tpu.dma_semaphore, #tpu.memory_space<semaphore_mem>>
        %dma_start3A = arith.constant 0 : i32
        %dma_start3A_234 = arith.constant 0 : i32
        %dma_start3A_235 = tpu.memref_slice %arg15[%dma_start3A, %dma_start3A_234] : memref<40x128xf32, #tpu.memory_space<vmem>> -> memref<16x128xf32, #tpu.memory_space<vmem>>
        %dma_start3A_236 = arith.constant 9984 : i32
        %dma_start3A_237 = arith.constant 0 : i32
        %dma_start3A_238 = tpu.memref_slice %arg18[%dma_start3A_236, %dma_start3A_237] : memref<10000x128xf32, #tpu.memory_space<vmem_shared>> -> memref<16x128xf32, #tpu.memory_space<vmem_shared>>
        %dma_start3A_239 = arith.constant 9984 : i32
        %dma_start3A_240 = arith.constant 0 : i32
        %dma_start3A_241 = tpu.memref_slice %arg18[%dma_start3A_239, %dma_start3A_240] : memref<10000x128xf32, #tpu.memory_space<vmem_shared>> -> memref<16x128xf32, #tpu.memory_space<vmem_shared>>
        %dma_start3A_242 = arith.constant 0 : i32
        %dma_start3A_243 = arith.constant 0 : i32
        %dma_start3A_244 = tpu.memref_slice %arg15[%dma_start3A_242, %dma_start3A_243] : memref<40x128xf32, #tpu.memory_space<vmem>> -> memref<16x128xf32, #tpu.memory_space<vmem>>
        tpu.enqueue_dma source(%dma_start3A_244 : memref<16x128xf32, #tpu.memory_space<vmem>>) target(%dma_start3A_241 : memref<16x128xf32, #tpu.memory_space<vmem_shared>>) target_semaphore(%run_scoped3A : memref<!tpu.dma_semaphore, #tpu.memory_space<semaphore_mem>>)
        %dma_wait3A = arith.constant 0 : i32
        %dma_wait3A_245 = arith.constant 0 : i32
        %dma_wait3A_246 = tpu.memref_slice %arg15[%dma_wait3A, %dma_wait3A_245] : memref<40x128xf32, #tpu.memory_space<vmem>> -> memref<16x128xf32, #tpu.memory_space<vmem>>
        %dma_wait3A_247 = arith.constant 9984 : i32
        %dma_wait3A_248 = arith.constant 0 : i32
        %dma_wait3A_249 = tpu.memref_slice %arg18[%dma_wait3A_247, %dma_wait3A_248] : memref<10000x128xf32, #tpu.memory_space<vmem_shared>> -> memref<16x128xf32, #tpu.memory_space<vmem_shared>>
        %dma_wait3A_250 = arith.constant 9984 : i32
        %dma_wait3A_251 = arith.constant 0 : i32
        %dma_wait3A_252 = tpu.memref_slice %arg18[%dma_wait3A_250, %dma_wait3A_251] : memref<10000x128xf32, #tpu.memory_space<vmem_shared>> -> memref<16x128xf32, #tpu.memory_space<vmem_shared>>
        %dma_wait3A_253 = arith.constant 0 : i32
        %dma_wait3A_254 = arith.constant 0 : i32
        %dma_wait3A_255 = tpu.memref_slice %arg15[%dma_wait3A_253, %dma_wait3A_254] : memref<40x128xf32, #tpu.memory_space<vmem>> -> memref<16x128xf32, #tpu.memory_space<vmem>>
        tpu.wait_dma2 semaphore(%run_scoped3A : memref<!tpu.dma_semaphore, #tpu.memory_space<semaphore_mem>>) src(%dma_wait3A_255 : memref<16x128xf32, #tpu.memory_space<vmem>>) dst(%dma_wait3A_252 : memref<16x128xf32, #tpu.memory_space<vmem_shared>>)
        tpu.yield
      }) : () -> ()
      "tpu.region"() ({
        %run_scoped3A = tpu.sem_alloc : memref<!tpu.dma_semaphore, #tpu.memory_space<semaphore_mem>>
        %dma_start3A = arith.constant 0 : i32
        %dma_start3A_234 = tpu.memref_slice %arg17[%dma_start3A] : memref<624xf32, #tpu.memory_space<vmem>> -> memref<16xf32, #tpu.memory_space<vmem>>
        %dma_start3A_235 = arith.constant 9984 : i32
        %dma_start3A_236 = tpu.memref_slice %arg19[%dma_start3A_235] : memref<10000xf32, #tpu.memory_space<vmem_shared>> -> memref<16xf32, #tpu.memory_space<vmem_shared>>
        %dma_start3A_237 = arith.constant 9984 : i32
        %dma_start3A_238 = tpu.memref_slice %arg19[%dma_start3A_237] : memref<10000xf32, #tpu.memory_space<vmem_shared>> -> memref<16xf32, #tpu.memory_space<vmem_shared>>
        %dma_start3A_239 = arith.constant 0 : i32
        %dma_start3A_240 = tpu.memref_slice %arg17[%dma_start3A_239] : memref<624xf32, #tpu.memory_space<vmem>> -> memref<16xf32, #tpu.memory_space<vmem>>
        tpu.enqueue_dma source(%dma_start3A_240 : memref<16xf32, #tpu.memory_space<vmem>>) target(%dma_start3A_238 : memref<16xf32, #tpu.memory_space<vmem_shared>>) target_semaphore(%run_scoped3A : memref<!tpu.dma_semaphore, #tpu.memory_space<semaphore_mem>>)
        %dma_wait3A = arith.constant 0 : i32
        %dma_wait3A_241 = tpu.memref_slice %arg17[%dma_wait3A] : memref<624xf32, #tpu.memory_space<vmem>> -> memref<16xf32, #tpu.memory_space<vmem>>
        %dma_wait3A_242 = arith.constant 9984 : i32
        %dma_wait3A_243 = tpu.memref_slice %arg19[%dma_wait3A_242] : memref<10000xf32, #tpu.memory_space<vmem_shared>> -> memref<16xf32, #tpu.memory_space<vmem_shared>>
        %dma_wait3A_244 = arith.constant 9984 : i32
        %dma_wait3A_245 = tpu.memref_slice %arg19[%dma_wait3A_244] : memref<10000xf32, #tpu.memory_space<vmem_shared>> -> memref<16xf32, #tpu.memory_space<vmem_shared>>
        %dma_wait3A_246 = arith.constant 0 : i32
        %dma_wait3A_247 = tpu.memref_slice %arg17[%dma_wait3A_246] : memref<624xf32, #tpu.memory_space<vmem>> -> memref<16xf32, #tpu.memory_space<vmem>>
        tpu.wait_dma2 semaphore(%run_scoped3A : memref<!tpu.dma_semaphore, #tpu.memory_space<semaphore_mem>>) src(%dma_wait3A_247 : memref<16xf32, #tpu.memory_space<vmem>>) dst(%dma_wait3A_245 : memref<16xf32, #tpu.memory_space<vmem_shared>>)
        tpu.yield
      }) : () -> ()
    } else {
    }
    %swap3A = arith.constant 0 : index
    %swap3A_81 = tpu.vector_load %arg16[%swap3A] {strides = array<i32>} : memref<40xf32, #tpu.memory_space<vmem>>, vector<16xf32>,
    tpu.vector_store %arg16[%swap3A], %broadcast_in_dim3A_3 {strides = array<i32>} : memref<40xf32, #tpu.memory_space<vmem>>, vector<16xf32>,
    %swap3A_82 = arith.constant 16 : index
    %swap3A_83 = tpu.vector_load %arg16[%swap3A_82] {strides = array<i32>} : memref<40xf32, #tpu.memory_space<vmem>>, vector<16xf32>,
    tpu.vector_store %arg16[%swap3A_82], %broadcast_in_dim3A_3 {strides = array<i32>} : memref<40xf32, #tpu.memory_space<vmem>>, vector<16xf32>,
    %swap3A_84 = arith.constant 24 : index
    %swap3A_85 = tpu.vector_load %arg16[%swap3A_84] {strides = array<i32>} : memref<40xf32, #tpu.memory_space<vmem>>, vector<16xf32>,
    tpu.vector_store %arg16[%swap3A_84], %broadcast_in_dim3A_3 {strides = array<i32>} : memref<40xf32, #tpu.memory_space<vmem>>, vector<16xf32>,
    %barrier3A = arith.constant 0 : index
    tpu.barrier barrier_id(%barrier3A)
    %mul3A_86 = arith.constant 10000 : i32
    %mul3A_87 = arith.muli %add3A, %mul3A_86 : i32
    %scan3A_88 = arith.constant 0 : i32
    %scan3A_89 = arith.constant 250 : i32
    %scan3A_90 = arith.addi %scan3A_88, %scan3A_89 : i32
    %scan3A_91 = arith.constant 1 : i32
    scf.for %scan3A_234 = %scan3A_88 to %scan3A_90 step %scan3A_91  : i32 {
      %mul3A_235 = arith.constant 1 : i32
      %mul3A_236 = arith.muli %scan3A_234, %mul3A_235 : i32
      %add3A_237 = arith.constant 0 : i32
      %add3A_238 = arith.addi %add3A_237, %mul3A_236 : i32
      %mul3A_239 = arith.constant 40 : i32
      %mul3A_240 = arith.muli %add3A_238, %mul3A_239 : i32
      %add3A_241 = arith.addi %mul3A_87, %mul3A_240 : i32
      "tpu.region"() ({
        %run_scoped3A = tpu.sem_alloc : memref<!tpu.dma_semaphore, #tpu.memory_space<semaphore_mem>>
        %dma_start3A = tpu.memref_slice %arg2[%add3A_241] : memref<320000xi32, #tpu.memory_space<hbm>> -> memref<40xi32, #tpu.memory_space<hbm>>
        %dma_start3A_335 = tpu.memref_slice %arg2[%add3A_241] : memref<320000xi32, #tpu.memory_space<hbm>> -> memref<40xi32, #tpu.memory_space<hbm>>
        tpu.enqueue_dma source(%dma_start3A_335 : memref<40xi32, #tpu.memory_space<hbm>>) target(%arg9 : memref<40xi32, #tpu.memory_space<vmem>>) target_semaphore(%run_scoped3A : memref<!tpu.dma_semaphore, #tpu.memory_space<semaphore_mem>>)
        %dma_wait3A = tpu.memref_slice %arg2[%add3A_241] : memref<320000xi32, #tpu.memory_space<hbm>> -> memref<40xi32, #tpu.memory_space<hbm>>
        %dma_wait3A_336 = tpu.memref_slice %arg2[%add3A_241] : memref<320000xi32, #tpu.memory_space<hbm>> -> memref<40xi32, #tpu.memory_space<hbm>>
        tpu.wait_dma2 semaphore(%run_scoped3A : memref<!tpu.dma_semaphore, #tpu.memory_space<semaphore_mem>>) src(%dma_wait3A_336 : memref<40xi32, #tpu.memory_space<hbm>>) dst(%arg9 : memref<40xi32, #tpu.memory_space<vmem>>)
        tpu.yield
      }) : () -> ()
      "tpu.region"() ({
        %run_scoped3A = tpu.sem_alloc : memref<!tpu.dma_semaphore, #tpu.memory_space<semaphore_mem>>
        %dma_start3A = tpu.memref_slice %arg3[%add3A_241] : memref<320000xi32, #tpu.memory_space<hbm>> -> memref<40xi32, #tpu.memory_space<hbm>>
        %dma_start3A_335 = tpu.memref_slice %arg3[%add3A_241] : memref<320000xi32, #tpu.memory_space<hbm>> -> memref<40xi32, #tpu.memory_space<hbm>>
        tpu.enqueue_dma source(%dma_start3A_335 : memref<40xi32, #tpu.memory_space<hbm>>) target(%arg10 : memref<40xi32, #tpu.memory_space<vmem>>) target_semaphore(%run_scoped3A : memref<!tpu.dma_semaphore, #tpu.memory_space<semaphore_mem>>)
        %dma_wait3A = tpu.memref_slice %arg3[%add3A_241] : memref<320000xi32, #tpu.memory_space<hbm>> -> memref<40xi32, #tpu.memory_space<hbm>>
        %dma_wait3A_336 = tpu.memref_slice %arg3[%add3A_241] : memref<320000xi32, #tpu.memory_space<hbm>> -> memref<40xi32, #tpu.memory_space<hbm>>
        tpu.wait_dma2 semaphore(%run_scoped3A : memref<!tpu.dma_semaphore, #tpu.memory_space<semaphore_mem>>) src(%dma_wait3A_336 : memref<40xi32, #tpu.memory_space<hbm>>) dst(%arg10 : memref<40xi32, #tpu.memory_space<vmem>>)
        tpu.yield
      }) : () -> ()
      "tpu.region"() ({
        %run_scoped3A = tpu.sem_alloc : memref<!tpu.dma_semaphore, #tpu.memory_space<semaphore_mem>>
        %dma_start3A = tpu.memref_slice %arg4[%add3A_241] : memref<320000xf32, #tpu.memory_space<hbm>> -> memref<40xf32, #tpu.memory_space<hbm>>
        %dma_start3A_335 = tpu.memref_slice %arg4[%add3A_241] : memref<320000xf32, #tpu.memory_space<hbm>> -> memref<40xf32, #tpu.memory_space<hbm>>
        tpu.enqueue_dma source(%dma_start3A_335 : memref<40xf32, #tpu.memory_space<hbm>>) target(%arg11 : memref<40xf32, #tpu.memory_space<vmem>>) target_semaphore(%run_scoped3A : memref<!tpu.dma_semaphore, #tpu.memory_space<semaphore_mem>>)
        %dma_wait3A = tpu.memref_slice %arg4[%add3A_241] : memref<320000xf32, #tpu.memory_space<hbm>> -> memref<40xf32, #tpu.memory_space<hbm>>
        %dma_wait3A_336 = tpu.memref_slice %arg4[%add3A_241] : memref<320000xf32, #tpu.memory_space<hbm>> -> memref<40xf32, #tpu.memory_space<hbm>>
        tpu.wait_dma2 semaphore(%run_scoped3A : memref<!tpu.dma_semaphore, #tpu.memory_space<semaphore_mem>>) src(%dma_wait3A_336 : memref<40xf32, #tpu.memory_space<hbm>>) dst(%arg11 : memref<40xf32, #tpu.memory_space<vmem>>)
        tpu.yield
      }) : () -> ()
      "tpu.region"() ({
        %run_scoped3A = tpu.sem_alloc : memref<!tpu.dma_semaphore, #tpu.memory_space<semaphore_mem>>
        %dma_start3A = tpu.memref_slice %arg5[%add3A_241] : memref<320000xf32, #tpu.memory_space<hbm>> -> memref<40xf32, #tpu.memory_space<hbm>>
        %dma_start3A_335 = tpu.memref_slice %arg5[%add3A_241] : memref<320000xf32, #tpu.memory_space<hbm>> -> memref<40xf32, #tpu.memory_space<hbm>>
        tpu.enqueue_dma source(%dma_start3A_335 : memref<40xf32, #tpu.memory_space<hbm>>) target(%arg12 : memref<40xf32, #tpu.memory_space<vmem>>) target_semaphore(%run_scoped3A : memref<!tpu.dma_semaphore, #tpu.memory_space<semaphore_mem>>)
        %dma_wait3A = tpu.memref_slice %arg5[%add3A_241] : memref<320000xf32, #tpu.memory_space<hbm>> -> memref<40xf32, #tpu.memory_space<hbm>>
        %dma_wait3A_336 = tpu.memref_slice %arg5[%add3A_241] : memref<320000xf32, #tpu.memory_space<hbm>> -> memref<40xf32, #tpu.memory_space<hbm>>
        tpu.wait_dma2 semaphore(%run_scoped3A : memref<!tpu.dma_semaphore, #tpu.memory_space<semaphore_mem>>) src(%dma_wait3A_336 : memref<40xf32, #tpu.memory_space<hbm>>) dst(%arg12 : memref<40xf32, #tpu.memory_space<vmem>>)
        tpu.yield
      }) : () -> ()
      %get3A = arith.constant 0 : index
      %get3A_242 = tpu.vector_load %arg11[%get3A] {strides = array<i32>} : memref<40xf32, #tpu.memory_space<vmem>>, vector<16xf32>,
      %get3A_243 = arith.constant 0 : index
      %get3A_244 = tpu.vector_load %arg12[%get3A_243] {strides = array<i32>} : memref<40xf32, #tpu.memory_space<vmem>>, vector<16xf32>,
      %sub3A = arith.constant 1.000000e+00 : f32
      %sub3A_245 = vector.broadcast %sub3A : f32 to vector<16xf32>
      %sub3A_246 = arith.subf %sub3A_245, %get3A_242 : vector<16xf32>
      %sub3A_247 = arith.constant 1.000000e+00 : f32
      %sub3A_248 = vector.broadcast %sub3A_247 : f32 to vector<16xf32>
      %sub3A_249 = arith.subf %sub3A_248, %get3A_244 : vector<16xf32>
      %mul3A_250 = arith.mulf %sub3A_246, %sub3A_249 : vector<16xf32>
      %swap3A_251 = arith.constant 0 : i32
      %swap3A_252 = arith.index_cast %swap3A_251 : i32 to index
      %swap3A_253 = arith.constant 0 : index
      %swap3A_254 = tpu.vector_load %arg13[%swap3A_252, %swap3A_253] {strides = array<i32>} : memref<4x56xf32, #tpu.memory_space<vmem>>, vector<16xf32>,
      tpu.vector_store %arg13[%swap3A_252, %swap3A_253], %mul3A_250 {strides = array<i32>} : memref<4x56xf32, #tpu.memory_space<vmem>>, vector<16xf32>,
      %mul3A_255 = arith.mulf %sub3A_246, %get3A_244 : vector<16xf32>
      %swap3A_256 = arith.constant 1 : i32
      %swap3A_257 = arith.index_cast %swap3A_256 : i32 to index
      %swap3A_258 = arith.constant 0 : index
      %swap3A_259 = tpu.vector_load %arg13[%swap3A_257, %swap3A_258] {strides = array<i32>} : memref<4x56xf32, #tpu.memory_space<vmem>>, vector<16xf32>,
      tpu.vector_store %arg13[%swap3A_257, %swap3A_258], %mul3A_255 {strides = array<i32>} : memref<4x56xf32, #tpu.memory_space<vmem>>, vector<16xf32>,
      %mul3A_260 = arith.mulf %get3A_242, %sub3A_249 : vector<16xf32>
      %swap3A_261 = arith.constant 2 : i32
      %swap3A_262 = arith.index_cast %swap3A_261 : i32 to index
      %swap3A_263 = arith.constant 0 : index
      %swap3A_264 = tpu.vector_load %arg13[%swap3A_262, %swap3A_263] {strides = array<i32>} : memref<4x56xf32, #tpu.memory_space<vmem>>, vector<16xf32>,
      tpu.vector_store %arg13[%swap3A_262, %swap3A_263], %mul3A_260 {strides = array<i32>} : memref<4x56xf32, #tpu.memory_space<vmem>>, vector<16xf32>,
      %mul3A_265 = arith.mulf %get3A_242, %get3A_244 : vector<16xf32>
      %swap3A_266 = arith.constant 3 : i32
      %swap3A_267 = arith.index_cast %swap3A_266 : i32 to index
      %swap3A_268 = arith.constant 0 : index
      %swap3A_269 = tpu.vector_load %arg13[%swap3A_267, %swap3A_268] {strides = array<i32>} : memref<4x56xf32, #tpu.memory_space<vmem>>, vector<16xf32>,
      tpu.vector_store %arg13[%swap3A_267, %swap3A_268], %mul3A_265 {strides = array<i32>} : memref<4x56xf32, #tpu.memory_space<vmem>>, vector<16xf32>,
      %get3A_270 = arith.constant 16 : index
      %get3A_271 = tpu.vector_load %arg11[%get3A_270] {strides = array<i32>} : memref<40xf32, #tpu.memory_space<vmem>>, vector<16xf32>,
      %get3A_272 = arith.constant 16 : index
      %get3A_273 = tpu.vector_load %arg12[%get3A_272] {strides = array<i32>} : memref<40xf32, #tpu.memory_space<vmem>>, vector<16xf32>,
      %sub3A_274 = arith.constant 1.000000e+00 : f32
      %sub3A_275 = vector.broadcast %sub3A_274 : f32 to vector<16xf32>
      %sub3A_276 = arith.subf %sub3A_275, %get3A_271 : vector<16xf32>
      %sub3A_277 = arith.constant 1.000000e+00 : f32
      %sub3A_278 = vector.broadcast %sub3A_277 : f32 to vector<16xf32>
      %sub3A_279 = arith.subf %sub3A_278, %get3A_273 : vector<16xf32>
      %mul3A_280 = arith.mulf %sub3A_276, %sub3A_279 : vector<16xf32>
      %swap3A_281 = arith.constant 0 : i32
      %swap3A_282 = arith.index_cast %swap3A_281 : i32 to index
      %swap3A_283 = arith.constant 16 : index
      %swap3A_284 = tpu.vector_load %arg13[%swap3A_282, %swap3A_283] {strides = array<i32>} : memref<4x56xf32, #tpu.memory_space<vmem>>, vector<16xf32>,
      tpu.vector_store %arg13[%swap3A_282, %swap3A_283], %mul3A_280 {strides = array<i32>} : memref<4x56xf32, #tpu.memory_space<vmem>>, vector<16xf32>,
      %mul3A_285 = arith.mulf %sub3A_276, %get3A_273 : vector<16xf32>
      %swap3A_286 = arith.constant 1 : i32
      %swap3A_287 = arith.index_cast %swap3A_286 : i32 to index
      %swap3A_288 = arith.constant 16 : index
      %swap3A_289 = tpu.vector_load %arg13[%swap3A_287, %swap3A_288] {strides = array<i32>} : memref<4x56xf32, #tpu.memory_space<vmem>>, vector<16xf32>,
      tpu.vector_store %arg13[%swap3A_287, %swap3A_288], %mul3A_285 {strides = array<i32>} : memref<4x56xf32, #tpu.memory_space<vmem>>, vector<16xf32>,
      %mul3A_290 = arith.mulf %get3A_271, %sub3A_279 : vector<16xf32>
      %swap3A_291 = arith.constant 2 : i32
      %swap3A_292 = arith.index_cast %swap3A_291 : i32 to index
      %swap3A_293 = arith.constant 16 : index
      %swap3A_294 = tpu.vector_load %arg13[%swap3A_292, %swap3A_293] {strides = array<i32>} : memref<4x56xf32, #tpu.memory_space<vmem>>, vector<16xf32>,
      tpu.vector_store %arg13[%swap3A_292, %swap3A_293], %mul3A_290 {strides = array<i32>} : memref<4x56xf32, #tpu.memory_space<vmem>>, vector<16xf32>,
      %mul3A_295 = arith.mulf %get3A_271, %get3A_273 : vector<16xf32>
      %swap3A_296 = arith.constant 3 : i32
      %swap3A_297 = arith.index_cast %swap3A_296 : i32 to index
      %swap3A_298 = arith.constant 16 : index
      %swap3A_299 = tpu.vector_load %arg13[%swap3A_297, %swap3A_298] {strides = array<i32>} : memref<4x56xf32, #tpu.memory_space<vmem>>, vector<16xf32>,
      tpu.vector_store %arg13[%swap3A_297, %swap3A_298], %mul3A_295 {strides = array<i32>} : memref<4x56xf32, #tpu.memory_space<vmem>>, vector<16xf32>,
      %get3A_300 = arith.constant 24 : index
      %get3A_301 = tpu.vector_load %arg11[%get3A_300] {strides = array<i32>} : memref<40xf32, #tpu.memory_space<vmem>>, vector<16xf32>,
      %get3A_302 = arith.constant 24 : index
      %get3A_303 = tpu.vector_load %arg12[%get3A_302] {strides = array<i32>} : memref<40xf32, #tpu.memory_space<vmem>>, vector<16xf32>,
      %sub3A_304 = arith.constant 1.000000e+00 : f32
      %sub3A_305 = vector.broadcast %sub3A_304 : f32 to vector<16xf32>
      %sub3A_306 = arith.subf %sub3A_305, %get3A_301 : vector<16xf32>
      %sub3A_307 = arith.constant 1.000000e+00 : f32
      %sub3A_308 = vector.broadcast %sub3A_307 : f32 to vector<16xf32>
      %sub3A_309 = arith.subf %sub3A_308, %get3A_303 : vector<16xf32>
      %mul3A_310 = arith.mulf %sub3A_306, %sub3A_309 : vector<16xf32>
      %swap3A_311 = arith.constant 0 : i32
      %swap3A_312 = arith.index_cast %swap3A_311 : i32 to index
      %swap3A_313 = arith.constant 24 : index
      %swap3A_314 = tpu.vector_load %arg13[%swap3A_312, %swap3A_313] {strides = array<i32>} : memref<4x56xf32, #tpu.memory_space<vmem>>, vector<16xf32>,
      tpu.vector_store %arg13[%swap3A_312, %swap3A_313], %mul3A_310 {strides = array<i32>} : memref<4x56xf32, #tpu.memory_space<vmem>>, vector<16xf32>,
      %mul3A_315 = arith.mulf %sub3A_306, %get3A_303 : vector<16xf32>
      %swap3A_316 = arith.constant 1 : i32
      %swap3A_317 = arith.index_cast %swap3A_316 : i32 to index
      %swap3A_318 = arith.constant 24 : index
      %swap3A_319 = tpu.vector_load %arg13[%swap3A_317, %swap3A_318] {strides = array<i32>} : memref<4x56xf32, #tpu.memory_space<vmem>>, vector<16xf32>,
      tpu.vector_store %arg13[%swap3A_317, %swap3A_318], %mul3A_315 {strides = array<i32>} : memref<4x56xf32, #tpu.memory_space<vmem>>, vector<16xf32>,
      %mul3A_320 = arith.mulf %get3A_301, %sub3A_309 : vector<16xf32>
      %swap3A_321 = arith.constant 2 : i32
      %swap3A_322 = arith.index_cast %swap3A_321 : i32 to index
      %swap3A_323 = arith.constant 24 : index
      %swap3A_324 = tpu.vector_load %arg13[%swap3A_322, %swap3A_323] {strides = array<i32>} : memref<4x56xf32, #tpu.memory_space<vmem>>, vector<16xf32>,
      tpu.vector_store %arg13[%swap3A_322, %swap3A_323], %mul3A_320 {strides = array<i32>} : memref<4x56xf32, #tpu.memory_space<vmem>>, vector<16xf32>,
      %mul3A_325 = arith.mulf %get3A_301, %get3A_303 : vector<16xf32>
      %swap3A_326 = arith.constant 3 : i32
      %swap3A_327 = arith.index_cast %swap3A_326 : i32 to index
      %swap3A_328 = arith.constant 24 : index
      %swap3A_329 = tpu.vector_load %arg13[%swap3A_327, %swap3A_328] {strides = array<i32>} : memref<4x56xf32, #tpu.memory_space<vmem>>, vector<16xf32>,
      tpu.vector_store %arg13[%swap3A_327, %swap3A_328], %mul3A_325 {strides = array<i32>} : memref<4x56xf32, #tpu.memory_space<vmem>>, vector<16xf32>,
      "tpu.region"() ({
        %run_scoped3A = tpu.sem_alloc : memref<!tpu.dma_semaphore, #tpu.memory_space<semaphore_mem>>
        %dma_start3A = arith.constant 0 : i32
        %dma_start3A_335 = arith.constant 0 : i32
        %dma_start3A_336 = tpu.memref_slice %arg6[%dma_start3A, %dma_start3A_335] : memref<10000x512xf32, #tpu.memory_space<hbm>> -> memref<10000x512xf32, #tpu.memory_space<hbm>>
        tpu.enqueue_indirect_dma source(%dma_start3A_336 : memref<10000x512xf32, #tpu.memory_space<hbm>>) target(%arg14 : memref<40x512xf32, #tpu.memory_space<vmem>>) offsets(%arg9 : memref<40xi32, #tpu.memory_space<vmem>>) semaphore(%run_scoped3A : memref<!tpu.dma_semaphore, #tpu.memory_space<semaphore_mem>>)
        %dma_wait3A = arith.constant 0 : i32
        %dma_wait3A_337 = arith.constant 0 : i32
        %dma_wait3A_338 = tpu.memref_slice %arg6[%dma_wait3A, %dma_wait3A_337] : memref<10000x512xf32, #tpu.memory_space<hbm>> -> memref<10000x512xf32, #tpu.memory_space<hbm>>
        tpu.wait_indirect_dma semaphore(%run_scoped3A : memref<!tpu.dma_semaphore, #tpu.memory_space<semaphore_mem>>) src(%dma_wait3A_338 : memref<10000x512xf32, #tpu.memory_space<hbm>>) dst(%arg14 : memref<40x512xf32, #tpu.memory_space<vmem>>)
        tpu.yield
      }) : () -> ()
      %scan3A_330 = arith.constant 0 : i32
      %scan3A_331 = arith.constant 40 : i32
      %scan3A_332 = arith.addi %scan3A_330, %scan3A_331 : i32
      %scan3A_333 = arith.constant 1 : i32
      scf.for %scan3A_335 = %scan3A_330 to %scan3A_332 step %scan3A_333  : i32 {
        %mul3A_336 = arith.constant 1 : i32
        %mul3A_337 = arith.muli %scan3A_335, %mul3A_336 : i32
        %add3A_338 = arith.constant 0 : i32
        %add3A_339 = arith.addi %add3A_338, %mul3A_337 : i32
        %get3A_340 = arith.constant 0 : i32
        %get3A_341 = arith.index_cast %get3A_340 : i32 to index
        %get3A_342 = arith.index_cast %add3A_339 : i32 to index
        %get3A_343 = tpu.vector_load %arg13[%get3A_341, %get3A_342] {strides = array<i32>} : memref<4x56xf32, #tpu.memory_space<vmem>>, vector<16xf32>,
        %slice3A = vector.extract_strided_slice %get3A_343 {offsets = [0], sizes = [1], strides = [1]} : vector<16xf32> to vector<1xf32>
        %squeeze3A = vector.extract %slice3A[0] : f32 from vector<1xf32>
        %get3A_344 = arith.constant 1 : i32
        %get3A_345 = arith.index_cast %get3A_344 : i32 to index
        %get3A_346 = arith.index_cast %add3A_339 : i32 to index
        %get3A_347 = tpu.vector_load %arg13[%get3A_345, %get3A_346] {strides = array<i32>} : memref<4x56xf32, #tpu.memory_space<vmem>>, vector<16xf32>,
        %slice3A_348 = vector.extract_strided_slice %get3A_347 {offsets = [0], sizes = [1], strides = [1]} : vector<16xf32> to vector<1xf32>
        %squeeze3A_349 = vector.extract %slice3A_348[0] : f32 from vector<1xf32>
        %get3A_350 = arith.constant 2 : i32
        %get3A_351 = arith.index_cast %get3A_350 : i32 to index
        %get3A_352 = arith.index_cast %add3A_339 : i32 to index
        %get3A_353 = tpu.vector_load %arg13[%get3A_351, %get3A_352] {strides = array<i32>} : memref<4x56xf32, #tpu.memory_space<vmem>>, vector<16xf32>,
        %slice3A_354 = vector.extract_strided_slice %get3A_353 {offsets = [0], sizes = [1], strides = [1]} : vector<16xf32> to vector<1xf32>
        %squeeze3A_355 = vector.extract %slice3A_354[0] : f32 from vector<1xf32>
        %get3A_356 = arith.constant 3 : i32
        %get3A_357 = arith.index_cast %get3A_356 : i32 to index
        %get3A_358 = arith.index_cast %add3A_339 : i32 to index
        %get3A_359 = tpu.vector_load %arg13[%get3A_357, %get3A_358] {strides = array<i32>} : memref<4x56xf32, #tpu.memory_space<vmem>>, vector<16xf32>,
        %slice3A_360 = vector.extract_strided_slice %get3A_359 {offsets = [0], sizes = [1], strides = [1]} : vector<16xf32> to vector<1xf32>
        %squeeze3A_361 = vector.extract %slice3A_360[0] : f32 from vector<1xf32>
        %get3A_362 = arith.index_cast %add3A_339 : i32 to index
        %get3A_363 = arith.constant 0 : index
        %get3A_364 = tpu.vector_load %arg14[%get3A_362, %get3A_363] {strides = array<i32>} : memref<40x512xf32, #tpu.memory_space<vmem>>, vector<16xf32>,
        %mul3A_365 = vector.broadcast %squeeze3A : f32 to vector<16xf32>
        %mul3A_366 = arith.mulf %mul3A_365, %get3A_364 : vector<16xf32>
        %get3A_367 = arith.index_cast %add3A_339 : i32 to index
        %get3A_368 = arith.constant 128 : index
        %get3A_369 = tpu.vector_load %arg14[%get3A_367, %get3A_368] {strides = array<i32>} : memref<40x512xf32, #tpu.memory_space<vmem>>, vector<16xf32>,
        %mul3A_370 = vector.broadcast %squeeze3A_349 : f32 to vector<16xf32>
        %mul3A_371 = arith.mulf %mul3A_370, %get3A_369 : vector<16xf32>
        %add3A_372 = arith.addf %mul3A_366, %mul3A_371 : vector<16xf32>
        %get3A_373 = arith.index_cast %add3A_339 : i32 to index
        %get3A_374 = arith.constant 256 : index
        %get3A_375 = tpu.vector_load %arg14[%get3A_373, %get3A_374] {strides = array<i32>} : memref<40x512xf32, #tpu.memory_space<vmem>>, vector<16xf32>,
        %mul3A_376 = vector.broadcast %squeeze3A_355 : f32 to vector<16xf32>
        %mul3A_377 = arith.mulf %mul3A_376, %get3A_375 : vector<16xf32>
        %add3A_378 = arith.addf %add3A_372, %mul3A_377 : vector<16xf32>
        %get3A_379 = arith.index_cast %add3A_339 : i32 to index
        %get3A_380 = arith.constant 384 : index
        %get3A_381 = tpu.vector_load %arg14[%get3A_379, %get3A_380] {strides = array<i32>} : memref<40x512xf32, #tpu.memory_space<vmem>>, vector<16xf32>,
        %mul3A_382 = vector.broadcast %squeeze3A_361 : f32 to vector<16xf32>
        %mul3A_383 = arith.mulf %mul3A_382, %get3A_381 : vector<16xf32>
        %add3A_384 = arith.addf %add3A_378, %mul3A_383 : vector<16xf32>
        %swap3A_385 = arith.index_cast %add3A_339 : i32 to index
        %swap3A_386 = arith.constant 0 : index
        %swap3A_387 = tpu.vector_load %arg15[%swap3A_385, %swap3A_386] {strides = array<i32>} : memref<40x128xf32, #tpu.memory_space<vmem>>, vector<16xf32>,
        tpu.vector_store %arg15[%swap3A_385, %swap3A_386], %add3A_384 {strides = array<i32>} : memref<40x128xf32, #tpu.memory_space<vmem>>, vector<16xf32>,
        %get3A_388 = arith.index_cast %add3A_339 : i32 to index
        %get3A_389 = arith.constant 16 : index
        %get3A_390 = tpu.vector_load %arg14[%get3A_388, %get3A_389] {strides = array<i32>} : memref<40x512xf32, #tpu.memory_space<vmem>>, vector<16xf32>,
        %mul3A_391 = vector.broadcast %squeeze3A : f32 to vector<16xf32>
        %mul3A_392 = arith.mulf %mul3A_391, %get3A_390 : vector<16xf32>
        %get3A_393 = arith.index_cast %add3A_339 : i32 to index
        %get3A_394 = arith.constant 144 : index
        %get3A_395 = tpu.vector_load %arg14[%get3A_393, %get3A_394] {strides = array<i32>} : memref<40x512xf32, #tpu.memory_space<vmem>>, vector<16xf32>,
        %mul3A_396 = vector.broadcast %squeeze3A_349 : f32 to vector<16xf32>
        %mul3A_397 = arith.mulf %mul3A_396, %get3A_395 : vector<16xf32>
        %add3A_398 = arith.addf %mul3A_392, %mul3A_397 : vector<16xf32>
        %get3A_399 = arith.index_cast %add3A_339 : i32 to index
        %get3A_400 = arith.constant 272 : index
        %get3A_401 = tpu.vector_load %arg14[%get3A_399, %get3A_400] {strides = array<i32>} : memref<40x512xf32, #tpu.memory_space<vmem>>, vector<16xf32>,
        %mul3A_402 = vector.broadcast %squeeze3A_355 : f32 to vector<16xf32>
        %mul3A_403 = arith.mulf %mul3A_402, %get3A_401 : vector<16xf32>
        %add3A_404 = arith.addf %add3A_398, %mul3A_403 : vector<16xf32>
        %get3A_405 = arith.index_cast %add3A_339 : i32 to index
        %get3A_406 = arith.constant 400 : index
        %get3A_407 = tpu.vector_load %arg14[%get3A_405, %get3A_406] {strides = array<i32>} : memref<40x512xf32, #tpu.memory_space<vmem>>, vector<16xf32>,
        %mul3A_408 = vector.broadcast %squeeze3A_361 : f32 to vector<16xf32>
        %mul3A_409 = arith.mulf %mul3A_408, %get3A_407 : vector<16xf32>
        %add3A_410 = arith.addf %add3A_404, %mul3A_409 : vector<16xf32>
        %swap3A_411 = arith.index_cast %add3A_339 : i32 to index
        %swap3A_412 = arith.constant 16 : index
        %swap3A_413 = tpu.vector_load %arg15[%swap3A_411, %swap3A_412] {strides = array<i32>} : memref<40x128xf32, #tpu.memory_space<vmem>>, vector<16xf32>,
        tpu.vector_store %arg15[%swap3A_411, %swap3A_412], %add3A_410 {strides = array<i32>} : memref<40x128xf32, #tpu.memory_space<vmem>>, vector<16xf32>,
        %get3A_414 = arith.index_cast %add3A_339 : i32 to index
        %get3A_415 = arith.constant 32 : index
        %get3A_416 = tpu.vector_load %arg14[%get3A_414, %get3A_415] {strides = array<i32>} : memref<40x512xf32, #tpu.memory_space<vmem>>, vector<16xf32>,
        %mul3A_417 = vector.broadcast %squeeze3A : f32 to vector<16xf32>
        %mul3A_418 = arith.mulf %mul3A_417, %get3A_416 : vector<16xf32>
        %get3A_419 = arith.index_cast %add3A_339 : i32 to index
        %get3A_420 = arith.constant 160 : index
        %get3A_421 = tpu.vector_load %arg14[%get3A_419, %get3A_420] {strides = array<i32>} : memref<40x512xf32, #tpu.memory_space<vmem>>, vector<16xf32>,
        %mul3A_422 = vector.broadcast %squeeze3A_349 : f32 to vector<16xf32>
        %mul3A_423 = arith.mulf %mul3A_422, %get3A_421 : vector<16xf32>
        %add3A_424 = arith.addf %mul3A_418, %mul3A_423 : vector<16xf32>
        %get3A_425 = arith.index_cast %add3A_339 : i32 to index
        %get3A_426 = arith.constant 288 : index
        %get3A_427 = tpu.vector_load %arg14[%get3A_425, %get3A_426] {strides = array<i32>} : memref<40x512xf32, #tpu.memory_space<vmem>>, vector<16xf32>,
        %mul3A_428 = vector.broadcast %squeeze3A_355 : f32 to vector<16xf32>
        %mul3A_429 = arith.mulf %mul3A_428, %get3A_427 : vector<16xf32>
        %add3A_430 = arith.addf %add3A_424, %mul3A_429 : vector<16xf32>
        %get3A_431 = arith.index_cast %add3A_339 : i32 to index
        %get3A_432 = arith.constant 416 : index
        %get3A_433 = tpu.vector_load %arg14[%get3A_431, %get3A_432] {strides = array<i32>} : memref<40x512xf32, #tpu.memory_space<vmem>>, vector<16xf32>,
        %mul3A_434 = vector.broadcast %squeeze3A_361 : f32 to vector<16xf32>
        %mul3A_435 = arith.mulf %mul3A_434, %get3A_433 : vector<16xf32>
        %add3A_436 = arith.addf %add3A_430, %mul3A_435 : vector<16xf32>
        %swap3A_437 = arith.index_cast %add3A_339 : i32 to index
        %swap3A_438 = arith.constant 32 : index
        %swap3A_439 = tpu.vector_load %arg15[%swap3A_437, %swap3A_438] {strides = array<i32>} : memref<40x128xf32, #tpu.memory_space<vmem>>, vector<16xf32>,
        tpu.vector_store %arg15[%swap3A_437, %swap3A_438], %add3A_436 {strides = array<i32>} : memref<40x128xf32, #tpu.memory_space<vmem>>, vector<16xf32>,
        %get3A_440 = arith.index_cast %add3A_339 : i32 to index
        %get3A_441 = arith.constant 48 : index
        %get3A_442 = tpu.vector_load %arg14[%get3A_440, %get3A_441] {strides = array<i32>} : memref<40x512xf32, #tpu.memory_space<vmem>>, vector<16xf32>,
        %mul3A_443 = vector.broadcast %squeeze3A : f32 to vector<16xf32>
        %mul3A_444 = arith.mulf %mul3A_443, %get3A_442 : vector<16xf32>
        %get3A_445 = arith.index_cast %add3A_339 : i32 to index
        %get3A_446 = arith.constant 176 : index
        %get3A_447 = tpu.vector_load %arg14[%get3A_445, %get3A_446] {strides = array<i32>} : memref<40x512xf32, #tpu.memory_space<vmem>>, vector<16xf32>,
        %mul3A_448 = vector.broadcast %squeeze3A_349 : f32 to vector<16xf32>
        %mul3A_449 = arith.mulf %mul3A_448, %get3A_447 : vector<16xf32>
        %add3A_450 = arith.addf %mul3A_444, %mul3A_449 : vector<16xf32>
        %get3A_451 = arith.index_cast %add3A_339 : i32 to index
        %get3A_452 = arith.constant 304 : index
        %get3A_453 = tpu.vector_load %arg14[%get3A_451, %get3A_452] {strides = array<i32>} : memref<40x512xf32, #tpu.memory_space<vmem>>, vector<16xf32>,
        %mul3A_454 = vector.broadcast %squeeze3A_355 : f32 to vector<16xf32>
        %mul3A_455 = arith.mulf %mul3A_454, %get3A_453 : vector<16xf32>
        %add3A_456 = arith.addf %add3A_450, %mul3A_455 : vector<16xf32>
        %get3A_457 = arith.index_cast %add3A_339 : i32 to index
        %get3A_458 = arith.constant 432 : index
        %get3A_459 = tpu.vector_load %arg14[%get3A_457, %get3A_458] {strides = array<i32>} : memref<40x512xf32, #tpu.memory_space<vmem>>, vector<16xf32>,
        %mul3A_460 = vector.broadcast %squeeze3A_361 : f32 to vector<16xf32>
        %mul3A_461 = arith.mulf %mul3A_460, %get3A_459 : vector<16xf32>
        %add3A_462 = arith.addf %add3A_456, %mul3A_461 : vector<16xf32>
        %swap3A_463 = arith.index_cast %add3A_339 : i32 to index
        %swap3A_464 = arith.constant 48 : index
        %swap3A_465 = tpu.vector_load %arg15[%swap3A_463, %swap3A_464] {strides = array<i32>} : memref<40x128xf32, #tpu.memory_space<vmem>>, vector<16xf32>,
        tpu.vector_store %arg15[%swap3A_463, %swap3A_464], %add3A_462 {strides = array<i32>} : memref<40x128xf32, #tpu.memory_space<vmem>>, vector<16xf32>,
        %get3A_466 = arith.index_cast %add3A_339 : i32 to index
        %get3A_467 = arith.constant 64 : index
        %get3A_468 = tpu.vector_load %arg14[%get3A_466, %get3A_467] {strides = array<i32>} : memref<40x512xf32, #tpu.memory_space<vmem>>, vector<16xf32>,
        %mul3A_469 = vector.broadcast %squeeze3A : f32 to vector<16xf32>
        %mul3A_470 = arith.mulf %mul3A_469, %get3A_468 : vector<16xf32>
        %get3A_471 = arith.index_cast %add3A_339 : i32 to index
        %get3A_472 = arith.constant 192 : index
        %get3A_473 = tpu.vector_load %arg14[%get3A_471, %get3A_472] {strides = array<i32>} : memref<40x512xf32, #tpu.memory_space<vmem>>, vector<16xf32>,
        %mul3A_474 = vector.broadcast %squeeze3A_349 : f32 to vector<16xf32>
        %mul3A_475 = arith.mulf %mul3A_474, %get3A_473 : vector<16xf32>
        %add3A_476 = arith.addf %mul3A_470, %mul3A_475 : vector<16xf32>
        %get3A_477 = arith.index_cast %add3A_339 : i32 to index
        %get3A_478 = arith.constant 320 : index
        %get3A_479 = tpu.vector_load %arg14[%get3A_477, %get3A_478] {strides = array<i32>} : memref<40x512xf32, #tpu.memory_space<vmem>>, vector<16xf32>,
        %mul3A_480 = vector.broadcast %squeeze3A_355 : f32 to vector<16xf32>
        %mul3A_481 = arith.mulf %mul3A_480, %get3A_479 : vector<16xf32>
        %add3A_482 = arith.addf %add3A_476, %mul3A_481 : vector<16xf32>
        %get3A_483 = arith.index_cast %add3A_339 : i32 to index
        %get3A_484 = arith.constant 448 : index
        %get3A_485 = tpu.vector_load %arg14[%get3A_483, %get3A_484] {strides = array<i32>} : memref<40x512xf32, #tpu.memory_space<vmem>>, vector<16xf32>,
        %mul3A_486 = vector.broadcast %squeeze3A_361 : f32 to vector<16xf32>
        %mul3A_487 = arith.mulf %mul3A_486, %get3A_485 : vector<16xf32>
        %add3A_488 = arith.addf %add3A_482, %mul3A_487 : vector<16xf32>
        %swap3A_489 = arith.index_cast %add3A_339 : i32 to index
        %swap3A_490 = arith.constant 64 : index
        %swap3A_491 = tpu.vector_load %arg15[%swap3A_489, %swap3A_490] {strides = array<i32>} : memref<40x128xf32, #tpu.memory_space<vmem>>, vector<16xf32>,
        tpu.vector_store %arg15[%swap3A_489, %swap3A_490], %add3A_488 {strides = array<i32>} : memref<40x128xf32, #tpu.memory_space<vmem>>, vector<16xf32>,
        %get3A_492 = arith.index_cast %add3A_339 : i32 to index
        %get3A_493 = arith.constant 80 : index
        %get3A_494 = tpu.vector_load %arg14[%get3A_492, %get3A_493] {strides = array<i32>} : memref<40x512xf32, #tpu.memory_space<vmem>>, vector<16xf32>,
        %mul3A_495 = vector.broadcast %squeeze3A : f32 to vector<16xf32>
        %mul3A_496 = arith.mulf %mul3A_495, %get3A_494 : vector<16xf32>
        %get3A_497 = arith.index_cast %add3A_339 : i32 to index
        %get3A_498 = arith.constant 208 : index
        %get3A_499 = tpu.vector_load %arg14[%get3A_497, %get3A_498] {strides = array<i32>} : memref<40x512xf32, #tpu.memory_space<vmem>>, vector<16xf32>,
        %mul3A_500 = vector.broadcast %squeeze3A_349 : f32 to vector<16xf32>
        %mul3A_501 = arith.mulf %mul3A_500, %get3A_499 : vector<16xf32>
        %add3A_502 = arith.addf %mul3A_496, %mul3A_501 : vector<16xf32>
        %get3A_503 = arith.index_cast %add3A_339 : i32 to index
        %get3A_504 = arith.constant 336 : index
        %get3A_505 = tpu.vector_load %arg14[%get3A_503, %get3A_504] {strides = array<i32>} : memref<40x512xf32, #tpu.memory_space<vmem>>, vector<16xf32>,
        %mul3A_506 = vector.broadcast %squeeze3A_355 : f32 to vector<16xf32>
        %mul3A_507 = arith.mulf %mul3A_506, %get3A_505 : vector<16xf32>
        %add3A_508 = arith.addf %add3A_502, %mul3A_507 : vector<16xf32>
        %get3A_509 = arith.index_cast %add3A_339 : i32 to index
        %get3A_510 = arith.constant 464 : index
        %get3A_511 = tpu.vector_load %arg14[%get3A_509, %get3A_510] {strides = array<i32>} : memref<40x512xf32, #tpu.memory_space<vmem>>, vector<16xf32>,
        %mul3A_512 = vector.broadcast %squeeze3A_361 : f32 to vector<16xf32>
        %mul3A_513 = arith.mulf %mul3A_512, %get3A_511 : vector<16xf32>
        %add3A_514 = arith.addf %add3A_508, %mul3A_513 : vector<16xf32>
        %swap3A_515 = arith.index_cast %add3A_339 : i32 to index
        %swap3A_516 = arith.constant 80 : index
        %swap3A_517 = tpu.vector_load %arg15[%swap3A_515, %swap3A_516] {strides = array<i32>} : memref<40x128xf32, #tpu.memory_space<vmem>>, vector<16xf32>,
        tpu.vector_store %arg15[%swap3A_515, %swap3A_516], %add3A_514 {strides = array<i32>} : memref<40x128xf32, #tpu.memory_space<vmem>>, vector<16xf32>,
        %get3A_518 = arith.index_cast %add3A_339 : i32 to index
        %get3A_519 = arith.constant 96 : index
        %get3A_520 = tpu.vector_load %arg14[%get3A_518, %get3A_519] {strides = array<i32>} : memref<40x512xf32, #tpu.memory_space<vmem>>, vector<16xf32>,
        %mul3A_521 = vector.broadcast %squeeze3A : f32 to vector<16xf32>
        %mul3A_522 = arith.mulf %mul3A_521, %get3A_520 : vector<16xf32>
        %get3A_523 = arith.index_cast %add3A_339 : i32 to index
        %get3A_524 = arith.constant 224 : index
        %get3A_525 = tpu.vector_load %arg14[%get3A_523, %get3A_524] {strides = array<i32>} : memref<40x512xf32, #tpu.memory_space<vmem>>, vector<16xf32>,
        %mul3A_526 = vector.broadcast %squeeze3A_349 : f32 to vector<16xf32>
        %mul3A_527 = arith.mulf %mul3A_526, %get3A_525 : vector<16xf32>
        %add3A_528 = arith.addf %mul3A_522, %mul3A_527 : vector<16xf32>
        %get3A_529 = arith.index_cast %add3A_339 : i32 to index
        %get3A_530 = arith.constant 352 : index
        %get3A_531 = tpu.vector_load %arg14[%get3A_529, %get3A_530] {strides = array<i32>} : memref<40x512xf32, #tpu.memory_space<vmem>>, vector<16xf32>,
        %mul3A_532 = vector.broadcast %squeeze3A_355 : f32 to vector<16xf32>
        %mul3A_533 = arith.mulf %mul3A_532, %get3A_531 : vector<16xf32>
        %add3A_534 = arith.addf %add3A_528, %mul3A_533 : vector<16xf32>
        %get3A_535 = arith.index_cast %add3A_339 : i32 to index
        %get3A_536 = arith.constant 480 : index
        %get3A_537 = tpu.vector_load %arg14[%get3A_535, %get3A_536] {strides = array<i32>} : memref<40x512xf32, #tpu.memory_space<vmem>>, vector<16xf32>,
        %mul3A_538 = vector.broadcast %squeeze3A_361 : f32 to vector<16xf32>
        %mul3A_539 = arith.mulf %mul3A_538, %get3A_537 : vector<16xf32>
        %add3A_540 = arith.addf %add3A_534, %mul3A_539 : vector<16xf32>
        %swap3A_541 = arith.index_cast %add3A_339 : i32 to index
        %swap3A_542 = arith.constant 96 : index
        %swap3A_543 = tpu.vector_load %arg15[%swap3A_541, %swap3A_542] {strides = array<i32>} : memref<40x128xf32, #tpu.memory_space<vmem>>, vector<16xf32>,
        tpu.vector_store %arg15[%swap3A_541, %swap3A_542], %add3A_540 {strides = array<i32>} : memref<40x128xf32, #tpu.memory_space<vmem>>, vector<16xf32>,
        %get3A_544 = arith.index_cast %add3A_339 : i32 to index
        %get3A_545 = arith.constant 112 : index
        %get3A_546 = tpu.vector_load %arg14[%get3A_544, %get3A_545] {strides = array<i32>} : memref<40x512xf32, #tpu.memory_space<vmem>>, vector<16xf32>,
        %mul3A_547 = vector.broadcast %squeeze3A : f32 to vector<16xf32>
        %mul3A_548 = arith.mulf %mul3A_547, %get3A_546 : vector<16xf32>
        %get3A_549 = arith.index_cast %add3A_339 : i32 to index
        %get3A_550 = arith.constant 240 : index
        %get3A_551 = tpu.vector_load %arg14[%get3A_549, %get3A_550] {strides = array<i32>} : memref<40x512xf32, #tpu.memory_space<vmem>>, vector<16xf32>,
        %mul3A_552 = vector.broadcast %squeeze3A_349 : f32 to vector<16xf32>
        %mul3A_553 = arith.mulf %mul3A_552, %get3A_551 : vector<16xf32>
        %add3A_554 = arith.addf %mul3A_548, %mul3A_553 : vector<16xf32>
        %get3A_555 = arith.index_cast %add3A_339 : i32 to index
        %get3A_556 = arith.constant 368 : index
        %get3A_557 = tpu.vector_load %arg14[%get3A_555, %get3A_556] {strides = array<i32>} : memref<40x512xf32, #tpu.memory_space<vmem>>, vector<16xf32>,
        %mul3A_558 = vector.broadcast %squeeze3A_355 : f32 to vector<16xf32>
        %mul3A_559 = arith.mulf %mul3A_558, %get3A_557 : vector<16xf32>
        %add3A_560 = arith.addf %add3A_554, %mul3A_559 : vector<16xf32>
        %get3A_561 = arith.index_cast %add3A_339 : i32 to index
        %get3A_562 = arith.constant 496 : index
        %get3A_563 = tpu.vector_load %arg14[%get3A_561, %get3A_562] {strides = array<i32>} : memref<40x512xf32, #tpu.memory_space<vmem>>, vector<16xf32>,
        %mul3A_564 = vector.broadcast %squeeze3A_361 : f32 to vector<16xf32>
        %mul3A_565 = arith.mulf %mul3A_564, %get3A_563 : vector<16xf32>
        %add3A_566 = arith.addf %add3A_560, %mul3A_565 : vector<16xf32>
        %swap3A_567 = arith.index_cast %add3A_339 : i32 to index
        %swap3A_568 = arith.constant 112 : index
        %swap3A_569 = tpu.vector_load %arg15[%swap3A_567, %swap3A_568] {strides = array<i32>} : memref<40x128xf32, #tpu.memory_space<vmem>>, vector<16xf32>,
        tpu.vector_store %arg15[%swap3A_567, %swap3A_568], %add3A_566 {strides = array<i32>} : memref<40x128xf32, #tpu.memory_space<vmem>>, vector<16xf32>,
      }
      %scan3A_334 = arith.constant 40 : i32
      "tpu.region"() ({
        %run_scoped3A = tpu.sem_alloc : memref<!tpu.dma_semaphore, #tpu.memory_space<semaphore_mem>>
        %dma_start3A = arith.constant 0 : i32
        %dma_start3A_335 = arith.constant 0 : i32
        %dma_start3A_336 = tpu.memref_slice %arg18[%dma_start3A, %dma_start3A_335] : memref<10000x128xf32, #tpu.memory_space<vmem_shared>> -> memref<10000x128xf32, #tpu.memory_space<vmem_shared>>
        tpu.enqueue_indirect_dma source(%arg15 : memref<40x128xf32, #tpu.memory_space<vmem>>) target(%dma_start3A_336 : memref<10000x128xf32, #tpu.memory_space<vmem_shared>>) offsets(%arg10 : memref<40xi32, #tpu.memory_space<vmem>>) semaphore(%run_scoped3A : memref<!tpu.dma_semaphore, #tpu.memory_space<semaphore_mem>>) {add = true}
        %dma_wait3A = arith.constant 0 : i32
        %dma_wait3A_337 = arith.constant 0 : i32
        %dma_wait3A_338 = tpu.memref_slice %arg18[%dma_wait3A, %dma_wait3A_337] : memref<10000x128xf32, #tpu.memory_space<vmem_shared>> -> memref<10000x128xf32, #tpu.memory_space<vmem_shared>>
        tpu.wait_indirect_dma semaphore(%run_scoped3A : memref<!tpu.dma_semaphore, #tpu.memory_space<semaphore_mem>>) src(%arg15 : memref<40x128xf32, #tpu.memory_space<vmem>>) dst(%dma_wait3A_338 : memref<10000x128xf32, #tpu.memory_space<vmem_shared>>)
        tpu.yield
      }) : () -> ()
      "tpu.region"() ({
        %run_scoped3A = tpu.sem_alloc : memref<!tpu.dma_semaphore, #tpu.memory_space<semaphore_mem>>
        %dma_start3A = arith.constant 0 : i32
        %dma_start3A_335 = tpu.memref_slice %arg19[%dma_start3A] : memref<10000xf32, #tpu.memory_space<vmem_shared>> -> memref<10000xf32, #tpu.memory_space<vmem_shared>>
        tpu.enqueue_indirect_dma source(%arg16 : memref<40xf32, #tpu.memory_space<vmem>>) target(%dma_start3A_335 : memref<10000xf32, #tpu.memory_space<vmem_shared>>) offsets(%arg10 : memref<40xi32, #tpu.memory_space<vmem>>) semaphore(%run_scoped3A : memref<!tpu.dma_semaphore, #tpu.memory_space<semaphore_mem>>) {add = true}
        %dma_wait3A = arith.constant 0 : i32
        %dma_wait3A_336 = tpu.memref_slice %arg19[%dma_wait3A] : memref<10000xf32, #tpu.memory_space<vmem_shared>> -> memref<10000xf32, #tpu.memory_space<vmem_shared>>
        tpu.wait_indirect_dma semaphore(%run_scoped3A : memref<!tpu.dma_semaphore, #tpu.memory_space<semaphore_mem>>) src(%arg16 : memref<40xf32, #tpu.memory_space<vmem>>) dst(%dma_wait3A_336 : memref<10000xf32, #tpu.memory_space<vmem_shared>>)
        tpu.yield
      }) : () -> ()
    }
    %scan3A_92 = arith.constant 250 : i32
    %barrier3A_93 = arith.constant 0 : index
    tpu.barrier barrier_id(%barrier3A_93)
    %mul3A_94 = arith.constant 624 : i32
    %mul3A_95 = arith.muli %arg1, %mul3A_94 : i32
    %add3A_96 = arith.constant 0 : i32
    %add3A_97 = arith.addi %mul3A_95, %add3A_96 : i32
    "tpu.region"() ({
      %run_scoped3A = tpu.sem_alloc : memref<!tpu.dma_semaphore, #tpu.memory_space<semaphore_mem>>
      %dma_start3A = arith.constant 0 : i32
      %dma_start3A_234 = tpu.memref_slice %arg18[%add3A_97, %dma_start3A] : memref<10000x128xf32, #tpu.memory_space<vmem_shared>> -> memref<40x128xf32, #tpu.memory_space<vmem_shared>>
      %dma_start3A_235 = arith.constant 0 : i32
      %dma_start3A_236 = tpu.memref_slice %arg18[%add3A_97, %dma_start3A_235] : memref<10000x128xf32, #tpu.memory_space<vmem_shared>> -> memref<40x128xf32, #tpu.memory_space<vmem_shared>>
      tpu.enqueue_dma source(%dma_start3A_236 : memref<40x128xf32, #tpu.memory_space<vmem_shared>>) target(%arg15 : memref<40x128xf32, #tpu.memory_space<vmem>>) target_semaphore(%run_scoped3A : memref<!tpu.dma_semaphore, #tpu.memory_space<semaphore_mem>>)
      %dma_wait3A = arith.constant 0 : i32
      %dma_wait3A_237 = tpu.memref_slice %arg18[%add3A_97, %dma_wait3A] : memref<10000x128xf32, #tpu.memory_space<vmem_shared>> -> memref<40x128xf32, #tpu.memory_space<vmem_shared>>
      %dma_wait3A_238 = arith.constant 0 : i32
      %dma_wait3A_239 = tpu.memref_slice %arg18[%add3A_97, %dma_wait3A_238] : memref<10000x128xf32, #tpu.memory_space<vmem_shared>> -> memref<40x128xf32, #tpu.memory_space<vmem_shared>>
      tpu.wait_dma2 semaphore(%run_scoped3A : memref<!tpu.dma_semaphore, #tpu.memory_space<semaphore_mem>>) src(%dma_wait3A_239 : memref<40x128xf32, #tpu.memory_space<vmem_shared>>) dst(%arg15 : memref<40x128xf32, #tpu.memory_space<vmem>>)
      tpu.yield
    }) : () -> ()
    %mul3A_98 = arith.constant 624 : i32
    %mul3A_99 = arith.muli %arg1, %mul3A_98 : i32
    %add3A_100 = arith.constant 0 : i32
    %add3A_101 = arith.addi %mul3A_99, %add3A_100 : i32
    "tpu.region"() ({
      %run_scoped3A = tpu.sem_alloc : memref<!tpu.dma_semaphore, #tpu.memory_space<semaphore_mem>>
      %dma_start3A = arith.constant 0 : i32
      %dma_start3A_234 = tpu.memref_slice %arg7[%arg0, %add3A_101, %dma_start3A] : memref<2x10000x128xf32, #tpu.memory_space<hbm>> -> memref<1x40x128xf32, #tpu.memory_space<hbm>>
      %dma_start3A_235 = tpu.memref_squeeze %dma_start3A_234 : memref<1x40x128xf32, #tpu.memory_space<hbm>> -> memref<40x128xf32, #tpu.memory_space<hbm>>
      %dma_start3A_236 = arith.constant 0 : i32
      %dma_start3A_237 = tpu.memref_slice %arg7[%arg0, %add3A_101, %dma_start3A_236] : memref<2x10000x128xf32, #tpu.memory_space<hbm>> -> memref<1x40x128xf32, #tpu.memory_space<hbm>>
      %dma_start3A_238 = tpu.memref_squeeze %dma_start3A_237 : memref<1x40x128xf32, #tpu.memory_space<hbm>> -> memref<40x128xf32, #tpu.memory_space<hbm>>
      tpu.enqueue_dma source(%arg15 : memref<40x128xf32, #tpu.memory_space<vmem>>) target(%dma_start3A_238 : memref<40x128xf32, #tpu.memory_space<hbm>>) target_semaphore(%run_scoped3A : memref<!tpu.dma_semaphore, #tpu.memory_space<semaphore_mem>>)
      %dma_wait3A = arith.constant 0 : i32
      %dma_wait3A_239 = tpu.memref_slice %arg7[%arg0, %add3A_101, %dma_wait3A] : memref<2x10000x128xf32, #tpu.memory_space<hbm>> -> memref<1x40x128xf32, #tpu.memory_space<hbm>>
      %dma_wait3A_240 = tpu.memref_squeeze %dma_wait3A_239 : memref<1x40x128xf32, #tpu.memory_space<hbm>> -> memref<40x128xf32, #tpu.memory_space<hbm>>
      %dma_wait3A_241 = arith.constant 0 : i32
      %dma_wait3A_242 = tpu.memref_slice %arg7[%arg0, %add3A_101, %dma_wait3A_241] : memref<2x10000x128xf32, #tpu.memory_space<hbm>> -> memref<1x40x128xf32, #tpu.memory_space<hbm>>
      %dma_wait3A_243 = tpu.memref_squeeze %dma_wait3A_242 : memref<1x40x128xf32, #tpu.memory_space<hbm>> -> memref<40x128xf32, #tpu.memory_space<hbm>>
      tpu.wait_dma2 semaphore(%run_scoped3A : memref<!tpu.dma_semaphore, #tpu.memory_space<semaphore_mem>>) src(%arg15 : memref<40x128xf32, #tpu.memory_space<vmem>>) dst(%dma_wait3A_243 : memref<40x128xf32, #tpu.memory_space<hbm>>)
      tpu.yield
    }) : () -> ()
    %mul3A_102 = arith.constant 624 : i32
    %mul3A_103 = arith.muli %arg1, %mul3A_102 : i32
    %add3A_104 = arith.constant 40 : i32
    %add3A_105 = arith.addi %mul3A_103, %add3A_104 : i32
    "tpu.region"() ({
      %run_scoped3A = tpu.sem_alloc : memref<!tpu.dma_semaphore, #tpu.memory_space<semaphore_mem>>
      %dma_start3A = arith.constant 0 : i32
      %dma_start3A_234 = tpu.memref_slice %arg18[%add3A_105, %dma_start3A] : memref<10000x128xf32, #tpu.memory_space<vmem_shared>> -> memref<40x128xf32, #tpu.memory_space<vmem_shared>>
      %dma_start3A_235 = arith.constant 0 : i32
      %dma_start3A_236 = tpu.memref_slice %arg18[%add3A_105, %dma_start3A_235] : memref<10000x128xf32, #tpu.memory_space<vmem_shared>> -> memref<40x128xf32, #tpu.memory_space<vmem_shared>>
      tpu.enqueue_dma source(%dma_start3A_236 : memref<40x128xf32, #tpu.memory_space<vmem_shared>>) target(%arg15 : memref<40x128xf32, #tpu.memory_space<vmem>>) target_semaphore(%run_scoped3A : memref<!tpu.dma_semaphore, #tpu.memory_space<semaphore_mem>>)
      %dma_wait3A = arith.constant 0 : i32
      %dma_wait3A_237 = tpu.memref_slice %arg18[%add3A_105, %dma_wait3A] : memref<10000x128xf32, #tpu.memory_space<vmem_shared>> -> memref<40x128xf32, #tpu.memory_space<vmem_shared>>
      %dma_wait3A_238 = arith.constant 0 : i32
      %dma_wait3A_239 = tpu.memref_slice %arg18[%add3A_105, %dma_wait3A_238] : memref<10000x128xf32, #tpu.memory_space<vmem_shared>> -> memref<40x128xf32, #tpu.memory_space<vmem_shared>>
      tpu.wait_dma2 semaphore(%run_scoped3A : memref<!tpu.dma_semaphore, #tpu.memory_space<semaphore_mem>>) src(%dma_wait3A_239 : memref<40x128xf32, #tpu.memory_space<vmem_shared>>) dst(%arg15 : memref<40x128xf32, #tpu.memory_space<vmem>>)
      tpu.yield
    }) : () -> ()
    %mul3A_106 = arith.constant 624 : i32
    %mul3A_107 = arith.muli %arg1, %mul3A_106 : i32
    %add3A_108 = arith.constant 40 : i32
    %add3A_109 = arith.addi %mul3A_107, %add3A_108 : i32
    "tpu.region"() ({
      %run_scoped3A = tpu.sem_alloc : memref<!tpu.dma_semaphore, #tpu.memory_space<semaphore_mem>>
      %dma_start3A = arith.constant 0 : i32
      %dma_start3A_234 = tpu.memref_slice %arg7[%arg0, %add3A_109, %dma_start3A] : memref<2x10000x128xf32, #tpu.memory_space<hbm>> -> memref<1x40x128xf32, #tpu.memory_space<hbm>>
      %dma_start3A_235 = tpu.memref_squeeze %dma_start3A_234 : memref<1x40x128xf32, #tpu.memory_space<hbm>> -> memref<40x128xf32, #tpu.memory_space<hbm>>
      %dma_start3A_236 = arith.constant 0 : i32
      %dma_start3A_237 = tpu.memref_slice %arg7[%arg0, %add3A_109, %dma_start3A_236] : memref<2x10000x128xf32, #tpu.memory_space<hbm>> -> memref<1x40x128xf32, #tpu.memory_space<hbm>>
      %dma_start3A_238 = tpu.memref_squeeze %dma_start3A_237 : memref<1x40x128xf32, #tpu.memory_space<hbm>> -> memref<40x128xf32, #tpu.memory_space<hbm>>
      tpu.enqueue_dma source(%arg15 : memref<40x128xf32, #tpu.memory_space<vmem>>) target(%dma_start3A_238 : memref<40x128xf32, #tpu.memory_space<hbm>>) target_semaphore(%run_scoped3A : memref<!tpu.dma_semaphore, #tpu.memory_space<semaphore_mem>>)
      %dma_wait3A = arith.constant 0 : i32
      %dma_wait3A_239 = tpu.memref_slice %arg7[%arg0, %add3A_109, %dma_wait3A] : memref<2x10000x128xf32, #tpu.memory_space<hbm>> -> memref<1x40x128xf32, #tpu.memory_space<hbm>>
      %dma_wait3A_240 = tpu.memref_squeeze %dma_wait3A_239 : memref<1x40x128xf32, #tpu.memory_space<hbm>> -> memref<40x128xf32, #tpu.memory_space<hbm>>
      %dma_wait3A_241 = arith.constant 0 : i32
      %dma_wait3A_242 = tpu.memref_slice %arg7[%arg0, %add3A_109, %dma_wait3A_241] : memref<2x10000x128xf32, #tpu.memory_space<hbm>> -> memref<1x40x128xf32, #tpu.memory_space<hbm>>
      %dma_wait3A_243 = tpu.memref_squeeze %dma_wait3A_242 : memref<1x40x128xf32, #tpu.memory_space<hbm>> -> memref<40x128xf32, #tpu.memory_space<hbm>>
      tpu.wait_dma2 semaphore(%run_scoped3A : memref<!tpu.dma_semaphore, #tpu.memory_space<semaphore_mem>>) src(%arg15 : memref<40x128xf32, #tpu.memory_space<vmem>>) dst(%dma_wait3A_243 : memref<40x128xf32, #tpu.memory_space<hbm>>)
      tpu.yield
    }) : () -> ()
    %mul3A_110 = arith.constant 624 : i32
    %mul3A_111 = arith.muli %arg1, %mul3A_110 : i32
    %add3A_112 = arith.constant 80 : i32
    %add3A_113 = arith.addi %mul3A_111, %add3A_112 : i32
    "tpu.region"() ({
      %run_scoped3A = tpu.sem_alloc : memref<!tpu.dma_semaphore, #tpu.memory_space<semaphore_mem>>
      %dma_start3A = arith.constant 0 : i32
      %dma_start3A_234 = tpu.memref_slice %arg18[%add3A_113, %dma_start3A] : memref<10000x128xf32, #tpu.memory_space<vmem_shared>> -> memref<40x128xf32, #tpu.memory_space<vmem_shared>>
      %dma_start3A_235 = arith.constant 0 : i32
      %dma_start3A_236 = tpu.memref_slice %arg18[%add3A_113, %dma_start3A_235] : memref<10000x128xf32, #tpu.memory_space<vmem_shared>> -> memref<40x128xf32, #tpu.memory_space<vmem_shared>>
      tpu.enqueue_dma source(%dma_start3A_236 : memref<40x128xf32, #tpu.memory_space<vmem_shared>>) target(%arg15 : memref<40x128xf32, #tpu.memory_space<vmem>>) target_semaphore(%run_scoped3A : memref<!tpu.dma_semaphore, #tpu.memory_space<semaphore_mem>>)
      %dma_wait3A = arith.constant 0 : i32
      %dma_wait3A_237 = tpu.memref_slice %arg18[%add3A_113, %dma_wait3A] : memref<10000x128xf32, #tpu.memory_space<vmem_shared>> -> memref<40x128xf32, #tpu.memory_space<vmem_shared>>
      %dma_wait3A_238 = arith.constant 0 : i32
      %dma_wait3A_239 = tpu.memref_slice %arg18[%add3A_113, %dma_wait3A_238] : memref<10000x128xf32, #tpu.memory_space<vmem_shared>> -> memref<40x128xf32, #tpu.memory_space<vmem_shared>>
      tpu.wait_dma2 semaphore(%run_scoped3A : memref<!tpu.dma_semaphore, #tpu.memory_space<semaphore_mem>>) src(%dma_wait3A_239 : memref<40x128xf32, #tpu.memory_space<vmem_shared>>) dst(%arg15 : memref<40x128xf32, #tpu.memory_space<vmem>>)
      tpu.yield
    }) : () -> ()
    %mul3A_114 = arith.constant 624 : i32
    %mul3A_115 = arith.muli %arg1, %mul3A_114 : i32
    %add3A_116 = arith.constant 80 : i32
    %add3A_117 = arith.addi %mul3A_115, %add3A_116 : i32
    "tpu.region"() ({
      %run_scoped3A = tpu.sem_alloc : memref<!tpu.dma_semaphore, #tpu.memory_space<semaphore_mem>>
      %dma_start3A = arith.constant 0 : i32
      %dma_start3A_234 = tpu.memref_slice %arg7[%arg0, %add3A_117, %dma_start3A] : memref<2x10000x128xf32, #tpu.memory_space<hbm>> -> memref<1x40x128xf32, #tpu.memory_space<hbm>>
      %dma_start3A_235 = tpu.memref_squeeze %dma_start3A_234 : memref<1x40x128xf32, #tpu.memory_space<hbm>> -> memref<40x128xf32, #tpu.memory_space<hbm>>
      %dma_start3A_236 = arith.constant 0 : i32
      %dma_start3A_237 = tpu.memref_slice %arg7[%arg0, %add3A_117, %dma_start3A_236] : memref<2x10000x128xf32, #tpu.memory_space<hbm>> -> memref<1x40x128xf32, #tpu.memory_space<hbm>>
      %dma_start3A_238 = tpu.memref_squeeze %dma_start3A_237 : memref<1x40x128xf32, #tpu.memory_space<hbm>> -> memref<40x128xf32, #tpu.memory_space<hbm>>
      tpu.enqueue_dma source(%arg15 : memref<40x128xf32, #tpu.memory_space<vmem>>) target(%dma_start3A_238 : memref<40x128xf32, #tpu.memory_space<hbm>>) target_semaphore(%run_scoped3A : memref<!tpu.dma_semaphore, #tpu.memory_space<semaphore_mem>>)
      %dma_wait3A = arith.constant 0 : i32
      %dma_wait3A_239 = tpu.memref_slice %arg7[%arg0, %add3A_117, %dma_wait3A] : memref<2x10000x128xf32, #tpu.memory_space<hbm>> -> memref<1x40x128xf32, #tpu.memory_space<hbm>>
      %dma_wait3A_240 = tpu.memref_squeeze %dma_wait3A_239 : memref<1x40x128xf32, #tpu.memory_space<hbm>> -> memref<40x128xf32, #tpu.memory_space<hbm>>
      %dma_wait3A_241 = arith.constant 0 : i32
      %dma_wait3A_242 = tpu.memref_slice %arg7[%arg0, %add3A_117, %dma_wait3A_241] : memref<2x10000x128xf32, #tpu.memory_space<hbm>> -> memref<1x40x128xf32, #tpu.memory_space<hbm>>
      %dma_wait3A_243 = tpu.memref_squeeze %dma_wait3A_242 : memref<1x40x128xf32, #tpu.memory_space<hbm>> -> memref<40x128xf32, #tpu.memory_space<hbm>>
      tpu.wait_dma2 semaphore(%run_scoped3A : memref<!tpu.dma_semaphore, #tpu.memory_space<semaphore_mem>>) src(%arg15 : memref<40x128xf32, #tpu.memory_space<vmem>>) dst(%dma_wait3A_243 : memref<40x128xf32, #tpu.memory_space<hbm>>)
      tpu.yield
    }) : () -> ()
    %mul3A_118 = arith.constant 624 : i32
    %mul3A_119 = arith.muli %arg1, %mul3A_118 : i32
    %add3A_120 = arith.constant 120 : i32
    %add3A_121 = arith.addi %mul3A_119, %add3A_120 : i32
    "tpu.region"() ({
      %run_scoped3A = tpu.sem_alloc : memref<!tpu.dma_semaphore, #tpu.memory_space<semaphore_mem>>
      %dma_start3A = arith.constant 0 : i32
      %dma_start3A_234 = tpu.memref_slice %arg18[%add3A_121, %dma_start3A] : memref<10000x128xf32, #tpu.memory_space<vmem_shared>> -> memref<40x128xf32, #tpu.memory_space<vmem_shared>>
      %dma_start3A_235 = arith.constant 0 : i32
      %dma_start3A_236 = tpu.memref_slice %arg18[%add3A_121, %dma_start3A_235] : memref<10000x128xf32, #tpu.memory_space<vmem_shared>> -> memref<40x128xf32, #tpu.memory_space<vmem_shared>>
      tpu.enqueue_dma source(%dma_start3A_236 : memref<40x128xf32, #tpu.memory_space<vmem_shared>>) target(%arg15 : memref<40x128xf32, #tpu.memory_space<vmem>>) target_semaphore(%run_scoped3A : memref<!tpu.dma_semaphore, #tpu.memory_space<semaphore_mem>>)
      %dma_wait3A = arith.constant 0 : i32
      %dma_wait3A_237 = tpu.memref_slice %arg18[%add3A_121, %dma_wait3A] : memref<10000x128xf32, #tpu.memory_space<vmem_shared>> -> memref<40x128xf32, #tpu.memory_space<vmem_shared>>
      %dma_wait3A_238 = arith.constant 0 : i32
      %dma_wait3A_239 = tpu.memref_slice %arg18[%add3A_121, %dma_wait3A_238] : memref<10000x128xf32, #tpu.memory_space<vmem_shared>> -> memref<40x128xf32, #tpu.memory_space<vmem_shared>>
      tpu.wait_dma2 semaphore(%run_scoped3A : memref<!tpu.dma_semaphore, #tpu.memory_space<semaphore_mem>>) src(%dma_wait3A_239 : memref<40x128xf32, #tpu.memory_space<vmem_shared>>) dst(%arg15 : memref<40x128xf32, #tpu.memory_space<vmem>>)
      tpu.yield
    }) : () -> ()
    %mul3A_122 = arith.constant 624 : i32
    %mul3A_123 = arith.muli %arg1, %mul3A_122 : i32
    %add3A_124 = arith.constant 120 : i32
    %add3A_125 = arith.addi %mul3A_123, %add3A_124 : i32
    "tpu.region"() ({
      %run_scoped3A = tpu.sem_alloc : memref<!tpu.dma_semaphore, #tpu.memory_space<semaphore_mem>>
      %dma_start3A = arith.constant 0 : i32
      %dma_start3A_234 = tpu.memref_slice %arg7[%arg0, %add3A_125, %dma_start3A] : memref<2x10000x128xf32, #tpu.memory_space<hbm>> -> memref<1x40x128xf32, #tpu.memory_space<hbm>>
      %dma_start3A_235 = tpu.memref_squeeze %dma_start3A_234 : memref<1x40x128xf32, #tpu.memory_space<hbm>> -> memref<40x128xf32, #tpu.memory_space<hbm>>
      %dma_start3A_236 = arith.constant 0 : i32
      %dma_start3A_237 = tpu.memref_slice %arg7[%arg0, %add3A_125, %dma_start3A_236] : memref<2x10000x128xf32, #tpu.memory_space<hbm>> -> memref<1x40x128xf32, #tpu.memory_space<hbm>>
      %dma_start3A_238 = tpu.memref_squeeze %dma_start3A_237 : memref<1x40x128xf32, #tpu.memory_space<hbm>> -> memref<40x128xf32, #tpu.memory_space<hbm>>
      tpu.enqueue_dma source(%arg15 : memref<40x128xf32, #tpu.memory_space<vmem>>) target(%dma_start3A_238 : memref<40x128xf32, #tpu.memory_space<hbm>>) target_semaphore(%run_scoped3A : memref<!tpu.dma_semaphore, #tpu.memory_space<semaphore_mem>>)
      %dma_wait3A = arith.constant 0 : i32
      %dma_wait3A_239 = tpu.memref_slice %arg7[%arg0, %add3A_125, %dma_wait3A] : memref<2x10000x128xf32, #tpu.memory_space<hbm>> -> memref<1x40x128xf32, #tpu.memory_space<hbm>>
      %dma_wait3A_240 = tpu.memref_squeeze %dma_wait3A_239 : memref<1x40x128xf32, #tpu.memory_space<hbm>> -> memref<40x128xf32, #tpu.memory_space<hbm>>
      %dma_wait3A_241 = arith.constant 0 : i32
      %dma_wait3A_242 = tpu.memref_slice %arg7[%arg0, %add3A_125, %dma_wait3A_241] : memref<2x10000x128xf32, #tpu.memory_space<hbm>> -> memref<1x40x128xf32, #tpu.memory_space<hbm>>
      %dma_wait3A_243 = tpu.memref_squeeze %dma_wait3A_242 : memref<1x40x128xf32, #tpu.memory_space<hbm>> -> memref<40x128xf32, #tpu.memory_space<hbm>>
      tpu.wait_dma2 semaphore(%run_scoped3A : memref<!tpu.dma_semaphore, #tpu.memory_space<semaphore_mem>>) src(%arg15 : memref<40x128xf32, #tpu.memory_space<vmem>>) dst(%dma_wait3A_243 : memref<40x128xf32, #tpu.memory_space<hbm>>)
      tpu.yield
    }) : () -> ()
    %mul3A_126 = arith.constant 624 : i32
    %mul3A_127 = arith.muli %arg1, %mul3A_126 : i32
    %add3A_128 = arith.constant 160 : i32
    %add3A_129 = arith.addi %mul3A_127, %add3A_128 : i32
    "tpu.region"() ({
      %run_scoped3A = tpu.sem_alloc : memref<!tpu.dma_semaphore, #tpu.memory_space<semaphore_mem>>
      %dma_start3A = arith.constant 0 : i32
      %dma_start3A_234 = tpu.memref_slice %arg18[%add3A_129, %dma_start3A] : memref<10000x128xf32, #tpu.memory_space<vmem_shared>> -> memref<40x128xf32, #tpu.memory_space<vmem_shared>>
      %dma_start3A_235 = arith.constant 0 : i32
      %dma_start3A_236 = tpu.memref_slice %arg18[%add3A_129, %dma_start3A_235] : memref<10000x128xf32, #tpu.memory_space<vmem_shared>> -> memref<40x128xf32, #tpu.memory_space<vmem_shared>>
      tpu.enqueue_dma source(%dma_start3A_236 : memref<40x128xf32, #tpu.memory_space<vmem_shared>>) target(%arg15 : memref<40x128xf32, #tpu.memory_space<vmem>>) target_semaphore(%run_scoped3A : memref<!tpu.dma_semaphore, #tpu.memory_space<semaphore_mem>>)
      %dma_wait3A = arith.constant 0 : i32
      %dma_wait3A_237 = tpu.memref_slice %arg18[%add3A_129, %dma_wait3A] : memref<10000x128xf32, #tpu.memory_space<vmem_shared>> -> memref<40x128xf32, #tpu.memory_space<vmem_shared>>
      %dma_wait3A_238 = arith.constant 0 : i32
      %dma_wait3A_239 = tpu.memref_slice %arg18[%add3A_129, %dma_wait3A_238] : memref<10000x128xf32, #tpu.memory_space<vmem_shared>> -> memref<40x128xf32, #tpu.memory_space<vmem_shared>>
      tpu.wait_dma2 semaphore(%run_scoped3A : memref<!tpu.dma_semaphore, #tpu.memory_space<semaphore_mem>>) src(%dma_wait3A_239 : memref<40x128xf32, #tpu.memory_space<vmem_shared>>) dst(%arg15 : memref<40x128xf32, #tpu.memory_space<vmem>>)
      tpu.yield
    }) : () -> ()
    %mul3A_130 = arith.constant 624 : i32
    %mul3A_131 = arith.muli %arg1, %mul3A_130 : i32
    %add3A_132 = arith.constant 160 : i32
    %add3A_133 = arith.addi %mul3A_131, %add3A_132 : i32
    "tpu.region"() ({
      %run_scoped3A = tpu.sem_alloc : memref<!tpu.dma_semaphore, #tpu.memory_space<semaphore_mem>>
      %dma_start3A = arith.constant 0 : i32
      %dma_start3A_234 = tpu.memref_slice %arg7[%arg0, %add3A_133, %dma_start3A] : memref<2x10000x128xf32, #tpu.memory_space<hbm>> -> memref<1x40x128xf32, #tpu.memory_space<hbm>>
      %dma_start3A_235 = tpu.memref_squeeze %dma_start3A_234 : memref<1x40x128xf32, #tpu.memory_space<hbm>> -> memref<40x128xf32, #tpu.memory_space<hbm>>
      %dma_start3A_236 = arith.constant 0 : i32
      %dma_start3A_237 = tpu.memref_slice %arg7[%arg0, %add3A_133, %dma_start3A_236] : memref<2x10000x128xf32, #tpu.memory_space<hbm>> -> memref<1x40x128xf32, #tpu.memory_space<hbm>>
      %dma_start3A_238 = tpu.memref_squeeze %dma_start3A_237 : memref<1x40x128xf32, #tpu.memory_space<hbm>> -> memref<40x128xf32, #tpu.memory_space<hbm>>
      tpu.enqueue_dma source(%arg15 : memref<40x128xf32, #tpu.memory_space<vmem>>) target(%dma_start3A_238 : memref<40x128xf32, #tpu.memory_space<hbm>>) target_semaphore(%run_scoped3A : memref<!tpu.dma_semaphore, #tpu.memory_space<semaphore_mem>>)
      %dma_wait3A = arith.constant 0 : i32
      %dma_wait3A_239 = tpu.memref_slice %arg7[%arg0, %add3A_133, %dma_wait3A] : memref<2x10000x128xf32, #tpu.memory_space<hbm>> -> memref<1x40x128xf32, #tpu.memory_space<hbm>>
      %dma_wait3A_240 = tpu.memref_squeeze %dma_wait3A_239 : memref<1x40x128xf32, #tpu.memory_space<hbm>> -> memref<40x128xf32, #tpu.memory_space<hbm>>
      %dma_wait3A_241 = arith.constant 0 : i32
      %dma_wait3A_242 = tpu.memref_slice %arg7[%arg0, %add3A_133, %dma_wait3A_241] : memref<2x10000x128xf32, #tpu.memory_space<hbm>> -> memref<1x40x128xf32, #tpu.memory_space<hbm>>
      %dma_wait3A_243 = tpu.memref_squeeze %dma_wait3A_242 : memref<1x40x128xf32, #tpu.memory_space<hbm>> -> memref<40x128xf32, #tpu.memory_space<hbm>>
      tpu.wait_dma2 semaphore(%run_scoped3A : memref<!tpu.dma_semaphore, #tpu.memory_space<semaphore_mem>>) src(%arg15 : memref<40x128xf32, #tpu.memory_space<vmem>>) dst(%dma_wait3A_243 : memref<40x128xf32, #tpu.memory_space<hbm>>)
      tpu.yield
    }) : () -> ()
    %mul3A_134 = arith.constant 624 : i32
    %mul3A_135 = arith.muli %arg1, %mul3A_134 : i32
    %add3A_136 = arith.constant 200 : i32
    %add3A_137 = arith.addi %mul3A_135, %add3A_136 : i32
    "tpu.region"() ({
      %run_scoped3A = tpu.sem_alloc : memref<!tpu.dma_semaphore, #tpu.memory_space<semaphore_mem>>
      %dma_start3A = arith.constant 0 : i32
      %dma_start3A_234 = tpu.memref_slice %arg18[%add3A_137, %dma_start3A] : memref<10000x128xf32, #tpu.memory_space<vmem_shared>> -> memref<40x128xf32, #tpu.memory_space<vmem_shared>>
      %dma_start3A_235 = arith.constant 0 : i32
      %dma_start3A_236 = tpu.memref_slice %arg18[%add3A_137, %dma_start3A_235] : memref<10000x128xf32, #tpu.memory_space<vmem_shared>> -> memref<40x128xf32, #tpu.memory_space<vmem_shared>>
      tpu.enqueue_dma source(%dma_start3A_236 : memref<40x128xf32, #tpu.memory_space<vmem_shared>>) target(%arg15 : memref<40x128xf32, #tpu.memory_space<vmem>>) target_semaphore(%run_scoped3A : memref<!tpu.dma_semaphore, #tpu.memory_space<semaphore_mem>>)
      %dma_wait3A = arith.constant 0 : i32
      %dma_wait3A_237 = tpu.memref_slice %arg18[%add3A_137, %dma_wait3A] : memref<10000x128xf32, #tpu.memory_space<vmem_shared>> -> memref<40x128xf32, #tpu.memory_space<vmem_shared>>
      %dma_wait3A_238 = arith.constant 0 : i32
      %dma_wait3A_239 = tpu.memref_slice %arg18[%add3A_137, %dma_wait3A_238] : memref<10000x128xf32, #tpu.memory_space<vmem_shared>> -> memref<40x128xf32, #tpu.memory_space<vmem_shared>>
      tpu.wait_dma2 semaphore(%run_scoped3A : memref<!tpu.dma_semaphore, #tpu.memory_space<semaphore_mem>>) src(%dma_wait3A_239 : memref<40x128xf32, #tpu.memory_space<vmem_shared>>) dst(%arg15 : memref<40x128xf32, #tpu.memory_space<vmem>>)
      tpu.yield
    }) : () -> ()
    %mul3A_138 = arith.constant 624 : i32
    %mul3A_139 = arith.muli %arg1, %mul3A_138 : i32
    %add3A_140 = arith.constant 200 : i32
    %add3A_141 = arith.addi %mul3A_139, %add3A_140 : i32
    "tpu.region"() ({
      %run_scoped3A = tpu.sem_alloc : memref<!tpu.dma_semaphore, #tpu.memory_space<semaphore_mem>>
      %dma_start3A = arith.constant 0 : i32
      %dma_start3A_234 = tpu.memref_slice %arg7[%arg0, %add3A_141, %dma_start3A] : memref<2x10000x128xf32, #tpu.memory_space<hbm>> -> memref<1x40x128xf32, #tpu.memory_space<hbm>>
      %dma_start3A_235 = tpu.memref_squeeze %dma_start3A_234 : memref<1x40x128xf32, #tpu.memory_space<hbm>> -> memref<40x128xf32, #tpu.memory_space<hbm>>
      %dma_start3A_236 = arith.constant 0 : i32
      %dma_start3A_237 = tpu.memref_slice %arg7[%arg0, %add3A_141, %dma_start3A_236] : memref<2x10000x128xf32, #tpu.memory_space<hbm>> -> memref<1x40x128xf32, #tpu.memory_space<hbm>>
      %dma_start3A_238 = tpu.memref_squeeze %dma_start3A_237 : memref<1x40x128xf32, #tpu.memory_space<hbm>> -> memref<40x128xf32, #tpu.memory_space<hbm>>
      tpu.enqueue_dma source(%arg15 : memref<40x128xf32, #tpu.memory_space<vmem>>) target(%dma_start3A_238 : memref<40x128xf32, #tpu.memory_space<hbm>>) target_semaphore(%run_scoped3A : memref<!tpu.dma_semaphore, #tpu.memory_space<semaphore_mem>>)
      %dma_wait3A = arith.constant 0 : i32
      %dma_wait3A_239 = tpu.memref_slice %arg7[%arg0, %add3A_141, %dma_wait3A] : memref<2x10000x128xf32, #tpu.memory_space<hbm>> -> memref<1x40x128xf32, #tpu.memory_space<hbm>>
      %dma_wait3A_240 = tpu.memref_squeeze %dma_wait3A_239 : memref<1x40x128xf32, #tpu.memory_space<hbm>> -> memref<40x128xf32, #tpu.memory_space<hbm>>
      %dma_wait3A_241 = arith.constant 0 : i32
      %dma_wait3A_242 = tpu.memref_slice %arg7[%arg0, %add3A_141, %dma_wait3A_241] : memref<2x10000x128xf32, #tpu.memory_space<hbm>> -> memref<1x40x128xf32, #tpu.memory_space<hbm>>
      %dma_wait3A_243 = tpu.memref_squeeze %dma_wait3A_242 : memref<1x40x128xf32, #tpu.memory_space<hbm>> -> memref<40x128xf32, #tpu.memory_space<hbm>>
      tpu.wait_dma2 semaphore(%run_scoped3A : memref<!tpu.dma_semaphore, #tpu.memory_space<semaphore_mem>>) src(%arg15 : memref<40x128xf32, #tpu.memory_space<vmem>>) dst(%dma_wait3A_243 : memref<40x128xf32, #tpu.memory_space<hbm>>)
      tpu.yield
    }) : () -> ()
    %mul3A_142 = arith.constant 624 : i32
    %mul3A_143 = arith.muli %arg1, %mul3A_142 : i32
    %add3A_144 = arith.constant 240 : i32
    %add3A_145 = arith.addi %mul3A_143, %add3A_144 : i32
    "tpu.region"() ({
      %run_scoped3A = tpu.sem_alloc : memref<!tpu.dma_semaphore, #tpu.memory_space<semaphore_mem>>
      %dma_start3A = arith.constant 0 : i32
      %dma_start3A_234 = tpu.memref_slice %arg18[%add3A_145, %dma_start3A] : memref<10000x128xf32, #tpu.memory_space<vmem_shared>> -> memref<40x128xf32, #tpu.memory_space<vmem_shared>>
      %dma_start3A_235 = arith.constant 0 : i32
      %dma_start3A_236 = tpu.memref_slice %arg18[%add3A_145, %dma_start3A_235] : memref<10000x128xf32, #tpu.memory_space<vmem_shared>> -> memref<40x128xf32, #tpu.memory_space<vmem_shared>>
      tpu.enqueue_dma source(%dma_start3A_236 : memref<40x128xf32, #tpu.memory_space<vmem_shared>>) target(%arg15 : memref<40x128xf32, #tpu.memory_space<vmem>>) target_semaphore(%run_scoped3A : memref<!tpu.dma_semaphore, #tpu.memory_space<semaphore_mem>>)
      %dma_wait3A = arith.constant 0 : i32
      %dma_wait3A_237 = tpu.memref_slice %arg18[%add3A_145, %dma_wait3A] : memref<10000x128xf32, #tpu.memory_space<vmem_shared>> -> memref<40x128xf32, #tpu.memory_space<vmem_shared>>
      %dma_wait3A_238 = arith.constant 0 : i32
      %dma_wait3A_239 = tpu.memref_slice %arg18[%add3A_145, %dma_wait3A_238] : memref<10000x128xf32, #tpu.memory_space<vmem_shared>> -> memref<40x128xf32, #tpu.memory_space<vmem_shared>>
      tpu.wait_dma2 semaphore(%run_scoped3A : memref<!tpu.dma_semaphore, #tpu.memory_space<semaphore_mem>>) src(%dma_wait3A_239 : memref<40x128xf32, #tpu.memory_space<vmem_shared>>) dst(%arg15 : memref<40x128xf32, #tpu.memory_space<vmem>>)
      tpu.yield
    }) : () -> ()
    %mul3A_146 = arith.constant 624 : i32
    %mul3A_147 = arith.muli %arg1, %mul3A_146 : i32
    %add3A_148 = arith.constant 240 : i32
    %add3A_149 = arith.addi %mul3A_147, %add3A_148 : i32
    "tpu.region"() ({
      %run_scoped3A = tpu.sem_alloc : memref<!tpu.dma_semaphore, #tpu.memory_space<semaphore_mem>>
      %dma_start3A = arith.constant 0 : i32
      %dma_start3A_234 = tpu.memref_slice %arg7[%arg0, %add3A_149, %dma_start3A] : memref<2x10000x128xf32, #tpu.memory_space<hbm>> -> memref<1x40x128xf32, #tpu.memory_space<hbm>>
      %dma_start3A_235 = tpu.memref_squeeze %dma_start3A_234 : memref<1x40x128xf32, #tpu.memory_space<hbm>> -> memref<40x128xf32, #tpu.memory_space<hbm>>
      %dma_start3A_236 = arith.constant 0 : i32
      %dma_start3A_237 = tpu.memref_slice %arg7[%arg0, %add3A_149, %dma_start3A_236] : memref<2x10000x128xf32, #tpu.memory_space<hbm>> -> memref<1x40x128xf32, #tpu.memory_space<hbm>>
      %dma_start3A_238 = tpu.memref_squeeze %dma_start3A_237 : memref<1x40x128xf32, #tpu.memory_space<hbm>> -> memref<40x128xf32, #tpu.memory_space<hbm>>
      tpu.enqueue_dma source(%arg15 : memref<40x128xf32, #tpu.memory_space<vmem>>) target(%dma_start3A_238 : memref<40x128xf32, #tpu.memory_space<hbm>>) target_semaphore(%run_scoped3A : memref<!tpu.dma_semaphore, #tpu.memory_space<semaphore_mem>>)
      %dma_wait3A = arith.constant 0 : i32
      %dma_wait3A_239 = tpu.memref_slice %arg7[%arg0, %add3A_149, %dma_wait3A] : memref<2x10000x128xf32, #tpu.memory_space<hbm>> -> memref<1x40x128xf32, #tpu.memory_space<hbm>>
      %dma_wait3A_240 = tpu.memref_squeeze %dma_wait3A_239 : memref<1x40x128xf32, #tpu.memory_space<hbm>> -> memref<40x128xf32, #tpu.memory_space<hbm>>
      %dma_wait3A_241 = arith.constant 0 : i32
      %dma_wait3A_242 = tpu.memref_slice %arg7[%arg0, %add3A_149, %dma_wait3A_241] : memref<2x10000x128xf32, #tpu.memory_space<hbm>> -> memref<1x40x128xf32, #tpu.memory_space<hbm>>
      %dma_wait3A_243 = tpu.memref_squeeze %dma_wait3A_242 : memref<1x40x128xf32, #tpu.memory_space<hbm>> -> memref<40x128xf32, #tpu.memory_space<hbm>>
      tpu.wait_dma2 semaphore(%run_scoped3A : memref<!tpu.dma_semaphore, #tpu.memory_space<semaphore_mem>>) src(%arg15 : memref<40x128xf32, #tpu.memory_space<vmem>>) dst(%dma_wait3A_243 : memref<40x128xf32, #tpu.memory_space<hbm>>)
      tpu.yield
    }) : () -> ()
    %mul3A_150 = arith.constant 624 : i32
    %mul3A_151 = arith.muli %arg1, %mul3A_150 : i32
    %add3A_152 = arith.constant 280 : i32
    %add3A_153 = arith.addi %mul3A_151, %add3A_152 : i32
    "tpu.region"() ({
      %run_scoped3A = tpu.sem_alloc : memref<!tpu.dma_semaphore, #tpu.memory_space<semaphore_mem>>
      %dma_start3A = arith.constant 0 : i32
      %dma_start3A_234 = tpu.memref_slice %arg18[%add3A_153, %dma_start3A] : memref<10000x128xf32, #tpu.memory_space<vmem_shared>> -> memref<40x128xf32, #tpu.memory_space<vmem_shared>>
      %dma_start3A_235 = arith.constant 0 : i32
      %dma_start3A_236 = tpu.memref_slice %arg18[%add3A_153, %dma_start3A_235] : memref<10000x128xf32, #tpu.memory_space<vmem_shared>> -> memref<40x128xf32, #tpu.memory_space<vmem_shared>>
      tpu.enqueue_dma source(%dma_start3A_236 : memref<40x128xf32, #tpu.memory_space<vmem_shared>>) target(%arg15 : memref<40x128xf32, #tpu.memory_space<vmem>>) target_semaphore(%run_scoped3A : memref<!tpu.dma_semaphore, #tpu.memory_space<semaphore_mem>>)
      %dma_wait3A = arith.constant 0 : i32
      %dma_wait3A_237 = tpu.memref_slice %arg18[%add3A_153, %dma_wait3A] : memref<10000x128xf32, #tpu.memory_space<vmem_shared>> -> memref<40x128xf32, #tpu.memory_space<vmem_shared>>
      %dma_wait3A_238 = arith.constant 0 : i32
      %dma_wait3A_239 = tpu.memref_slice %arg18[%add3A_153, %dma_wait3A_238] : memref<10000x128xf32, #tpu.memory_space<vmem_shared>> -> memref<40x128xf32, #tpu.memory_space<vmem_shared>>
      tpu.wait_dma2 semaphore(%run_scoped3A : memref<!tpu.dma_semaphore, #tpu.memory_space<semaphore_mem>>) src(%dma_wait3A_239 : memref<40x128xf32, #tpu.memory_space<vmem_shared>>) dst(%arg15 : memref<40x128xf32, #tpu.memory_space<vmem>>)
      tpu.yield
    }) : () -> ()
    %mul3A_154 = arith.constant 624 : i32
    %mul3A_155 = arith.muli %arg1, %mul3A_154 : i32
    %add3A_156 = arith.constant 280 : i32
    %add3A_157 = arith.addi %mul3A_155, %add3A_156 : i32
    "tpu.region"() ({
      %run_scoped3A = tpu.sem_alloc : memref<!tpu.dma_semaphore, #tpu.memory_space<semaphore_mem>>
      %dma_start3A = arith.constant 0 : i32
      %dma_start3A_234 = tpu.memref_slice %arg7[%arg0, %add3A_157, %dma_start3A] : memref<2x10000x128xf32, #tpu.memory_space<hbm>> -> memref<1x40x128xf32, #tpu.memory_space<hbm>>
      %dma_start3A_235 = tpu.memref_squeeze %dma_start3A_234 : memref<1x40x128xf32, #tpu.memory_space<hbm>> -> memref<40x128xf32, #tpu.memory_space<hbm>>
      %dma_start3A_236 = arith.constant 0 : i32
      %dma_start3A_237 = tpu.memref_slice %arg7[%arg0, %add3A_157, %dma_start3A_236] : memref<2x10000x128xf32, #tpu.memory_space<hbm>> -> memref<1x40x128xf32, #tpu.memory_space<hbm>>
      %dma_start3A_238 = tpu.memref_squeeze %dma_start3A_237 : memref<1x40x128xf32, #tpu.memory_space<hbm>> -> memref<40x128xf32, #tpu.memory_space<hbm>>
      tpu.enqueue_dma source(%arg15 : memref<40x128xf32, #tpu.memory_space<vmem>>) target(%dma_start3A_238 : memref<40x128xf32, #tpu.memory_space<hbm>>) target_semaphore(%run_scoped3A : memref<!tpu.dma_semaphore, #tpu.memory_space<semaphore_mem>>)
      %dma_wait3A = arith.constant 0 : i32
      %dma_wait3A_239 = tpu.memref_slice %arg7[%arg0, %add3A_157, %dma_wait3A] : memref<2x10000x128xf32, #tpu.memory_space<hbm>> -> memref<1x40x128xf32, #tpu.memory_space<hbm>>
      %dma_wait3A_240 = tpu.memref_squeeze %dma_wait3A_239 : memref<1x40x128xf32, #tpu.memory_space<hbm>> -> memref<40x128xf32, #tpu.memory_space<hbm>>
      %dma_wait3A_241 = arith.constant 0 : i32
      %dma_wait3A_242 = tpu.memref_slice %arg7[%arg0, %add3A_157, %dma_wait3A_241] : memref<2x10000x128xf32, #tpu.memory_space<hbm>> -> memref<1x40x128xf32, #tpu.memory_space<hbm>>
      %dma_wait3A_243 = tpu.memref_squeeze %dma_wait3A_242 : memref<1x40x128xf32, #tpu.memory_space<hbm>> -> memref<40x128xf32, #tpu.memory_space<hbm>>
      tpu.wait_dma2 semaphore(%run_scoped3A : memref<!tpu.dma_semaphore, #tpu.memory_space<semaphore_mem>>) src(%arg15 : memref<40x128xf32, #tpu.memory_space<vmem>>) dst(%dma_wait3A_243 : memref<40x128xf32, #tpu.memory_space<hbm>>)
      tpu.yield
    }) : () -> ()
    %mul3A_158 = arith.constant 624 : i32
    %mul3A_159 = arith.muli %arg1, %mul3A_158 : i32
    %add3A_160 = arith.constant 320 : i32
    %add3A_161 = arith.addi %mul3A_159, %add3A_160 : i32
    "tpu.region"() ({
      %run_scoped3A = tpu.sem_alloc : memref<!tpu.dma_semaphore, #tpu.memory_space<semaphore_mem>>
      %dma_start3A = arith.constant 0 : i32
      %dma_start3A_234 = tpu.memref_slice %arg18[%add3A_161, %dma_start3A] : memref<10000x128xf32, #tpu.memory_space<vmem_shared>> -> memref<40x128xf32, #tpu.memory_space<vmem_shared>>
      %dma_start3A_235 = arith.constant 0 : i32
      %dma_start3A_236 = tpu.memref_slice %arg18[%add3A_161, %dma_start3A_235] : memref<10000x128xf32, #tpu.memory_space<vmem_shared>> -> memref<40x128xf32, #tpu.memory_space<vmem_shared>>
      tpu.enqueue_dma source(%dma_start3A_236 : memref<40x128xf32, #tpu.memory_space<vmem_shared>>) target(%arg15 : memref<40x128xf32, #tpu.memory_space<vmem>>) target_semaphore(%run_scoped3A : memref<!tpu.dma_semaphore, #tpu.memory_space<semaphore_mem>>)
      %dma_wait3A = arith.constant 0 : i32
      %dma_wait3A_237 = tpu.memref_slice %arg18[%add3A_161, %dma_wait3A] : memref<10000x128xf32, #tpu.memory_space<vmem_shared>> -> memref<40x128xf32, #tpu.memory_space<vmem_shared>>
      %dma_wait3A_238 = arith.constant 0 : i32
      %dma_wait3A_239 = tpu.memref_slice %arg18[%add3A_161, %dma_wait3A_238] : memref<10000x128xf32, #tpu.memory_space<vmem_shared>> -> memref<40x128xf32, #tpu.memory_space<vmem_shared>>
      tpu.wait_dma2 semaphore(%run_scoped3A : memref<!tpu.dma_semaphore, #tpu.memory_space<semaphore_mem>>) src(%dma_wait3A_239 : memref<40x128xf32, #tpu.memory_space<vmem_shared>>) dst(%arg15 : memref<40x128xf32, #tpu.memory_space<vmem>>)
      tpu.yield
    }) : () -> ()
    %mul3A_162 = arith.constant 624 : i32
    %mul3A_163 = arith.muli %arg1, %mul3A_162 : i32
    %add3A_164 = arith.constant 320 : i32
    %add3A_165 = arith.addi %mul3A_163, %add3A_164 : i32
    "tpu.region"() ({
      %run_scoped3A = tpu.sem_alloc : memref<!tpu.dma_semaphore, #tpu.memory_space<semaphore_mem>>
      %dma_start3A = arith.constant 0 : i32
      %dma_start3A_234 = tpu.memref_slice %arg7[%arg0, %add3A_165, %dma_start3A] : memref<2x10000x128xf32, #tpu.memory_space<hbm>> -> memref<1x40x128xf32, #tpu.memory_space<hbm>>
      %dma_start3A_235 = tpu.memref_squeeze %dma_start3A_234 : memref<1x40x128xf32, #tpu.memory_space<hbm>> -> memref<40x128xf32, #tpu.memory_space<hbm>>
      %dma_start3A_236 = arith.constant 0 : i32
      %dma_start3A_237 = tpu.memref_slice %arg7[%arg0, %add3A_165, %dma_start3A_236] : memref<2x10000x128xf32, #tpu.memory_space<hbm>> -> memref<1x40x128xf32, #tpu.memory_space<hbm>>
      %dma_start3A_238 = tpu.memref_squeeze %dma_start3A_237 : memref<1x40x128xf32, #tpu.memory_space<hbm>> -> memref<40x128xf32, #tpu.memory_space<hbm>>
      tpu.enqueue_dma source(%arg15 : memref<40x128xf32, #tpu.memory_space<vmem>>) target(%dma_start3A_238 : memref<40x128xf32, #tpu.memory_space<hbm>>) target_semaphore(%run_scoped3A : memref<!tpu.dma_semaphore, #tpu.memory_space<semaphore_mem>>)
      %dma_wait3A = arith.constant 0 : i32
      %dma_wait3A_239 = tpu.memref_slice %arg7[%arg0, %add3A_165, %dma_wait3A] : memref<2x10000x128xf32, #tpu.memory_space<hbm>> -> memref<1x40x128xf32, #tpu.memory_space<hbm>>
      %dma_wait3A_240 = tpu.memref_squeeze %dma_wait3A_239 : memref<1x40x128xf32, #tpu.memory_space<hbm>> -> memref<40x128xf32, #tpu.memory_space<hbm>>
      %dma_wait3A_241 = arith.constant 0 : i32
      %dma_wait3A_242 = tpu.memref_slice %arg7[%arg0, %add3A_165, %dma_wait3A_241] : memref<2x10000x128xf32, #tpu.memory_space<hbm>> -> memref<1x40x128xf32, #tpu.memory_space<hbm>>
      %dma_wait3A_243 = tpu.memref_squeeze %dma_wait3A_242 : memref<1x40x128xf32, #tpu.memory_space<hbm>> -> memref<40x128xf32, #tpu.memory_space<hbm>>
      tpu.wait_dma2 semaphore(%run_scoped3A : memref<!tpu.dma_semaphore, #tpu.memory_space<semaphore_mem>>) src(%arg15 : memref<40x128xf32, #tpu.memory_space<vmem>>) dst(%dma_wait3A_243 : memref<40x128xf32, #tpu.memory_space<hbm>>)
      tpu.yield
    }) : () -> ()
    %mul3A_166 = arith.constant 624 : i32
    %mul3A_167 = arith.muli %arg1, %mul3A_166 : i32
    %add3A_168 = arith.constant 360 : i32
    %add3A_169 = arith.addi %mul3A_167, %add3A_168 : i32
    "tpu.region"() ({
      %run_scoped3A = tpu.sem_alloc : memref<!tpu.dma_semaphore, #tpu.memory_space<semaphore_mem>>
      %dma_start3A = arith.constant 0 : i32
      %dma_start3A_234 = tpu.memref_slice %arg18[%add3A_169, %dma_start3A] : memref<10000x128xf32, #tpu.memory_space<vmem_shared>> -> memref<40x128xf32, #tpu.memory_space<vmem_shared>>
      %dma_start3A_235 = arith.constant 0 : i32
      %dma_start3A_236 = tpu.memref_slice %arg18[%add3A_169, %dma_start3A_235] : memref<10000x128xf32, #tpu.memory_space<vmem_shared>> -> memref<40x128xf32, #tpu.memory_space<vmem_shared>>
      tpu.enqueue_dma source(%dma_start3A_236 : memref<40x128xf32, #tpu.memory_space<vmem_shared>>) target(%arg15 : memref<40x128xf32, #tpu.memory_space<vmem>>) target_semaphore(%run_scoped3A : memref<!tpu.dma_semaphore, #tpu.memory_space<semaphore_mem>>)
      %dma_wait3A = arith.constant 0 : i32
      %dma_wait3A_237 = tpu.memref_slice %arg18[%add3A_169, %dma_wait3A] : memref<10000x128xf32, #tpu.memory_space<vmem_shared>> -> memref<40x128xf32, #tpu.memory_space<vmem_shared>>
      %dma_wait3A_238 = arith.constant 0 : i32
      %dma_wait3A_239 = tpu.memref_slice %arg18[%add3A_169, %dma_wait3A_238] : memref<10000x128xf32, #tpu.memory_space<vmem_shared>> -> memref<40x128xf32, #tpu.memory_space<vmem_shared>>
      tpu.wait_dma2 semaphore(%run_scoped3A : memref<!tpu.dma_semaphore, #tpu.memory_space<semaphore_mem>>) src(%dma_wait3A_239 : memref<40x128xf32, #tpu.memory_space<vmem_shared>>) dst(%arg15 : memref<40x128xf32, #tpu.memory_space<vmem>>)
      tpu.yield
    }) : () -> ()
    %mul3A_170 = arith.constant 624 : i32
    %mul3A_171 = arith.muli %arg1, %mul3A_170 : i32
    %add3A_172 = arith.constant 360 : i32
    %add3A_173 = arith.addi %mul3A_171, %add3A_172 : i32
    "tpu.region"() ({
      %run_scoped3A = tpu.sem_alloc : memref<!tpu.dma_semaphore, #tpu.memory_space<semaphore_mem>>
      %dma_start3A = arith.constant 0 : i32
      %dma_start3A_234 = tpu.memref_slice %arg7[%arg0, %add3A_173, %dma_start3A] : memref<2x10000x128xf32, #tpu.memory_space<hbm>> -> memref<1x40x128xf32, #tpu.memory_space<hbm>>
      %dma_start3A_235 = tpu.memref_squeeze %dma_start3A_234 : memref<1x40x128xf32, #tpu.memory_space<hbm>> -> memref<40x128xf32, #tpu.memory_space<hbm>>
      %dma_start3A_236 = arith.constant 0 : i32
      %dma_start3A_237 = tpu.memref_slice %arg7[%arg0, %add3A_173, %dma_start3A_236] : memref<2x10000x128xf32, #tpu.memory_space<hbm>> -> memref<1x40x128xf32, #tpu.memory_space<hbm>>
      %dma_start3A_238 = tpu.memref_squeeze %dma_start3A_237 : memref<1x40x128xf32, #tpu.memory_space<hbm>> -> memref<40x128xf32, #tpu.memory_space<hbm>>
      tpu.enqueue_dma source(%arg15 : memref<40x128xf32, #tpu.memory_space<vmem>>) target(%dma_start3A_238 : memref<40x128xf32, #tpu.memory_space<hbm>>) target_semaphore(%run_scoped3A : memref<!tpu.dma_semaphore, #tpu.memory_space<semaphore_mem>>)
      %dma_wait3A = arith.constant 0 : i32
      %dma_wait3A_239 = tpu.memref_slice %arg7[%arg0, %add3A_173, %dma_wait3A] : memref<2x10000x128xf32, #tpu.memory_space<hbm>> -> memref<1x40x128xf32, #tpu.memory_space<hbm>>
      %dma_wait3A_240 = tpu.memref_squeeze %dma_wait3A_239 : memref<1x40x128xf32, #tpu.memory_space<hbm>> -> memref<40x128xf32, #tpu.memory_space<hbm>>
      %dma_wait3A_241 = arith.constant 0 : i32
      %dma_wait3A_242 = tpu.memref_slice %arg7[%arg0, %add3A_173, %dma_wait3A_241] : memref<2x10000x128xf32, #tpu.memory_space<hbm>> -> memref<1x40x128xf32, #tpu.memory_space<hbm>>
      %dma_wait3A_243 = tpu.memref_squeeze %dma_wait3A_242 : memref<1x40x128xf32, #tpu.memory_space<hbm>> -> memref<40x128xf32, #tpu.memory_space<hbm>>
      tpu.wait_dma2 semaphore(%run_scoped3A : memref<!tpu.dma_semaphore, #tpu.memory_space<semaphore_mem>>) src(%arg15 : memref<40x128xf32, #tpu.memory_space<vmem>>) dst(%dma_wait3A_243 : memref<40x128xf32, #tpu.memory_space<hbm>>)
      tpu.yield
    }) : () -> ()
    %mul3A_174 = arith.constant 624 : i32
    %mul3A_175 = arith.muli %arg1, %mul3A_174 : i32
    %add3A_176 = arith.constant 400 : i32
    %add3A_177 = arith.addi %mul3A_175, %add3A_176 : i32
    "tpu.region"() ({
      %run_scoped3A = tpu.sem_alloc : memref<!tpu.dma_semaphore, #tpu.memory_space<semaphore_mem>>
      %dma_start3A = arith.constant 0 : i32
      %dma_start3A_234 = tpu.memref_slice %arg18[%add3A_177, %dma_start3A] : memref<10000x128xf32, #tpu.memory_space<vmem_shared>> -> memref<40x128xf32, #tpu.memory_space<vmem_shared>>
      %dma_start3A_235 = arith.constant 0 : i32
      %dma_start3A_236 = tpu.memref_slice %arg18[%add3A_177, %dma_start3A_235] : memref<10000x128xf32, #tpu.memory_space<vmem_shared>> -> memref<40x128xf32, #tpu.memory_space<vmem_shared>>
      tpu.enqueue_dma source(%dma_start3A_236 : memref<40x128xf32, #tpu.memory_space<vmem_shared>>) target(%arg15 : memref<40x128xf32, #tpu.memory_space<vmem>>) target_semaphore(%run_scoped3A : memref<!tpu.dma_semaphore, #tpu.memory_space<semaphore_mem>>)
      %dma_wait3A = arith.constant 0 : i32
      %dma_wait3A_237 = tpu.memref_slice %arg18[%add3A_177, %dma_wait3A] : memref<10000x128xf32, #tpu.memory_space<vmem_shared>> -> memref<40x128xf32, #tpu.memory_space<vmem_shared>>
      %dma_wait3A_238 = arith.constant 0 : i32
      %dma_wait3A_239 = tpu.memref_slice %arg18[%add3A_177, %dma_wait3A_238] : memref<10000x128xf32, #tpu.memory_space<vmem_shared>> -> memref<40x128xf32, #tpu.memory_space<vmem_shared>>
      tpu.wait_dma2 semaphore(%run_scoped3A : memref<!tpu.dma_semaphore, #tpu.memory_space<semaphore_mem>>) src(%dma_wait3A_239 : memref<40x128xf32, #tpu.memory_space<vmem_shared>>) dst(%arg15 : memref<40x128xf32, #tpu.memory_space<vmem>>)
      tpu.yield
    }) : () -> ()
    %mul3A_178 = arith.constant 624 : i32
    %mul3A_179 = arith.muli %arg1, %mul3A_178 : i32
    %add3A_180 = arith.constant 400 : i32
    %add3A_181 = arith.addi %mul3A_179, %add3A_180 : i32
    "tpu.region"() ({
      %run_scoped3A = tpu.sem_alloc : memref<!tpu.dma_semaphore, #tpu.memory_space<semaphore_mem>>
      %dma_start3A = arith.constant 0 : i32
      %dma_start3A_234 = tpu.memref_slice %arg7[%arg0, %add3A_181, %dma_start3A] : memref<2x10000x128xf32, #tpu.memory_space<hbm>> -> memref<1x40x128xf32, #tpu.memory_space<hbm>>
      %dma_start3A_235 = tpu.memref_squeeze %dma_start3A_234 : memref<1x40x128xf32, #tpu.memory_space<hbm>> -> memref<40x128xf32, #tpu.memory_space<hbm>>
      %dma_start3A_236 = arith.constant 0 : i32
      %dma_start3A_237 = tpu.memref_slice %arg7[%arg0, %add3A_181, %dma_start3A_236] : memref<2x10000x128xf32, #tpu.memory_space<hbm>> -> memref<1x40x128xf32, #tpu.memory_space<hbm>>
      %dma_start3A_238 = tpu.memref_squeeze %dma_start3A_237 : memref<1x40x128xf32, #tpu.memory_space<hbm>> -> memref<40x128xf32, #tpu.memory_space<hbm>>
      tpu.enqueue_dma source(%arg15 : memref<40x128xf32, #tpu.memory_space<vmem>>) target(%dma_start3A_238 : memref<40x128xf32, #tpu.memory_space<hbm>>) target_semaphore(%run_scoped3A : memref<!tpu.dma_semaphore, #tpu.memory_space<semaphore_mem>>)
      %dma_wait3A = arith.constant 0 : i32
      %dma_wait3A_239 = tpu.memref_slice %arg7[%arg0, %add3A_181, %dma_wait3A] : memref<2x10000x128xf32, #tpu.memory_space<hbm>> -> memref<1x40x128xf32, #tpu.memory_space<hbm>>
      %dma_wait3A_240 = tpu.memref_squeeze %dma_wait3A_239 : memref<1x40x128xf32, #tpu.memory_space<hbm>> -> memref<40x128xf32, #tpu.memory_space<hbm>>
      %dma_wait3A_241 = arith.constant 0 : i32
      %dma_wait3A_242 = tpu.memref_slice %arg7[%arg0, %add3A_181, %dma_wait3A_241] : memref<2x10000x128xf32, #tpu.memory_space<hbm>> -> memref<1x40x128xf32, #tpu.memory_space<hbm>>
      %dma_wait3A_243 = tpu.memref_squeeze %dma_wait3A_242 : memref<1x40x128xf32, #tpu.memory_space<hbm>> -> memref<40x128xf32, #tpu.memory_space<hbm>>
      tpu.wait_dma2 semaphore(%run_scoped3A : memref<!tpu.dma_semaphore, #tpu.memory_space<semaphore_mem>>) src(%arg15 : memref<40x128xf32, #tpu.memory_space<vmem>>) dst(%dma_wait3A_243 : memref<40x128xf32, #tpu.memory_space<hbm>>)
      tpu.yield
    }) : () -> ()
    %mul3A_182 = arith.constant 624 : i32
    %mul3A_183 = arith.muli %arg1, %mul3A_182 : i32
    %add3A_184 = arith.constant 440 : i32
    %add3A_185 = arith.addi %mul3A_183, %add3A_184 : i32
    "tpu.region"() ({
      %run_scoped3A = tpu.sem_alloc : memref<!tpu.dma_semaphore, #tpu.memory_space<semaphore_mem>>
      %dma_start3A = arith.constant 0 : i32
      %dma_start3A_234 = tpu.memref_slice %arg18[%add3A_185, %dma_start3A] : memref<10000x128xf32, #tpu.memory_space<vmem_shared>> -> memref<40x128xf32, #tpu.memory_space<vmem_shared>>
      %dma_start3A_235 = arith.constant 0 : i32
      %dma_start3A_236 = tpu.memref_slice %arg18[%add3A_185, %dma_start3A_235] : memref<10000x128xf32, #tpu.memory_space<vmem_shared>> -> memref<40x128xf32, #tpu.memory_space<vmem_shared>>
      tpu.enqueue_dma source(%dma_start3A_236 : memref<40x128xf32, #tpu.memory_space<vmem_shared>>) target(%arg15 : memref<40x128xf32, #tpu.memory_space<vmem>>) target_semaphore(%run_scoped3A : memref<!tpu.dma_semaphore, #tpu.memory_space<semaphore_mem>>)
      %dma_wait3A = arith.constant 0 : i32
      %dma_wait3A_237 = tpu.memref_slice %arg18[%add3A_185, %dma_wait3A] : memref<10000x128xf32, #tpu.memory_space<vmem_shared>> -> memref<40x128xf32, #tpu.memory_space<vmem_shared>>
      %dma_wait3A_238 = arith.constant 0 : i32
      %dma_wait3A_239 = tpu.memref_slice %arg18[%add3A_185, %dma_wait3A_238] : memref<10000x128xf32, #tpu.memory_space<vmem_shared>> -> memref<40x128xf32, #tpu.memory_space<vmem_shared>>
      tpu.wait_dma2 semaphore(%run_scoped3A : memref<!tpu.dma_semaphore, #tpu.memory_space<semaphore_mem>>) src(%dma_wait3A_239 : memref<40x128xf32, #tpu.memory_space<vmem_shared>>) dst(%arg15 : memref<40x128xf32, #tpu.memory_space<vmem>>)
      tpu.yield
    }) : () -> ()
    %mul3A_186 = arith.constant 624 : i32
    %mul3A_187 = arith.muli %arg1, %mul3A_186 : i32
    %add3A_188 = arith.constant 440 : i32
    %add3A_189 = arith.addi %mul3A_187, %add3A_188 : i32
    "tpu.region"() ({
      %run_scoped3A = tpu.sem_alloc : memref<!tpu.dma_semaphore, #tpu.memory_space<semaphore_mem>>
      %dma_start3A = arith.constant 0 : i32
      %dma_start3A_234 = tpu.memref_slice %arg7[%arg0, %add3A_189, %dma_start3A] : memref<2x10000x128xf32, #tpu.memory_space<hbm>> -> memref<1x40x128xf32, #tpu.memory_space<hbm>>
      %dma_start3A_235 = tpu.memref_squeeze %dma_start3A_234 : memref<1x40x128xf32, #tpu.memory_space<hbm>> -> memref<40x128xf32, #tpu.memory_space<hbm>>
      %dma_start3A_236 = arith.constant 0 : i32
      %dma_start3A_237 = tpu.memref_slice %arg7[%arg0, %add3A_189, %dma_start3A_236] : memref<2x10000x128xf32, #tpu.memory_space<hbm>> -> memref<1x40x128xf32, #tpu.memory_space<hbm>>
      %dma_start3A_238 = tpu.memref_squeeze %dma_start3A_237 : memref<1x40x128xf32, #tpu.memory_space<hbm>> -> memref<40x128xf32, #tpu.memory_space<hbm>>
      tpu.enqueue_dma source(%arg15 : memref<40x128xf32, #tpu.memory_space<vmem>>) target(%dma_start3A_238 : memref<40x128xf32, #tpu.memory_space<hbm>>) target_semaphore(%run_scoped3A : memref<!tpu.dma_semaphore, #tpu.memory_space<semaphore_mem>>)
      %dma_wait3A = arith.constant 0 : i32
      %dma_wait3A_239 = tpu.memref_slice %arg7[%arg0, %add3A_189, %dma_wait3A] : memref<2x10000x128xf32, #tpu.memory_space<hbm>> -> memref<1x40x128xf32, #tpu.memory_space<hbm>>
      %dma_wait3A_240 = tpu.memref_squeeze %dma_wait3A_239 : memref<1x40x128xf32, #tpu.memory_space<hbm>> -> memref<40x128xf32, #tpu.memory_space<hbm>>
      %dma_wait3A_241 = arith.constant 0 : i32
      %dma_wait3A_242 = tpu.memref_slice %arg7[%arg0, %add3A_189, %dma_wait3A_241] : memref<2x10000x128xf32, #tpu.memory_space<hbm>> -> memref<1x40x128xf32, #tpu.memory_space<hbm>>
      %dma_wait3A_243 = tpu.memref_squeeze %dma_wait3A_242 : memref<1x40x128xf32, #tpu.memory_space<hbm>> -> memref<40x128xf32, #tpu.memory_space<hbm>>
      tpu.wait_dma2 semaphore(%run_scoped3A : memref<!tpu.dma_semaphore, #tpu.memory_space<semaphore_mem>>) src(%arg15 : memref<40x128xf32, #tpu.memory_space<vmem>>) dst(%dma_wait3A_243 : memref<40x128xf32, #tpu.memory_space<hbm>>)
      tpu.yield
    }) : () -> ()
    %mul3A_190 = arith.constant 624 : i32
    %mul3A_191 = arith.muli %arg1, %mul3A_190 : i32
    %add3A_192 = arith.constant 480 : i32
    %add3A_193 = arith.addi %mul3A_191, %add3A_192 : i32
    "tpu.region"() ({
      %run_scoped3A = tpu.sem_alloc : memref<!tpu.dma_semaphore, #tpu.memory_space<semaphore_mem>>
      %dma_start3A = arith.constant 0 : i32
      %dma_start3A_234 = tpu.memref_slice %arg18[%add3A_193, %dma_start3A] : memref<10000x128xf32, #tpu.memory_space<vmem_shared>> -> memref<40x128xf32, #tpu.memory_space<vmem_shared>>
      %dma_start3A_235 = arith.constant 0 : i32
      %dma_start3A_236 = tpu.memref_slice %arg18[%add3A_193, %dma_start3A_235] : memref<10000x128xf32, #tpu.memory_space<vmem_shared>> -> memref<40x128xf32, #tpu.memory_space<vmem_shared>>
      tpu.enqueue_dma source(%dma_start3A_236 : memref<40x128xf32, #tpu.memory_space<vmem_shared>>) target(%arg15 : memref<40x128xf32, #tpu.memory_space<vmem>>) target_semaphore(%run_scoped3A : memref<!tpu.dma_semaphore, #tpu.memory_space<semaphore_mem>>)
      %dma_wait3A = arith.constant 0 : i32
      %dma_wait3A_237 = tpu.memref_slice %arg18[%add3A_193, %dma_wait3A] : memref<10000x128xf32, #tpu.memory_space<vmem_shared>> -> memref<40x128xf32, #tpu.memory_space<vmem_shared>>
      %dma_wait3A_238 = arith.constant 0 : i32
      %dma_wait3A_239 = tpu.memref_slice %arg18[%add3A_193, %dma_wait3A_238] : memref<10000x128xf32, #tpu.memory_space<vmem_shared>> -> memref<40x128xf32, #tpu.memory_space<vmem_shared>>
      tpu.wait_dma2 semaphore(%run_scoped3A : memref<!tpu.dma_semaphore, #tpu.memory_space<semaphore_mem>>) src(%dma_wait3A_239 : memref<40x128xf32, #tpu.memory_space<vmem_shared>>) dst(%arg15 : memref<40x128xf32, #tpu.memory_space<vmem>>)
      tpu.yield
    }) : () -> ()
    %mul3A_194 = arith.constant 624 : i32
    %mul3A_195 = arith.muli %arg1, %mul3A_194 : i32
    %add3A_196 = arith.constant 480 : i32
    %add3A_197 = arith.addi %mul3A_195, %add3A_196 : i32
    "tpu.region"() ({
      %run_scoped3A = tpu.sem_alloc : memref<!tpu.dma_semaphore, #tpu.memory_space<semaphore_mem>>
      %dma_start3A = arith.constant 0 : i32
      %dma_start3A_234 = tpu.memref_slice %arg7[%arg0, %add3A_197, %dma_start3A] : memref<2x10000x128xf32, #tpu.memory_space<hbm>> -> memref<1x40x128xf32, #tpu.memory_space<hbm>>
      %dma_start3A_235 = tpu.memref_squeeze %dma_start3A_234 : memref<1x40x128xf32, #tpu.memory_space<hbm>> -> memref<40x128xf32, #tpu.memory_space<hbm>>
      %dma_start3A_236 = arith.constant 0 : i32
      %dma_start3A_237 = tpu.memref_slice %arg7[%arg0, %add3A_197, %dma_start3A_236] : memref<2x10000x128xf32, #tpu.memory_space<hbm>> -> memref<1x40x128xf32, #tpu.memory_space<hbm>>
      %dma_start3A_238 = tpu.memref_squeeze %dma_start3A_237 : memref<1x40x128xf32, #tpu.memory_space<hbm>> -> memref<40x128xf32, #tpu.memory_space<hbm>>
      tpu.enqueue_dma source(%arg15 : memref<40x128xf32, #tpu.memory_space<vmem>>) target(%dma_start3A_238 : memref<40x128xf32, #tpu.memory_space<hbm>>) target_semaphore(%run_scoped3A : memref<!tpu.dma_semaphore, #tpu.memory_space<semaphore_mem>>)
      %dma_wait3A = arith.constant 0 : i32
      %dma_wait3A_239 = tpu.memref_slice %arg7[%arg0, %add3A_197, %dma_wait3A] : memref<2x10000x128xf32, #tpu.memory_space<hbm>> -> memref<1x40x128xf32, #tpu.memory_space<hbm>>
      %dma_wait3A_240 = tpu.memref_squeeze %dma_wait3A_239 : memref<1x40x128xf32, #tpu.memory_space<hbm>> -> memref<40x128xf32, #tpu.memory_space<hbm>>
      %dma_wait3A_241 = arith.constant 0 : i32
      %dma_wait3A_242 = tpu.memref_slice %arg7[%arg0, %add3A_197, %dma_wait3A_241] : memref<2x10000x128xf32, #tpu.memory_space<hbm>> -> memref<1x40x128xf32, #tpu.memory_space<hbm>>
      %dma_wait3A_243 = tpu.memref_squeeze %dma_wait3A_242 : memref<1x40x128xf32, #tpu.memory_space<hbm>> -> memref<40x128xf32, #tpu.memory_space<hbm>>
      tpu.wait_dma2 semaphore(%run_scoped3A : memref<!tpu.dma_semaphore, #tpu.memory_space<semaphore_mem>>) src(%arg15 : memref<40x128xf32, #tpu.memory_space<vmem>>) dst(%dma_wait3A_243 : memref<40x128xf32, #tpu.memory_space<hbm>>)
      tpu.yield
    }) : () -> ()
    %mul3A_198 = arith.constant 624 : i32
    %mul3A_199 = arith.muli %arg1, %mul3A_198 : i32
    %add3A_200 = arith.constant 520 : i32
    %add3A_201 = arith.addi %mul3A_199, %add3A_200 : i32
    "tpu.region"() ({
      %run_scoped3A = tpu.sem_alloc : memref<!tpu.dma_semaphore, #tpu.memory_space<semaphore_mem>>
      %dma_start3A = arith.constant 0 : i32
      %dma_start3A_234 = tpu.memref_slice %arg18[%add3A_201, %dma_start3A] : memref<10000x128xf32, #tpu.memory_space<vmem_shared>> -> memref<40x128xf32, #tpu.memory_space<vmem_shared>>
      %dma_start3A_235 = arith.constant 0 : i32
      %dma_start3A_236 = tpu.memref_slice %arg18[%add3A_201, %dma_start3A_235] : memref<10000x128xf32, #tpu.memory_space<vmem_shared>> -> memref<40x128xf32, #tpu.memory_space<vmem_shared>>
      tpu.enqueue_dma source(%dma_start3A_236 : memref<40x128xf32, #tpu.memory_space<vmem_shared>>) target(%arg15 : memref<40x128xf32, #tpu.memory_space<vmem>>) target_semaphore(%run_scoped3A : memref<!tpu.dma_semaphore, #tpu.memory_space<semaphore_mem>>)
      %dma_wait3A = arith.constant 0 : i32
      %dma_wait3A_237 = tpu.memref_slice %arg18[%add3A_201, %dma_wait3A] : memref<10000x128xf32, #tpu.memory_space<vmem_shared>> -> memref<40x128xf32, #tpu.memory_space<vmem_shared>>
      %dma_wait3A_238 = arith.constant 0 : i32
      %dma_wait3A_239 = tpu.memref_slice %arg18[%add3A_201, %dma_wait3A_238] : memref<10000x128xf32, #tpu.memory_space<vmem_shared>> -> memref<40x128xf32, #tpu.memory_space<vmem_shared>>
      tpu.wait_dma2 semaphore(%run_scoped3A : memref<!tpu.dma_semaphore, #tpu.memory_space<semaphore_mem>>) src(%dma_wait3A_239 : memref<40x128xf32, #tpu.memory_space<vmem_shared>>) dst(%arg15 : memref<40x128xf32, #tpu.memory_space<vmem>>)
      tpu.yield
    }) : () -> ()
    %mul3A_202 = arith.constant 624 : i32
    %mul3A_203 = arith.muli %arg1, %mul3A_202 : i32
    %add3A_204 = arith.constant 520 : i32
    %add3A_205 = arith.addi %mul3A_203, %add3A_204 : i32
    "tpu.region"() ({
      %run_scoped3A = tpu.sem_alloc : memref<!tpu.dma_semaphore, #tpu.memory_space<semaphore_mem>>
      %dma_start3A = arith.constant 0 : i32
      %dma_start3A_234 = tpu.memref_slice %arg7[%arg0, %add3A_205, %dma_start3A] : memref<2x10000x128xf32, #tpu.memory_space<hbm>> -> memref<1x40x128xf32, #tpu.memory_space<hbm>>
      %dma_start3A_235 = tpu.memref_squeeze %dma_start3A_234 : memref<1x40x128xf32, #tpu.memory_space<hbm>> -> memref<40x128xf32, #tpu.memory_space<hbm>>
      %dma_start3A_236 = arith.constant 0 : i32
      %dma_start3A_237 = tpu.memref_slice %arg7[%arg0, %add3A_205, %dma_start3A_236] : memref<2x10000x128xf32, #tpu.memory_space<hbm>> -> memref<1x40x128xf32, #tpu.memory_space<hbm>>
      %dma_start3A_238 = tpu.memref_squeeze %dma_start3A_237 : memref<1x40x128xf32, #tpu.memory_space<hbm>> -> memref<40x128xf32, #tpu.memory_space<hbm>>
      tpu.enqueue_dma source(%arg15 : memref<40x128xf32, #tpu.memory_space<vmem>>) target(%dma_start3A_238 : memref<40x128xf32, #tpu.memory_space<hbm>>) target_semaphore(%run_scoped3A : memref<!tpu.dma_semaphore, #tpu.memory_space<semaphore_mem>>)
      %dma_wait3A = arith.constant 0 : i32
      %dma_wait3A_239 = tpu.memref_slice %arg7[%arg0, %add3A_205, %dma_wait3A] : memref<2x10000x128xf32, #tpu.memory_space<hbm>> -> memref<1x40x128xf32, #tpu.memory_space<hbm>>
      %dma_wait3A_240 = tpu.memref_squeeze %dma_wait3A_239 : memref<1x40x128xf32, #tpu.memory_space<hbm>> -> memref<40x128xf32, #tpu.memory_space<hbm>>
      %dma_wait3A_241 = arith.constant 0 : i32
      %dma_wait3A_242 = tpu.memref_slice %arg7[%arg0, %add3A_205, %dma_wait3A_241] : memref<2x10000x128xf32, #tpu.memory_space<hbm>> -> memref<1x40x128xf32, #tpu.memory_space<hbm>>
      %dma_wait3A_243 = tpu.memref_squeeze %dma_wait3A_242 : memref<1x40x128xf32, #tpu.memory_space<hbm>> -> memref<40x128xf32, #tpu.memory_space<hbm>>
      tpu.wait_dma2 semaphore(%run_scoped3A : memref<!tpu.dma_semaphore, #tpu.memory_space<semaphore_mem>>) src(%arg15 : memref<40x128xf32, #tpu.memory_space<vmem>>) dst(%dma_wait3A_243 : memref<40x128xf32, #tpu.memory_space<hbm>>)
      tpu.yield
    }) : () -> ()
    %mul3A_206 = arith.constant 624 : i32
    %mul3A_207 = arith.muli %arg1, %mul3A_206 : i32
    %add3A_208 = arith.constant 560 : i32
    %add3A_209 = arith.addi %mul3A_207, %add3A_208 : i32
    "tpu.region"() ({
      %run_scoped3A = tpu.sem_alloc : memref<!tpu.dma_semaphore, #tpu.memory_space<semaphore_mem>>
      %dma_start3A = arith.constant 0 : i32
      %dma_start3A_234 = tpu.memref_slice %arg18[%add3A_209, %dma_start3A] : memref<10000x128xf32, #tpu.memory_space<vmem_shared>> -> memref<40x128xf32, #tpu.memory_space<vmem_shared>>
      %dma_start3A_235 = arith.constant 0 : i32
      %dma_start3A_236 = tpu.memref_slice %arg18[%add3A_209, %dma_start3A_235] : memref<10000x128xf32, #tpu.memory_space<vmem_shared>> -> memref<40x128xf32, #tpu.memory_space<vmem_shared>>
      tpu.enqueue_dma source(%dma_start3A_236 : memref<40x128xf32, #tpu.memory_space<vmem_shared>>) target(%arg15 : memref<40x128xf32, #tpu.memory_space<vmem>>) target_semaphore(%run_scoped3A : memref<!tpu.dma_semaphore, #tpu.memory_space<semaphore_mem>>)
      %dma_wait3A = arith.constant 0 : i32
      %dma_wait3A_237 = tpu.memref_slice %arg18[%add3A_209, %dma_wait3A] : memref<10000x128xf32, #tpu.memory_space<vmem_shared>> -> memref<40x128xf32, #tpu.memory_space<vmem_shared>>
      %dma_wait3A_238 = arith.constant 0 : i32
      %dma_wait3A_239 = tpu.memref_slice %arg18[%add3A_209, %dma_wait3A_238] : memref<10000x128xf32, #tpu.memory_space<vmem_shared>> -> memref<40x128xf32, #tpu.memory_space<vmem_shared>>
      tpu.wait_dma2 semaphore(%run_scoped3A : memref<!tpu.dma_semaphore, #tpu.memory_space<semaphore_mem>>) src(%dma_wait3A_239 : memref<40x128xf32, #tpu.memory_space<vmem_shared>>) dst(%arg15 : memref<40x128xf32, #tpu.memory_space<vmem>>)
      tpu.yield
    }) : () -> ()
    %mul3A_210 = arith.constant 624 : i32
    %mul3A_211 = arith.muli %arg1, %mul3A_210 : i32
    %add3A_212 = arith.constant 560 : i32
    %add3A_213 = arith.addi %mul3A_211, %add3A_212 : i32
    "tpu.region"() ({
      %run_scoped3A = tpu.sem_alloc : memref<!tpu.dma_semaphore, #tpu.memory_space<semaphore_mem>>
      %dma_start3A = arith.constant 0 : i32
      %dma_start3A_234 = tpu.memref_slice %arg7[%arg0, %add3A_213, %dma_start3A] : memref<2x10000x128xf32, #tpu.memory_space<hbm>> -> memref<1x40x128xf32, #tpu.memory_space<hbm>>
      %dma_start3A_235 = tpu.memref_squeeze %dma_start3A_234 : memref<1x40x128xf32, #tpu.memory_space<hbm>> -> memref<40x128xf32, #tpu.memory_space<hbm>>
      %dma_start3A_236 = arith.constant 0 : i32
      %dma_start3A_237 = tpu.memref_slice %arg7[%arg0, %add3A_213, %dma_start3A_236] : memref<2x10000x128xf32, #tpu.memory_space<hbm>> -> memref<1x40x128xf32, #tpu.memory_space<hbm>>
      %dma_start3A_238 = tpu.memref_squeeze %dma_start3A_237 : memref<1x40x128xf32, #tpu.memory_space<hbm>> -> memref<40x128xf32, #tpu.memory_space<hbm>>
      tpu.enqueue_dma source(%arg15 : memref<40x128xf32, #tpu.memory_space<vmem>>) target(%dma_start3A_238 : memref<40x128xf32, #tpu.memory_space<hbm>>) target_semaphore(%run_scoped3A : memref<!tpu.dma_semaphore, #tpu.memory_space<semaphore_mem>>)
      %dma_wait3A = arith.constant 0 : i32
      %dma_wait3A_239 = tpu.memref_slice %arg7[%arg0, %add3A_213, %dma_wait3A] : memref<2x10000x128xf32, #tpu.memory_space<hbm>> -> memref<1x40x128xf32, #tpu.memory_space<hbm>>
      %dma_wait3A_240 = tpu.memref_squeeze %dma_wait3A_239 : memref<1x40x128xf32, #tpu.memory_space<hbm>> -> memref<40x128xf32, #tpu.memory_space<hbm>>
      %dma_wait3A_241 = arith.constant 0 : i32
      %dma_wait3A_242 = tpu.memref_slice %arg7[%arg0, %add3A_213, %dma_wait3A_241] : memref<2x10000x128xf32, #tpu.memory_space<hbm>> -> memref<1x40x128xf32, #tpu.memory_space<hbm>>
      %dma_wait3A_243 = tpu.memref_squeeze %dma_wait3A_242 : memref<1x40x128xf32, #tpu.memory_space<hbm>> -> memref<40x128xf32, #tpu.memory_space<hbm>>
      tpu.wait_dma2 semaphore(%run_scoped3A : memref<!tpu.dma_semaphore, #tpu.memory_space<semaphore_mem>>) src(%arg15 : memref<40x128xf32, #tpu.memory_space<vmem>>) dst(%dma_wait3A_243 : memref<40x128xf32, #tpu.memory_space<hbm>>)
      tpu.yield
    }) : () -> ()
    %mul3A_214 = arith.constant 624 : i32
    %mul3A_215 = arith.muli %arg1, %mul3A_214 : i32
    %add3A_216 = arith.constant 600 : i32
    %add3A_217 = arith.addi %mul3A_215, %add3A_216 : i32
    "tpu.region"() ({
      %run_scoped3A = tpu.sem_alloc : memref<!tpu.dma_semaphore, #tpu.memory_space<semaphore_mem>>
      %dma_start3A = arith.constant 0 : i32
      %dma_start3A_234 = arith.constant 0 : i32
      %dma_start3A_235 = tpu.memref_slice %arg15[%dma_start3A, %dma_start3A_234] : memref<40x128xf32, #tpu.memory_space<vmem>> -> memref<24x128xf32, #tpu.memory_space<vmem>>
      %dma_start3A_236 = arith.constant 0 : i32
      %dma_start3A_237 = tpu.memref_slice %arg18[%add3A_217, %dma_start3A_236] : memref<10000x128xf32, #tpu.memory_space<vmem_shared>> -> memref<24x128xf32, #tpu.memory_space<vmem_shared>>
      %dma_start3A_238 = arith.constant 0 : i32
      %dma_start3A_239 = arith.constant 0 : i32
      %dma_start3A_240 = tpu.memref_slice %arg15[%dma_start3A_238, %dma_start3A_239] : memref<40x128xf32, #tpu.memory_space<vmem>> -> memref<24x128xf32, #tpu.memory_space<vmem>>
      %dma_start3A_241 = arith.constant 0 : i32
      %dma_start3A_242 = tpu.memref_slice %arg18[%add3A_217, %dma_start3A_241] : memref<10000x128xf32, #tpu.memory_space<vmem_shared>> -> memref<24x128xf32, #tpu.memory_space<vmem_shared>>
      tpu.enqueue_dma source(%dma_start3A_242 : memref<24x128xf32, #tpu.memory_space<vmem_shared>>) target(%dma_start3A_240 : memref<24x128xf32, #tpu.memory_space<vmem>>) target_semaphore(%run_scoped3A : memref<!tpu.dma_semaphore, #tpu.memory_space<semaphore_mem>>)
      %dma_wait3A = arith.constant 0 : i32
      %dma_wait3A_243 = arith.constant 0 : i32
      %dma_wait3A_244 = tpu.memref_slice %arg15[%dma_wait3A, %dma_wait3A_243] : memref<40x128xf32, #tpu.memory_space<vmem>> -> memref<24x128xf32, #tpu.memory_space<vmem>>
      %dma_wait3A_245 = arith.constant 0 : i32
      %dma_wait3A_246 = tpu.memref_slice %arg18[%add3A_217, %dma_wait3A_245] : memref<10000x128xf32, #tpu.memory_space<vmem_shared>> -> memref<24x128xf32, #tpu.memory_space<vmem_shared>>
      %dma_wait3A_247 = arith.constant 0 : i32
      %dma_wait3A_248 = arith.constant 0 : i32
      %dma_wait3A_249 = tpu.memref_slice %arg15[%dma_wait3A_247, %dma_wait3A_248] : memref<40x128xf32, #tpu.memory_space<vmem>> -> memref<24x128xf32, #tpu.memory_space<vmem>>
      %dma_wait3A_250 = arith.constant 0 : i32
      %dma_wait3A_251 = tpu.memref_slice %arg18[%add3A_217, %dma_wait3A_250] : memref<10000x128xf32, #tpu.memory_space<vmem_shared>> -> memref<24x128xf32, #tpu.memory_space<vmem_shared>>
      tpu.wait_dma2 semaphore(%run_scoped3A : memref<!tpu.dma_semaphore, #tpu.memory_space<semaphore_mem>>) src(%dma_wait3A_251 : memref<24x128xf32, #tpu.memory_space<vmem_shared>>) dst(%dma_wait3A_249 : memref<24x128xf32, #tpu.memory_space<vmem>>)
      tpu.yield
    }) : () -> ()
    %mul3A_218 = arith.constant 624 : i32
    %mul3A_219 = arith.muli %arg1, %mul3A_218 : i32
    %add3A_220 = arith.constant 600 : i32
    %add3A_221 = arith.addi %mul3A_219, %add3A_220 : i32
    "tpu.region"() ({
      %run_scoped3A = tpu.sem_alloc : memref<!tpu.dma_semaphore, #tpu.memory_space<semaphore_mem>>
      %dma_start3A = arith.constant 0 : i32
      %dma_start3A_234 = arith.constant 0 : i32
      %dma_start3A_235 = tpu.memref_slice %arg15[%dma_start3A, %dma_start3A_234] : memref<40x128xf32, #tpu.memory_space<vmem>> -> memref<24x128xf32, #tpu.memory_space<vmem>>
      %dma_start3A_236 = arith.constant 0 : i32
      %dma_start3A_237 = tpu.memref_slice %arg7[%arg0, %add3A_221, %dma_start3A_236] : memref<2x10000x128xf32, #tpu.memory_space<hbm>> -> memref<1x24x128xf32, #tpu.memory_space<hbm>>
      %dma_start3A_238 = tpu.memref_squeeze %dma_start3A_237 : memref<1x24x128xf32, #tpu.memory_space<hbm>> -> memref<24x128xf32, #tpu.memory_space<hbm>>
      %dma_start3A_239 = arith.constant 0 : i32
      %dma_start3A_240 = tpu.memref_slice %arg7[%arg0, %add3A_221, %dma_start3A_239] : memref<2x10000x128xf32, #tpu.memory_space<hbm>> -> memref<1x24x128xf32, #tpu.memory_space<hbm>>
      %dma_start3A_241 = tpu.memref_squeeze %dma_start3A_240 : memref<1x24x128xf32, #tpu.memory_space<hbm>> -> memref<24x128xf32, #tpu.memory_space<hbm>>
      %dma_start3A_242 = arith.constant 0 : i32
      %dma_start3A_243 = arith.constant 0 : i32
      %dma_start3A_244 = tpu.memref_slice %arg15[%dma_start3A_242, %dma_start3A_243] : memref<40x128xf32, #tpu.memory_space<vmem>> -> memref<24x128xf32, #tpu.memory_space<vmem>>
      tpu.enqueue_dma source(%dma_start3A_244 : memref<24x128xf32, #tpu.memory_space<vmem>>) target(%dma_start3A_241 : memref<24x128xf32, #tpu.memory_space<hbm>>) target_semaphore(%run_scoped3A : memref<!tpu.dma_semaphore, #tpu.memory_space<semaphore_mem>>)
      %dma_wait3A = arith.constant 0 : i32
      %dma_wait3A_245 = arith.constant 0 : i32
      %dma_wait3A_246 = tpu.memref_slice %arg15[%dma_wait3A, %dma_wait3A_245] : memref<40x128xf32, #tpu.memory_space<vmem>> -> memref<24x128xf32, #tpu.memory_space<vmem>>
      %dma_wait3A_247 = arith.constant 0 : i32
      %dma_wait3A_248 = tpu.memref_slice %arg7[%arg0, %add3A_221, %dma_wait3A_247] : memref<2x10000x128xf32, #tpu.memory_space<hbm>> -> memref<1x24x128xf32, #tpu.memory_space<hbm>>
      %dma_wait3A_249 = tpu.memref_squeeze %dma_wait3A_248 : memref<1x24x128xf32, #tpu.memory_space<hbm>> -> memref<24x128xf32, #tpu.memory_space<hbm>>
      %dma_wait3A_250 = arith.constant 0 : i32
      %dma_wait3A_251 = tpu.memref_slice %arg7[%arg0, %add3A_221, %dma_wait3A_250] : memref<2x10000x128xf32, #tpu.memory_space<hbm>> -> memref<1x24x128xf32, #tpu.memory_space<hbm>>
      %dma_wait3A_252 = tpu.memref_squeeze %dma_wait3A_251 : memref<1x24x128xf32, #tpu.memory_space<hbm>> -> memref<24x128xf32, #tpu.memory_space<hbm>>
      %dma_wait3A_253 = arith.constant 0 : i32
      %dma_wait3A_254 = arith.constant 0 : i32
      %dma_wait3A_255 = tpu.memref_slice %arg15[%dma_wait3A_253, %dma_wait3A_254] : memref<40x128xf32, #tpu.memory_space<vmem>> -> memref<24x128xf32, #tpu.memory_space<vmem>>
      tpu.wait_dma2 semaphore(%run_scoped3A : memref<!tpu.dma_semaphore, #tpu.memory_space<semaphore_mem>>) src(%dma_wait3A_255 : memref<24x128xf32, #tpu.memory_space<vmem>>) dst(%dma_wait3A_252 : memref<24x128xf32, #tpu.memory_space<hbm>>)
      tpu.yield
    }) : () -> ()
    %mul3A_222 = arith.constant 624 : i32
    %mul3A_223 = arith.muli %arg1, %mul3A_222 : i32
    "tpu.region"() ({
      %run_scoped3A = tpu.sem_alloc : memref<!tpu.dma_semaphore, #tpu.memory_space<semaphore_mem>>
      %dma_start3A = tpu.memref_slice %arg19[%mul3A_223] : memref<10000xf32, #tpu.memory_space<vmem_shared>> -> memref<624xf32, #tpu.memory_space<vmem_shared>>
      %dma_start3A_234 = tpu.memref_slice %arg19[%mul3A_223] : memref<10000xf32, #tpu.memory_space<vmem_shared>> -> memref<624xf32, #tpu.memory_space<vmem_shared>>
      tpu.enqueue_dma source(%dma_start3A_234 : memref<624xf32, #tpu.memory_space<vmem_shared>>) target(%arg17 : memref<624xf32, #tpu.memory_space<vmem>>) target_semaphore(%run_scoped3A : memref<!tpu.dma_semaphore, #tpu.memory_space<semaphore_mem>>)
      %dma_wait3A = tpu.memref_slice %arg19[%mul3A_223] : memref<10000xf32, #tpu.memory_space<vmem_shared>> -> memref<624xf32, #tpu.memory_space<vmem_shared>>
      %dma_wait3A_235 = tpu.memref_slice %arg19[%mul3A_223] : memref<10000xf32, #tpu.memory_space<vmem_shared>> -> memref<624xf32, #tpu.memory_space<vmem_shared>>
      tpu.wait_dma2 semaphore(%run_scoped3A : memref<!tpu.dma_semaphore, #tpu.memory_space<semaphore_mem>>) src(%dma_wait3A_235 : memref<624xf32, #tpu.memory_space<vmem_shared>>) dst(%arg17 : memref<624xf32, #tpu.memory_space<vmem>>)
      tpu.yield
    }) : () -> ()
    %mul3A_224 = arith.constant 10000 : i32
    %mul3A_225 = arith.muli %arg0, %mul3A_224 : i32
    %mul3A_226 = arith.constant 624 : i32
    %mul3A_227 = arith.muli %arg1, %mul3A_226 : i32
    %add3A_228 = arith.addi %mul3A_225, %mul3A_227 : i32
    "tpu.region"() ({
      %run_scoped3A = tpu.sem_alloc : memref<!tpu.dma_semaphore, #tpu.memory_space<semaphore_mem>>
      %dma_start3A = tpu.memref_slice %arg8[%add3A_228] : memref<20000xf32, #tpu.memory_space<hbm>> -> memref<624xf32, #tpu.memory_space<hbm>>
      %dma_start3A_234 = tpu.memref_slice %arg8[%add3A_228] : memref<20000xf32, #tpu.memory_space<hbm>> -> memref<624xf32, #tpu.memory_space<hbm>>
      tpu.enqueue_dma source(%arg17 : memref<624xf32, #tpu.memory_space<vmem>>) target(%dma_start3A_234 : memref<624xf32, #tpu.memory_space<hbm>>) target_semaphore(%run_scoped3A : memref<!tpu.dma_semaphore, #tpu.memory_space<semaphore_mem>>)
      %dma_wait3A = tpu.memref_slice %arg8[%add3A_228] : memref<20000xf32, #tpu.memory_space<hbm>> -> memref<624xf32, #tpu.memory_space<hbm>>
      %dma_wait3A_235 = tpu.memref_slice %arg8[%add3A_228] : memref<20000xf32, #tpu.memory_space<hbm>> -> memref<624xf32, #tpu.memory_space<hbm>>
      tpu.wait_dma2 semaphore(%run_scoped3A : memref<!tpu.dma_semaphore, #tpu.memory_space<semaphore_mem>>) src(%arg17 : memref<624xf32, #tpu.memory_space<vmem>>) dst(%dma_wait3A_235 : memref<624xf32, #tpu.memory_space<hbm>>)
      tpu.yield
    }) : () -> ()
    %eq3A_229 = arith.constant 0 : i32
    %eq3A_230 = arith.cmpi eq, %arg1, %eq3A_229 : i32
    %convert_element_type3A_231 = arith.extui %eq3A_230 : i1 to i32
    %cond3A_232 = arith.constant 0 : i32
    %cond3A_233 = arith.cmpi ne, %convert_element_type3A_231, %cond3A_232 : i32
    scf.if %cond3A_233 {
      "tpu.region"() ({
        %run_scoped3A = tpu.sem_alloc : memref<!tpu.dma_semaphore, #tpu.memory_space<semaphore_mem>>
        %dma_start3A = arith.constant 0 : i32
        %dma_start3A_238 = arith.constant 0 : i32
        %dma_start3A_239 = tpu.memref_slice %arg15[%dma_start3A, %dma_start3A_238] : memref<40x128xf32, #tpu.memory_space<vmem>> -> memref<16x128xf32, #tpu.memory_space<vmem>>
        %dma_start3A_240 = arith.constant 9984 : i32
        %dma_start3A_241 = arith.constant 0 : i32
        %dma_start3A_242 = tpu.memref_slice %arg18[%dma_start3A_240, %dma_start3A_241] : memref<10000x128xf32, #tpu.memory_space<vmem_shared>> -> memref<16x128xf32, #tpu.memory_space<vmem_shared>>
        %dma_start3A_243 = arith.constant 0 : i32
        %dma_start3A_244 = arith.constant 0 : i32
        %dma_start3A_245 = tpu.memref_slice %arg15[%dma_start3A_243, %dma_start3A_244] : memref<40x128xf32, #tpu.memory_space<vmem>> -> memref<16x128xf32, #tpu.memory_space<vmem>>
        %dma_start3A_246 = arith.constant 9984 : i32
        %dma_start3A_247 = arith.constant 0 : i32
        %dma_start3A_248 = tpu.memref_slice %arg18[%dma_start3A_246, %dma_start3A_247] : memref<10000x128xf32, #tpu.memory_space<vmem_shared>> -> memref<16x128xf32, #tpu.memory_space<vmem_shared>>
        tpu.enqueue_dma source(%dma_start3A_248 : memref<16x128xf32, #tpu.memory_space<vmem_shared>>) target(%dma_start3A_245 : memref<16x128xf32, #tpu.memory_space<vmem>>) target_semaphore(%run_scoped3A : memref<!tpu.dma_semaphore, #tpu.memory_space<semaphore_mem>>)
        %dma_wait3A = arith.constant 0 : i32
        %dma_wait3A_249 = arith.constant 0 : i32
        %dma_wait3A_250 = tpu.memref_slice %arg15[%dma_wait3A, %dma_wait3A_249] : memref<40x128xf32, #tpu.memory_space<vmem>> -> memref<16x128xf32, #tpu.memory_space<vmem>>
        %dma_wait3A_251 = arith.constant 9984 : i32
        %dma_wait3A_252 = arith.constant 0 : i32
        %dma_wait3A_253 = tpu.memref_slice %arg18[%dma_wait3A_251, %dma_wait3A_252] : memref<10000x128xf32, #tpu.memory_space<vmem_shared>> -> memref<16x128xf32, #tpu.memory_space<vmem_shared>>
        %dma_wait3A_254 = arith.constant 0 : i32
        %dma_wait3A_255 = arith.constant 0 : i32
        %dma_wait3A_256 = tpu.memref_slice %arg15[%dma_wait3A_254, %dma_wait3A_255] : memref<40x128xf32, #tpu.memory_space<vmem>> -> memref<16x128xf32, #tpu.memory_space<vmem>>
        %dma_wait3A_257 = arith.constant 9984 : i32
        %dma_wait3A_258 = arith.constant 0 : i32
        %dma_wait3A_259 = tpu.memref_slice %arg18[%dma_wait3A_257, %dma_wait3A_258] : memref<10000x128xf32, #tpu.memory_space<vmem_shared>> -> memref<16x128xf32, #tpu.memory_space<vmem_shared>>
        tpu.wait_dma2 semaphore(%run_scoped3A : memref<!tpu.dma_semaphore, #tpu.memory_space<semaphore_mem>>) src(%dma_wait3A_259 : memref<16x128xf32, #tpu.memory_space<vmem_shared>>) dst(%dma_wait3A_256 : memref<16x128xf32, #tpu.memory_space<vmem>>)
        tpu.yield
      }) : () -> ()
      "tpu.region"() ({
        %run_scoped3A = tpu.sem_alloc : memref<!tpu.dma_semaphore, #tpu.memory_space<semaphore_mem>>
        %dma_start3A = arith.constant 0 : i32
        %dma_start3A_238 = arith.constant 0 : i32
        %dma_start3A_239 = tpu.memref_slice %arg15[%dma_start3A, %dma_start3A_238] : memref<40x128xf32, #tpu.memory_space<vmem>> -> memref<16x128xf32, #tpu.memory_space<vmem>>
        %dma_start3A_240 = arith.constant 9984 : i32
        %dma_start3A_241 = arith.constant 0 : i32
        %dma_start3A_242 = tpu.memref_slice %arg7[%arg0, %dma_start3A_240, %dma_start3A_241] : memref<2x10000x128xf32, #tpu.memory_space<hbm>> -> memref<1x16x128xf32, #tpu.memory_space<hbm>>
        %dma_start3A_243 = tpu.memref_squeeze %dma_start3A_242 : memref<1x16x128xf32, #tpu.memory_space<hbm>> -> memref<16x128xf32, #tpu.memory_space<hbm>>
        %dma_start3A_244 = arith.constant 9984 : i32
        %dma_start3A_245 = arith.constant 0 : i32
        %dma_start3A_246 = tpu.memref_slice %arg7[%arg0, %dma_start3A_244, %dma_start3A_245] : memref<2x10000x128xf32, #tpu.memory_space<hbm>> -> memref<1x16x128xf32, #tpu.memory_space<hbm>>
        %dma_start3A_247 = tpu.memref_squeeze %dma_start3A_246 : memref<1x16x128xf32, #tpu.memory_space<hbm>> -> memref<16x128xf32, #tpu.memory_space<hbm>>
        %dma_start3A_248 = arith.constant 0 : i32
        %dma_start3A_249 = arith.constant 0 : i32
        %dma_start3A_250 = tpu.memref_slice %arg15[%dma_start3A_248, %dma_start3A_249] : memref<40x128xf32, #tpu.memory_space<vmem>> -> memref<16x128xf32, #tpu.memory_space<vmem>>
        tpu.enqueue_dma source(%dma_start3A_250 : memref<16x128xf32, #tpu.memory_space<vmem>>) target(%dma_start3A_247 : memref<16x128xf32, #tpu.memory_space<hbm>>) target_semaphore(%run_scoped3A : memref<!tpu.dma_semaphore, #tpu.memory_space<semaphore_mem>>)
        %dma_wait3A = arith.constant 0 : i32
        %dma_wait3A_251 = arith.constant 0 : i32
        %dma_wait3A_252 = tpu.memref_slice %arg15[%dma_wait3A, %dma_wait3A_251] : memref<40x128xf32, #tpu.memory_space<vmem>> -> memref<16x128xf32, #tpu.memory_space<vmem>>
        %dma_wait3A_253 = arith.constant 9984 : i32
        %dma_wait3A_254 = arith.constant 0 : i32
        %dma_wait3A_255 = tpu.memref_slice %arg7[%arg0, %dma_wait3A_253, %dma_wait3A_254] : memref<2x10000x128xf32, #tpu.memory_space<hbm>> -> memref<1x16x128xf32, #tpu.memory_space<hbm>>
        %dma_wait3A_256 = tpu.memref_squeeze %dma_wait3A_255 : memref<1x16x128xf32, #tpu.memory_space<hbm>> -> memref<16x128xf32, #tpu.memory_space<hbm>>
        %dma_wait3A_257 = arith.constant 9984 : i32
        %dma_wait3A_258 = arith.constant 0 : i32
        %dma_wait3A_259 = tpu.memref_slice %arg7[%arg0, %dma_wait3A_257, %dma_wait3A_258] : memref<2x10000x128xf32, #tpu.memory_space<hbm>> -> memref<1x16x128xf32, #tpu.memory_space<hbm>>
        %dma_wait3A_260 = tpu.memref_squeeze %dma_wait3A_259 : memref<1x16x128xf32, #tpu.memory_space<hbm>> -> memref<16x128xf32, #tpu.memory_space<hbm>>
        %dma_wait3A_261 = arith.constant 0 : i32
        %dma_wait3A_262 = arith.constant 0 : i32
        %dma_wait3A_263 = tpu.memref_slice %arg15[%dma_wait3A_261, %dma_wait3A_262] : memref<40x128xf32, #tpu.memory_space<vmem>> -> memref<16x128xf32, #tpu.memory_space<vmem>>
        tpu.wait_dma2 semaphore(%run_scoped3A : memref<!tpu.dma_semaphore, #tpu.memory_space<semaphore_mem>>) src(%dma_wait3A_263 : memref<16x128xf32, #tpu.memory_space<vmem>>) dst(%dma_wait3A_260 : memref<16x128xf32, #tpu.memory_space<hbm>>)
        tpu.yield
      }) : () -> ()
      "tpu.region"() ({
        %run_scoped3A = tpu.sem_alloc : memref<!tpu.dma_semaphore, #tpu.memory_space<semaphore_mem>>
        %dma_start3A = arith.constant 0 : i32
        %dma_start3A_238 = tpu.memref_slice %arg17[%dma_start3A] : memref<624xf32, #tpu.memory_space<vmem>> -> memref<16xf32, #tpu.memory_space<vmem>>
        %dma_start3A_239 = arith.constant 9984 : i32
        %dma_start3A_240 = tpu.memref_slice %arg19[%dma_start3A_239] : memref<10000xf32, #tpu.memory_space<vmem_shared>> -> memref<16xf32, #tpu.memory_space<vmem_shared>>
        %dma_start3A_241 = arith.constant 0 : i32
        %dma_start3A_242 = tpu.memref_slice %arg17[%dma_start3A_241] : memref<624xf32, #tpu.memory_space<vmem>> -> memref<16xf32, #tpu.memory_space<vmem>>
        %dma_start3A_243 = arith.constant 9984 : i32
        %dma_start3A_244 = tpu.memref_slice %arg19[%dma_start3A_243] : memref<10000xf32, #tpu.memory_space<vmem_shared>> -> memref<16xf32, #tpu.memory_space<vmem_shared>>
        tpu.enqueue_dma source(%dma_start3A_244 : memref<16xf32, #tpu.memory_space<vmem_shared>>) target(%dma_start3A_242 : memref<16xf32, #tpu.memory_space<vmem>>) target_semaphore(%run_scoped3A : memref<!tpu.dma_semaphore, #tpu.memory_space<semaphore_mem>>)
        %dma_wait3A = arith.constant 0 : i32
        %dma_wait3A_245 = tpu.memref_slice %arg17[%dma_wait3A] : memref<624xf32, #tpu.memory_space<vmem>> -> memref<16xf32, #tpu.memory_space<vmem>>
        %dma_wait3A_246 = arith.constant 9984 : i32
        %dma_wait3A_247 = tpu.memref_slice %arg19[%dma_wait3A_246] : memref<10000xf32, #tpu.memory_space<vmem_shared>> -> memref<16xf32, #tpu.memory_space<vmem_shared>>
        %dma_wait3A_248 = arith.constant 0 : i32
        %dma_wait3A_249 = tpu.memref_slice %arg17[%dma_wait3A_248] : memref<624xf32, #tpu.memory_space<vmem>> -> memref<16xf32, #tpu.memory_space<vmem>>
        %dma_wait3A_250 = arith.constant 9984 : i32
        %dma_wait3A_251 = tpu.memref_slice %arg19[%dma_wait3A_250] : memref<10000xf32, #tpu.memory_space<vmem_shared>> -> memref<16xf32, #tpu.memory_space<vmem_shared>>
        tpu.wait_dma2 semaphore(%run_scoped3A : memref<!tpu.dma_semaphore, #tpu.memory_space<semaphore_mem>>) src(%dma_wait3A_251 : memref<16xf32, #tpu.memory_space<vmem_shared>>) dst(%dma_wait3A_249 : memref<16xf32, #tpu.memory_space<vmem>>)
        tpu.yield
      }) : () -> ()
      %mul3A_234 = arith.constant 10000 : i32
      %mul3A_235 = arith.muli %arg0, %mul3A_234 : i32
      %add3A_236 = arith.constant 9984 : i32
      %add3A_237 = arith.addi %mul3A_235, %add3A_236 : i32
      "tpu.region"() ({
        %run_scoped3A = tpu.sem_alloc : memref<!tpu.dma_semaphore, #tpu.memory_space<semaphore_mem>>
        %dma_start3A = arith.constant 0 : i32
        %dma_start3A_238 = tpu.memref_slice %arg17[%dma_start3A] : memref<624xf32, #tpu.memory_space<vmem>> -> memref<16xf32, #tpu.memory_space<vmem>>
        %dma_start3A_239 = tpu.memref_slice %arg8[%add3A_237] : memref<20000xf32, #tpu.memory_space<hbm>> -> memref<16xf32, #tpu.memory_space<hbm>>
        %dma_start3A_240 = tpu.memref_slice %arg8[%add3A_237] : memref<20000xf32, #tpu.memory_space<hbm>> -> memref<16xf32, #tpu.memory_space<hbm>>
        %dma_start3A_241 = arith.constant 0 : i32
        %dma_start3A_242 = tpu.memref_slice %arg17[%dma_start3A_241] : memref<624xf32, #tpu.memory_space<vmem>> -> memref<16xf32, #tpu.memory_space<vmem>>
        tpu.enqueue_dma source(%dma_start3A_242 : memref<16xf32, #tpu.memory_space<vmem>>) target(%dma_start3A_240 : memref<16xf32, #tpu.memory_space<hbm>>) target_semaphore(%run_scoped3A : memref<!tpu.dma_semaphore, #tpu.memory_space<semaphore_mem>>)
        %dma_wait3A = arith.constant 0 : i32
        %dma_wait3A_243 = tpu.memref_slice %arg17[%dma_wait3A] : memref<624xf32, #tpu.memory_space<vmem>> -> memref<16xf32, #tpu.memory_space<vmem>>
        %dma_wait3A_244 = tpu.memref_slice %arg8[%add3A_237] : memref<20000xf32, #tpu.memory_space<hbm>> -> memref<16xf32, #tpu.memory_space<hbm>>
        %dma_wait3A_245 = tpu.memref_slice %arg8[%add3A_237] : memref<20000xf32, #tpu.memory_space<hbm>> -> memref<16xf32, #tpu.memory_space<hbm>>
        %dma_wait3A_246 = arith.constant 0 : i32
        %dma_wait3A_247 = tpu.memref_slice %arg17[%dma_wait3A_246] : memref<624xf32, #tpu.memory_space<vmem>> -> memref<16xf32, #tpu.memory_space<vmem>>
        tpu.wait_dma2 semaphore(%run_scoped3A : memref<!tpu.dma_semaphore, #tpu.memory_space<semaphore_mem>>) src(%dma_wait3A_247 : memref<16xf32, #tpu.memory_space<vmem>>) dst(%dma_wait3A_245 : memref<16xf32, #tpu.memory_space<hbm>>)
        tpu.yield
      }) : () -> ()
    } else {
    }
    return
  }
}

module attributes {stable_mosaic.version = 14 : i64} {
  func.func @_xw_body(%arg0: i32, %arg1: memref<1000x128xf32, #tpu.memory_space<vmem>>, %arg2: memref<128x512xf32, #tpu.memory_space<vmem>>, %arg3: memref<1000x512xf32, #tpu.memory_space<vmem>>) attributes {dimension_semantics = [#tpu.dimension_semantics<arbitrary>], iteration_bounds = array<i64: 10>, scalar_prefetch = 0 : i64, scratch_operands = 0 : i64, tpu.core_type = #tpu.core_type<tc>, window_params = [{transform_indices = @transform_0, window_bounds = array<i64: 1000, 128>}, {pipeline_mode = #tpu.pipeline_mode<synchronous>, transform_indices = @transform_1, window_bounds = array<i64: 128, 512>}, {transform_indices = @transform_2, window_bounds = array<i64: 1000, 512>}]} {
    %get3A = arith.constant 0 : index
    %get3A_0 = arith.constant 0 : index
    %get3A_1 = vector.load %arg1[%get3A, %get3A_0] : memref<1000x128xf32, #tpu.memory_space<vmem>>, vector<1000x128xf32>
    %get3A_2 = arith.constant 0 : index
    %get3A_3 = arith.constant 0 : index
    %get3A_4 = vector.load %arg2[%get3A_2, %get3A_3] : memref<128x512xf32, #tpu.memory_space<vmem>>, vector<128x512xf32>
    %dot_general3A = arith.constant dense<0.000000e+00> : vector<1000x512xf32>
    %dot_general3A_5 = tpu.matmul %get3A_1, %get3A_4, %dot_general3A {dimension_numbers = #tpu.dot_dimension_numbers<[1], [0], [0], [1], [0, 0, 1, 1], [], []>, transpose_lhs_hint = false} : vector<1000x128xf32>, vector<128x512xf32>, vector<1000x512xf32> -> vector<1000x512xf32>
    %swap3A = arith.constant 0 : index
    %swap3A_6 = arith.constant 0 : index
    %swap3A_7 = vector.load %arg3[%swap3A, %swap3A_6] : memref<1000x512xf32, #tpu.memory_space<vmem>>, vector<1000x512xf32>
    tpu.vector_store %arg3[%swap3A, %swap3A_6], %dot_general3A_5 {strides = array<i32>} : memref<1000x512xf32, #tpu.memory_space<vmem>>, vector<1000x512xf32>,
    return
  }
  func.func @transform_0(%arg0: i32) -> (i32, i32) {
    %c0_i32 = arith.constant 0 : i32
    %c0_i32_0 = arith.constant 0 : i32
    return %arg0, %c0_i32 : i32, i32
  }
  func.func @transform_1(%arg0: i32) -> (i32, i32) {
    %c0_i32 = arith.constant 0 : i32
    %c0_i32_0 = arith.constant 0 : i32
    %c0_i32_1 = arith.constant 0 : i32
    return %c0_i32, %c0_i32_0 : i32, i32
  }
  func.func @transform_2(%arg0: i32) -> (i32, i32) {
    %c0_i32 = arith.constant 0 : i32
    %c0_i32_0 = arith.constant 0 : i32
    return %arg0, %c0_i32 : i32, i32
  }
}

module attributes {stable_mosaic.version = 14 : i64} {
  func.func @_fin_body(%arg0: i32, %arg1: memref<2x1000x128xf32, #tpu.memory_space<vmem>>, %arg2: memref<1000x1xf32, #tpu.memory_space<vmem>>, %arg3: memref<1000x1xf32, #tpu.memory_space<vmem>>, %arg4: memref<128xf32, #tpu.memory_space<vmem>>, %arg5: memref<1000x128xf32, #tpu.memory_space<vmem>>) attributes {dimension_semantics = [#tpu.dimension_semantics<arbitrary>], iteration_bounds = array<i64: 10>, scalar_prefetch = 0 : i64, scratch_operands = 0 : i64, tpu.core_type = #tpu.core_type<tc>, window_params = [{transform_indices = @transform_0, window_bounds = array<i64: 2, 1000, 128>}, {transform_indices = @transform_1, window_bounds = array<i64: 1000, 1>}, {transform_indices = @transform_2, window_bounds = array<i64: 1000, 1>}, {pipeline_mode = #tpu.pipeline_mode<synchronous>, transform_indices = @transform_3, window_bounds = array<i64: 128>}, {transform_indices = @transform_4, window_bounds = array<i64: 1000, 128>}]} {
    %get3A = arith.constant 0 : index
    %get3A_0 = arith.constant 0 : index
    %get3A_1 = vector.load %arg2[%get3A, %get3A_0] : memref<1000x1xf32, #tpu.memory_space<vmem>>, vector<1000x1xf32>
    %get3A_2 = arith.constant 0 : index
    %get3A_3 = arith.constant 0 : index
    %get3A_4 = vector.load %arg3[%get3A_2, %get3A_3] : memref<1000x1xf32, #tpu.memory_space<vmem>>, vector<1000x1xf32>
    %add3A = arith.addf %get3A_1, %get3A_4 : vector<1000x1xf32>
    %jit3A = arith.constant 1.000000e+00 : f32
    %max3A = vector.broadcast %jit3A : f32 to vector<1000x1xf32>
    %max3A_5 = arith.maximumf %max3A, %add3A : vector<1000x1xf32>
    %get3A_6 = arith.constant 0 : index
    %get3A_7 = arith.constant 0 : index
    %get3A_8 = arith.constant 0 : index
    %get3A_9 = vector.load %arg1[%get3A_6, %get3A_7, %get3A_8] : memref<2x1000x128xf32, #tpu.memory_space<vmem>>, vector<1x1000x128xf32>
    %get3A_10 = vector.shape_cast %get3A_9 : vector<1x1000x128xf32> to vector<1000x128xf32>
    %get3A_11 = arith.constant 1 : index
    %get3A_12 = arith.constant 0 : index
    %get3A_13 = arith.constant 0 : index
    %get3A_14 = vector.load %arg1[%get3A_11, %get3A_12, %get3A_13] : memref<2x1000x128xf32, #tpu.memory_space<vmem>>, vector<1x1000x128xf32>
    %get3A_15 = vector.shape_cast %get3A_14 : vector<1x1000x128xf32> to vector<1000x128xf32>
    %add3A_16 = arith.addf %get3A_10, %get3A_15 : vector<1000x128xf32>
    %div3A = vector.broadcast %max3A_5 : vector<1000x1xf32> to vector<1000x128xf32>
    %div3A_17 = arith.divf %add3A_16, %div3A : vector<1000x128xf32>
    %get3A_18 = arith.constant 0 : index
    %get3A_19 = vector.load %arg4[%get3A_18] : memref<128xf32, #tpu.memory_space<vmem>>, vector<128xf32>
    %broadcast_in_dim3A = vector.shape_cast %get3A_19 : vector<128xf32> to vector<1x128xf32>
    %add3A_20 = vector.broadcast %broadcast_in_dim3A : vector<1x128xf32> to vector<1000x128xf32>
    %add3A_21 = arith.addf %div3A_17, %add3A_20 : vector<1000x128xf32>
    %swap3A = arith.constant 0 : index
    %swap3A_22 = arith.constant 0 : index
    %swap3A_23 = vector.load %arg5[%swap3A, %swap3A_22] : memref<1000x128xf32, #tpu.memory_space<vmem>>, vector<1000x128xf32>
    tpu.vector_store %arg5[%swap3A, %swap3A_22], %add3A_21 {strides = array<i32>} : memref<1000x128xf32, #tpu.memory_space<vmem>>, vector<1000x128xf32>,
    return
  }
  func.func @transform_0(%arg0: i32) -> (i32, i32, i32) {
    %c0_i32 = arith.constant 0 : i32
    %c0_i32_0 = arith.constant 0 : i32
    %c0_i32_1 = arith.constant 0 : i32
    return %c0_i32, %arg0, %c0_i32_0 : i32, i32, i32
  }
  func.func @transform_1(%arg0: i32) -> (i32, i32) {
    %c0_i32 = arith.constant 0 : i32
    %c0_i32_0 = arith.constant 0 : i32
    return %arg0, %c0_i32 : i32, i32
  }
  func.func @transform_2(%arg0: i32) -> (i32, i32) {
    %c0_i32 = arith.constant 0 : i32
    %c0_i32_0 = arith.constant 0 : i32
    return %arg0, %c0_i32 : i32, i32
  }
  func.func @transform_3(%arg0: i32) -> i32 {
    %c0_i32 = arith.constant 0 : i32
    %c0_i32_0 = arith.constant 0 : i32
    return %c0_i32 : i32
  }
  func.func @transform_4(%arg0: i32) -> (i32, i32) {
    %c0_i32 = arith.constant 0 : i32
    %c0_i32_0 = arith.constant 0 : i32
    return %arg0, %c0_i32 : i32, i32
  }
}

</mosaic_0001>

<sc_bundles>
// kernel: kernel.5.cloned.1.call-start
scs
__scs_entry_jumppad:
0x0: {  	(pc) =	sbr.rel $0x88, $3  }
0x1: {  	(tag) =	ssettag $0x0;
	lr =	simm.s32 $0x1  }
0x2: {  	[smem:$0x3F9C] =	sst lr;
	_ =	strace $0xD0000000  }
0x3: {  	_ = 	snop  }
0x4: {  	_ = 	snop  }
0x5: {  	_ = 	snop  }
0x6: {  	_ = 	snop  }
0x7: {  	_ = 	snop  }
__scs_overlays_trampoline_lowered:
0x8: {  	[smem:$0x3FAB] =	sst s0  }
0x9: {  	[smem:$0x3FAC] =	sst s1  }
0xa: {  	[smem:$0x3FAD] =	sst s2  }
0xb: {  	[smem:$0x3FAE] =	sst s3  }
0xc: {  	[smem:$0x3FAF] =	sst s4  }
0xd: {  	[smem:$0x3FB0] =	sst s5  }
0xe: {  	[smem:$0x3FB1] =	sst s6  }
0xf: {  	[smem:$0x3FB2] =	sst s7  }
0x10: {  	[smem:$0x3FB3] =	sst s8  }
0x11: {  	[smem:$0x3FB4] =	sst s9;
	s0 =	simm.s32 @!p0 $0x0  }
0x12: {  	s1 =	sld [smem:$0x3F9A];
	s0 =	simm.s32 @p0 $0x1  }
0x13: {  	[smem:$0x3FB5] =	sst s0;
	s0 =	simm.s32 @!p1 $0x0  }
0x14: {  	s2 =	sld [smem:$0x3F99];
	s0 =	simm.s32 @p1 $0x1  }
0x15: {  	[smem:$0x3FB6] =	sst s0;
	s0 =	simm.s32 @!p2 $0x0  }
0x16: {  	s3 =	sld [smem:$0x3FDB];
	s0 =	simm.s32 @p2 $0x1  }
0x17: {  	s4 =	simm.s32 $0x1BF5;
	[smem:$0x3FB8] =	sst s0  }
0x18: {  	s0 =	sld [smem:$0x3F9B];
	_ =	swait.ge [sflag:s4], $0x0  }
0x19: {  	s7 =	sld [smem:$0x3F9C]  }
0x1a: {  	s8 =	sadd.s32 $0xFFFFE003, lr  }
0x1b: {  	s9 =	sadd.s32 $0xFFFFFEF7, lr;
	s5 =	simm.s32 $0xFFFFFFFF;
	p2 =	slt.u32 s8, $0xFFFFF086  }
0x1c: {  	p1 =	slt.u32 s9, $0xF7A;
	s5 =	simm.s32 @!p2 $0x0  }
0x1d: {  	s5 =	simm.s32 @p1 $0x1;
	p0 =	seq.s32 s7, s2  }
0x1e: {  	s7 =	smul.u32 @!p0 $0xF7A, s2;
	p2 =	seq.s32 @!p0 s5, $0x0  }
0x1f: {  	s9 =	smul.u32 $0xF7A, s1;
	s8 =	simm.s32 @!p0 $0x1BF5;
	p2 =	por !p2, p0  }
0x20: {  	[sflag:s8] =	ssyncset.s32 @!p0 $0xFFFFF086;
	s6 =	sadd.s32 @!p0 s3, s7;
	s7 =	simm.s32 @!p0 $0x108  }
0x21: {  	s3 =	sadd.s32 s3, s9;
	s6 =	sadd.s32 @!p0 $0x88, s6;
	s7 =	simm.s32 @p2 $0x1082  }
0x22: {  	[simem:s7], [sflag:s8] =	dma.local @!p0 [hbm:s6], $0xF7A  }
0x23: {  	s9 =	sor.u32 $0xD0000000, s2;
	s6 =	simm.s32 $0x108;
	_ =	swait.ge @!p0 [sflag:s8], $0x0  }
0x24: {  	s3 =	sadd.s32 $0x88, s3;
	s6 =	simm.s32 @!p1 $0x1082;
	[sflag:s4] =	ssyncset.s32 $0xFFFFF086  }
0x25: {  	[simem:s6], [sflag:s4] =	dma.local [hbm:s3], $0xF7A  }
0x26: {  	[smem:$0x3F9C] =	sst s1;
	(tag) =	ssettag s2;
	_ =	strace s9  }
0x27: {  	s1 =	sld [smem:$0x3FAC]  }
0x28: {  	s2 =	sld [smem:$0x3FAD]  }
0x29: {  	s4 =	sld [smem:$0x3FAF]  }
0x2a: {  	p0 =	seq.s32 s5, $0x0;
	s5 =	sld [smem:$0x3FB0]  }
0x2b: {  	s6 =	sld [smem:$0x3FB1]  }
0x2c: {  	s7 =	sld [smem:$0x3FB2]  }
0x2d: {  	s3 =	simm.s32 $0x108;
	s8 =	sld [smem:$0x3FB3]  }
0x2e: {  	s3 =	simm.s32 @!p0 $0x1082;
	s9 =	sld [smem:$0x3FB4]  }
0x2f: {  	lr =	sadd.s32 s0, s3;
	s0 =	sld [smem:$0x3FAB]  }
0x30: {  	s3 =	sld [smem:$0x3FAE]  }
0x31: {  	[smem:$0x3FB7] =	sst s10  }
0x32: {  	s10 =	sld [smem:$0x3FB5];
	_ =	sdelay $0x3  }
0x33: {  	p0 =	seq.s32 s10, $0x1;
	s10 =	sld [smem:$0x3FB7];
	_ =	sdelay $0x3  }
0x34: {  	[smem:$0x3FB7] =	sst s10  }
0x35: {  	s10 =	sld [smem:$0x3FB6];
	_ =	sdelay $0x3  }
0x36: {  	p1 =	seq.s32 s10, $0x1;
	s10 =	sld [smem:$0x3FB7];
	_ =	sdelay $0x3  }
0x37: {  	[smem:$0x3FB7] =	sst s10  }
0x38: {  	s10 =	sld [smem:$0x3FB8]  }
0x39: {  	_ = 	snop;
	(pc) =	sbr.ind lr, $3  }
0x3a: {  	_ = 	snop  }
0x3b: {  	_ = 	snop  }
0x3c: {  	p2 =	seq.s32 s10, $0x1;
	s10 =	sld [smem:$0x3FB7]  }
0x3d: {  	_ =	shalt  }
0x3e: {  	_ =	shalt  }
0x3f: {  	_ =	shalt  }
0x40: {  	_ =	shalt  }
0x41: {  	_ =	shalt  }
0x42: {  	_ =	shalt  }
0x43: {  	_ =	shalt  }
0x44: {  	_ =	shalt  }
0x45: {  	_ =	shalt  }
0x46: {  	_ =	shalt  }
0x47: {  	_ =	shalt  }
0x48: {  	_ =	shalt  }
0x49: {  	_ =	shalt  }
0x4a: {  	_ =	shalt  }
0x4b: {  	_ =	shalt  }
0x4c: {  	_ =	shalt  }
0x4d: {  	_ =	shalt  }
0x4e: {  	_ =	shalt  }
0x4f: {  	_ =	shalt  }
0x50: {  	_ =	shalt  }
0x51: {  	_ =	shalt  }
0x52: {  	_ =	shalt  }
0x53: {  	_ =	shalt  }
0x54: {  	_ =	shalt  }
0x55: {  	_ =	shalt  }
0x56: {  	_ =	shalt  }
0x57: {  	_ =	shalt  }
0x58: {  	_ =	shalt  }
0x59: {  	_ =	shalt  }
0x5a: {  	_ =	shalt  }
0x5b: {  	_ =	shalt  }
0x5c: {  	_ =	shalt  }
0x5d: {  	_ =	shalt  }
0x5e: {  	_ =	shalt  }
0x5f: {  	_ =	shalt  }
0x60: {  	_ =	shalt  }
0x61: {  	_ =	shalt  }
0x62: {  	_ =	shalt  }
0x63: {  	_ =	shalt  }
0x64: {  	_ =	shalt  }
0x65: {  	_ =	shalt  }
0x66: {  	_ =	shalt  }
0x67: {  	_ =	shalt  }
0x68: {  	_ =	shalt  }
0x69: {  	_ =	shalt  }
0x6a: {  	_ =	shalt  }
0x6b: {  	_ =	shalt  }
0x6c: {  	_ =	shalt  }
0x6d: {  	_ =	shalt  }
0x6e: {  	_ =	shalt  }
0x6f: {  	_ =	shalt  }
0x70: {  	_ =	shalt  }
0x71: {  	_ =	shalt  }
0x72: {  	_ =	shalt  }
0x73: {  	_ =	shalt  }
0x74: {  	_ =	shalt  }
0x75: {  	_ =	shalt  }
0x76: {  	_ =	shalt  }
0x77: {  	_ =	shalt  }
0x78: {  	_ =	shalt  }
0x79: {  	_ =	shalt  }
0x7a: {  	_ =	shalt  }
0x7b: {  	_ =	shalt  }
0x7c: {  	_ =	shalt  }
0x7d: {  	_ =	shalt  }
0x7e: {  	_ =	shalt  }
0x7f: {  	_ =	shalt  }
0x80: {  	_ =	shalt  }
0x81: {  	_ =	shalt  }
0x82: {  	_ =	shalt  }
0x83: {  	_ =	shalt  }
0x84: {  	_ =	shalt  }
0x85: {  	_ =	shalt  }
0x86: {  	_ =	shalt  }
0x87: {  	_ =	shalt  }
.Lfunc_end0:
.L_simem_size_0:
called_computation_lowered:
.L_overlay_start_0:
0x88: {  	s2 =	sld [smem:$0x3FD9]  }
0x89: {  	s3 =	sld [smem:$0x3FFE];
	_ =	sdelay $0x1  }
0x8a: {  	s1 =	srdreg.scid  }
0x8b: {  	s0 =	sand.u32 $0x1, s1  }
0x8c: {  	s17 =	sshll.u32 s0, $0xA;
	s2 =	sadd.s32 s3, s2  }
0x8d: {  	s2 =	sadd.s32 s2, s17  }
0x8e: {  	[smem:$0x3FC3] =	sst s2  }
0x8f: {  	_ = 	snop  }
0x90: {  	s2 =	sld [smem:$0x3FD0];
	(tm) =	ssettm $0x1  }
0x91: {  	s18 =	sld [smem:$0x3FFB];
	_ =	sdelay $0x3  }
0x92: {  	_ =	strace s18  }
0x93: {  	s3 =	sld [smem:$0x3FFC];
	_ =	sdelay $0x3  }
0x94: {  	_ =	strace s3  }
0x95: {  	s3 =	sld [smem:$0x3FFD];
	_ =	sdelay $0x3  }
0x96: {  	_ =	strace s3  }
0x97: {  	_ =	strace $0x8FFFFFFF  }
0x98: {  	s19 =	sld [smem:$0x3FDB];
	_ =	sdelay $0x1  }
0x99: {  	s4 =	simm.s32 $_scs_section_size  }
0x9a: {  	s5 =	simm.s32 $_size__tile_overlayer_lowered;
	s6 =	simm.s32 $_tile_overlayer_lowered  }
0x9b: {  	s22 =	simm.s32 $0x1BFF;
	s21 =	sshll.u32 s6, $0x1;
	s3 =	sadd.s32 s4, s19  }
0x9c: {  	s7 =	simm.s32 $0x0;
	s20 =	sshll.u32 s5, $0x1;
	s5 =	sadd.s32 s21, s3  }
0x9d: {  	[timem:s7], [sflag:s22] =	dma.local [hbm:s5], s20  }
0x9e: {  	_ =	swait.ge [sflag:s22], s20  }
0x9f: {  	s4 =	ssub.s32 $0x0, s20;
	[sflag:s22] =	ssyncset.done $0x0  }
0xa0: {  	[sflag:s22] =	ssyncadd.s32 s4;
	_ =	sdelay $0x1  }
0xa1: {  	s23 =	simm.s32 $0x1B8B  }
0xa2: {  	_ =	swait.ge [sflag:s23], $0x1  }
0xa3: {  	[sflag:s23] =	ssyncset.done $0x0  }
0xa4: {  	s25 =	simm.s32 $0x1B8E;
	s24 =	sld [smem:$0x3FFE];
	[sflag:s23] =	ssyncadd.s32 $0xFFFFFFFF  }
0xa5: {  	s26 =	simm.s32 $execute0_lowered;
	[smem:$0x3FD2] =	sst s25  }
0xa6: {  	s5 =	sshll.u32 s26, $0x1;
	_ =	strace $0x80000046;
	[dreg:$0x1] =	wrdreg $0xFFFFFFFF  }
0xa7: {  	s28 =	simm.s32 $_size_execute0_lowered;
	s3 =	sadd.s32 s3, s5;
	[dreg:$0x0] =	wrdreg $0x0  }
0xa8: {  	s5 =	sshll.u32 s28, $0x1;
	[dreg:$0x2] =	wrdreg s3  }
0xa9: {  	[dreg:$0x3] =	wrdreg s5  }
0xaa: {  	[dreg:$0x4] =	wrdreg $0xC0  }
0xab: {  	_ =	task [dreg:s7], $0x5FFFF  }
0xac: {  	[dreg:$0x1] =	wrdreg $0xFFFFFFFF  }
0xad: {  	[dreg:$0x0] =	wrdreg $0x60  }
0xae: {  	[dreg:$0x2] =	wrdreg s24  }
0xaf: {  	[dreg:$0x3] =	wrdreg s2  }
0xb0: {  	[dreg:$0x4] =	wrdreg $0x6B000  }
0xb1: {  	[dreg:$0x5] =	wrdreg $0x1A3800  }
0xb2: {  	[dreg:$0x6] =	wrdreg $0x9  }
0xb3: {  	_ =	task.clear_ibuf [dreg:s7], $0x7FFFF;
	_ =	strace $0x90000046  }
0xb4: {  	s29 =	simm.s32 $0x9;
	_ =	strace $0x80000048  }
0xb5: {  	_ =	swait.ge [sflag:s29], $0x1  }
0xb6: {  	[sflag:s29] =	ssyncadd.s32 $0xFFFFFFFF  }
0xb7: {  	_ =	strace $0x90000048  }
0xb8: {  	_ =	sfence  }
0xb9: {  	s30 =	sld [smem:$0x0];
	_ =	sdelay $0x2  }
0xba: {  	s31 =	sshll.u32 s1, $0xD;
	s1 =	sshrl.u32 s1, $0x2  }
0xbb: {  	s3 =	sand.u32 $0x4000, s31;
	s1 =	sadd.s32 s1, s30  }
0xbc: {  	s0 =	sor.u32 s3, s0;
	s1 =	sshll.u32 s1, $0x11  }
0xbd: {  	s0 =	sor.u32 s1, s0  }
0xbe: {  	s0 =	sadd.s32 $0x8F2B, s0  }
0xbf: {  	[sflag:s0] =	ssyncadd.remote.s32 $0x1  }
0xc0: {  	_ =	sfence.sel $0xFFFF  }
0xc1: {  	[dreg:$0x0] =	wrdreg $0xFFFFFFFF;
	(pc) =	sbr.abs _section_cstart, $3  }
0xc2: {  	[dreg:$0x1] =	wrdreg $0xFFFFFFFF  }
0xc3: {  	_ =	task.clear_ibuf [dreg:s7], $0x2FFFF;
	_ =	strace $0x9FFFFFFF  }
0xc4: {  	(tm) =	ssettm $0x7FFFFFFF  }
0xc5: {  	_ =	shalt  }
tec
execute0_lowered:
.L_overlay_start_1:
0x0: {  	(tag) =	ssettag $0x1  }
0x1: {  	s0 =	srdreg.scid  }
0x2: {  	s3 =	stileid.u32;
	s28 =	simm.s32 $0x1400;
	s29 =	simm.s32 $0x1C00  }
0x3: {  	s30 =	simm.s32 $0x2400;
	s31 =	simm.s32 $0x2C00;
	s2 =	smul.u32 $0x270, s3  }
0x4: {  	s19 =	sand.u32 $0x1, s0;
	s0 =	rddreg [dreg:$0x0];
	s17 =	smul.u32 $0x13800, s3  }
0x5: {  	p0 =	sne.s32 s3, $0x0;
	s1 =	ssub.s32 $0x2, s19;
	s20 =	sadd.s32 $0xBAE00, s0  }
0x6: {  	s21 =	smul.u32 $0x138800, s19;
	s4 =	sshrl.u32 s1, $0x1;
	s18 =	sshll.u32 s2, $0x7  }
0x7: {  	s1 =	ssub.s32 s1, s4;
	s4 =	sadd.s32 $0x1400, s18;
	s5 =	sadd.s32 $0x2800, s18  }
0x8: {  	s6 =	sadd.s32 $0x3C00, s18;
	s7 =	sadd.s32 $0x5000, s18;
	s8 =	sadd.s32 $0x6400, s18  }
0x9: {  	s9 =	sadd.s32 $0x7800, s18;
	s10 =	sadd.s32 $0x8C00, s18;
	s11 =	sadd.s32 $0xA000, s18  }
0xa: {  	s12 =	sadd.s32 $0xB400, s18;
	s13 =	sadd.s32 $0xC800, s18;
	s14 =	sadd.s32 $0xDC00, s18  }
0xb: {  	s15 =	sadd.s32 $0xF000, s18;
	s16 =	sadd.s32 $0x10400, s18;
	s22 =	sadd.s32 s17, s21  }
0xc: {  	s17 =	sadd.s32 $0x11800, s18;
	s22 =	sshrl.u32 s22, $0x3;
	s23 =	sadd.s32 s21, s4  }
0xd: {  	s18 =	sadd.s32 $0x12C00, s18;
	s22 =	sadd.s32 s20, s22;
	s26 =	sshrl.u32 s23, $0x3  }
0xe: {  	s23 =	sadd.s32 s21, s5;
	[dreg:$0x5] =	wrdreg s22;
	s22 =	sadd.s32 s20, s26  }
0xf: {  	s24 =	sadd.s32 s21, s6;
	[dreg:$0x6] =	wrdreg s22;
	s22 =	sshrl.u32 s23, $0x3  }
0x10: {  	s23 =	sshrl.u32 s24, $0x3;
	s24 =	sadd.s32 s21, s7;
	s22 =	sadd.s32 s20, s22  }
0x11: {  	s25 =	sadd.s32 s20, s23;
	s26 =	sshrl.u32 s24, $0x3;
	[dreg:$0x7] =	wrdreg s22  }
0x12: {  	s23 =	sadd.s32 s21, s8;
	[dreg:$0x8] =	wrdreg s25;
	s22 =	sadd.s32 s20, s26  }
0x13: {  	s24 =	sadd.s32 s21, s9;
	[dreg:$0x9] =	wrdreg s22;
	s22 =	sshrl.u32 s23, $0x3  }
0x14: {  	s25 =	sadd.s32 s21, s10;
	s23 =	sshrl.u32 s24, $0x3;
	s22 =	sadd.s32 s20, s22  }
0x15: {  	s24 =	sadd.s32 s21, s11;
	s26 =	sadd.s32 s20, s23;
	[dreg:$0xa] =	wrdreg s22  }
0x16: {  	s23 =	sshrl.u32 s25, $0x3;
	s25 =	sadd.s32 s21, s12;
	[dreg:$0xb] =	wrdreg s26  }
0x17: {  	s22 =	sadd.s32 s20, s23;
	s23 =	sshrl.u32 s25, $0x3;
	s26 =	sadd.s32 s21, s13  }
0x18: {  	[dreg:$0xc] =	wrdreg s22;
	s22 =	sshrl.u32 s24, $0x3;
	s25 =	sadd.s32 s20, s23  }
0x19: {  	s26 =	sshrl.u32 s26, $0x3;
	s22 =	sadd.s32 s20, s22;
	[dreg:$0xe] =	wrdreg s25  }
0x1a: {  	s23 =	sadd.s32 s21, s14;
	[dreg:$0xd] =	wrdreg s22;
	s22 =	sadd.s32 s20, s26  }
0x1b: {  	s24 =	sadd.s32 s21, s15;
	s25 =	sadd.s32 s21, s16;
	[dreg:$0xf] =	wrdreg s22  }
0x1c: {  	s22 =	sshrl.u32 s23, $0x3;
	s23 =	sshrl.u32 s24, $0x3;
	s24 =	sadd.s32 s21, s17  }
0x1d: {  	s22 =	sadd.s32 s20, s22;
	s26 =	sadd.s32 s20, s23;
	s23 =	sshrl.u32 s25, $0x3  }
0x1e: {  	s25 =	sadd.s32 s21, s18;
	s21 =	sshrl.u32 s21, $0x3;
	[dreg:$0x10] =	wrdreg s22  }
0x1f: {  	[dreg:$0x11] =	wrdreg s26;
	s22 =	sadd.s32 s20, s23;
	s23 =	sshrl.u32 s25, $0x3  }
0x20: {  	[dreg:$0x12] =	wrdreg s22;
	s22 =	sshrl.u32 s24, $0x3;
	s26 =	sadd.s32 s20, s23  }
0x21: {  	s24 =	smul.u32 $0x2710, s19;
	s23 =	simm.s32 $0x0;
	[dreg:$0x14] =	wrdreg s26  }
0x22: {  	s22 =	sadd.s32 s20, s22;
	s20 =	sadd.s32 s20, s21;
	[smem:$0x7FF] =	sst s23  }
0x23: {  	s26 =	sadd.s32 $0xBA400, s0;
	[dreg:$0x13] =	wrdreg s22;
	s25 =	sadd.s32 s2, s24  }
0x24: {  	s23 =	sshrl.u32 s24, $0x3;
	s24 =	rddreg [dreg:$0x2];
	s21 =	sshrl.u32 s25, $0x3  }
0x25: {  	s19 =	sshll.u32 s19, $0x4;
	s22 =	rddreg [dreg:$0x3];
	s21 =	sadd.s32 s26, s21  }
0x26: {  	s19 =	sor.u32 s3, s19;
	s4 =	sadd.s32 s4, s24;
	[dreg:$0x15] =	wrdreg s21  }
0x27: {  	s5 =	sadd.s32 s5, s24;
	_ =	strace $0x80000047;
	[dreg:$0x17] =	wrdreg s4  }
0x28: {  	s20 =	sadd.s32 $0x27000, s20;
	s6 =	sadd.s32 s6, s24;
	[dreg:$0x18] =	wrdreg s5  }
0x29: {  	s25 =	smul.u32 $0x4E000, s3;
	s7 =	sadd.s32 s7, s24;
	[dreg:$0x19] =	wrdreg s6  }
0x2a: {  	s8 =	sadd.s32 s8, s24;
	s9 =	sadd.s32 s9, s24;
	[dreg:$0x1a] =	wrdreg s7  }
0x2b: {  	s10 =	sadd.s32 s10, s24;
	s11 =	sadd.s32 s11, s24;
	[dreg:$0x1b] =	wrdreg s8  }
0x2c: {  	s12 =	sadd.s32 s12, s24;
	s13 =	sadd.s32 s13, s24;
	[dreg:$0x1c] =	wrdreg s9  }
0x2d: {  	s14 =	sadd.s32 s14, s24;
	s15 =	sadd.s32 s15, s24;
	[dreg:$0x1d] =	wrdreg s10  }
0x2e: {  	s16 =	sadd.s32 s16, s24;
	s17 =	sadd.s32 s17, s24;
	[dreg:$0x1e] =	wrdreg s11  }
0x2f: {  	s18 =	sadd.s32 s18, s24;
	s2 =	sadd.s32 s2, s22;
	[dreg:$0x1f] =	wrdreg s12  }
0x30: {  	s3 =	simm.s32 $0x28;
	s21 =	sadd.s32 s26, s23;
	[smem:$0x7F2] =	sst s13  }
0x31: {  	s26 =	sshrl.u32 s25, $0x2;
	s25 =	smax.u32 s1, $0x1;
	[smem:$0x7F3] =	sst s14  }
0x32: {  	s1 =	simm.s32 $0x4400;
	s23 =	sadd.s32 s26, s24;
	[smem:$0x7F4] =	sst s15  }
0x33: {  	[smem:$0x7F5] =	sst s2;
	s7 =	smul.u32 $0x2710, s19;
	s8 =	sadd.s32 $0x600, s0  }
0x34: {  	s9 =	sadd.s32 $0x14200, s0;
	s10 =	sadd.s32 $0xA400, s0;
	[smem:$0x7F6] =	sst s20  }
0x35: {  	s11 =	sadd.s32 $0x1E000, s0;
	s12 =	sadd.s32 $0x1E100, s0;
	[smem:$0x7F8] =	sst s25  }
0x36: {  	s21 =	sadd.s32 $0x4E0, s21;
	s26 =	sadd.s32 $0x2700, s22;
	[smem:$0x7FA] =	sst s16  }
0x37: {  	s14 =	simm.s32 $0x5400;
	s15 =	simm.s32 $0x1;
	[smem:$0x7FB] =	sst s17  }
0x38: {  	s25 =	simm.s32 $0x400;
	s20 =	simm.s32 $0x3400;
	[smem:$0x7FC] =	sst s18  }
0x39: {  	s0 =	simm.s32 $0x3C00;
	s2 =	simm.s32 $0x4C00;
	[smem:$0x7F7] =	sst s21  }
0x3a: {  	v0 =	vimm.f32 $0.0e+00;
	v4 =	vlaneseq.u32;
	s4 =	simm.s32 $0x6800;
	s13 =	simm.s32 $0x0;
	[smem:$0x7F9] =	sst s26  }
0x3b: {  	v1 =	vimm.f32 $1.000000000e+00;
	vm0 =	vmmov $0xffff;
	v3 =	vshrl.u32 v4, $0x3;
	s21 =	sadd.s32 $0x138000, s24;
	s24 =	smov.u32 s22;
	[dreg:$0x16] =	wrdreg s23  }
0x3c: {  	v2 =	vand.u32 $0x7, v4;
	v4 =	vor.u32 $0x8, v4;
	v3 =	vmul.u32 $0x8, v3;
	s22 =	simm.s32 $0x80;
	s26 =	simm.s32 $0xC00;
	[smem:$0x7FD] =	sst s21  }
.LBB2_1:
0x3d: {  	[smem:$0x7F1] =	sst s13;
	s5 =	simm.s32 $0x0;
	s6 =	simm.s32 $0x200  }
.LBB2_2:
0x3e: {  	p1 =	sne.s32 s6, $0x4E00;
	[tilespmem:s5+$0x5470] =	vst v0  }
0x3f: {  	[tilespmem:s5+$0x5400] =	vst v0  }
0x40: {  	[tilespmem:s5+$0x5410] =	vst v0  }
.Ltmp0:
0x41: {  	[tilespmem:s5+$0x5420] =	vst v0;
	(pc) =	sbr.rel @p1 .LBB2_2-.Ltmp0, $4  }
0x42: {  	[tilespmem:s5+$0x5430] =	vst v0  }
0x43: {  	[tilespmem:s5+$0x5440] =	vst v0  }
0x44: {  	[tilespmem:s5+$0x5450] =	vst v0  }
0x45: {  	[tilespmem:s5+$0x5460] =	vst v0;
	s5 =	sshra.s32 s6, $0x2;
	s6 =	sadd.s32 $0x200, s6  }
0x46: {  	[tilespmem:s5+$0x5470] =	vst v0  }
0x47: {  	[tilespmem:s5+$0x5400] =	vst v0  }
0x48: {  	[tilespmem:s5+$0x5410] =	vst v0  }
0x49: {  	[tilespmem:s5+$0x5420] =	vst v0  }
0x4a: {  	[tilespmem:s5+$0x5430] =	vst v0  }
0x4b: {  	[tilespmem:s5+$0x5440] =	vst v0  }
0x4c: {  	[tilespmem:s5+$0x5450] =	vst v0  }
0x4d: {  	[tilespmem:s5+$0x5460] =	vst v0  }
0x4e: {  	[spmem:s23] =	stream.linear.scatter [tilespmem:s14], [sflag:$0x1], $0x1400, $0x38;
	[tilespmem:$0x1A5F8] =	vst v63  }
0x4f: {  	_ =	swait.ge [sflag:s15], $0x1400  }
0x50: {  	[sflag:s15] =	ssyncset.done $0x0  }
0x51: {  	s23 =	rddreg [dreg:$0x17];
	[sflag:s15] =	ssyncadd.s32 $0xFFFFEC00  }
0x52: {  	[spmem:s23] =	stream.linear.scatter [tilespmem:s14], [sflag:$0x1], $0x1400, $0x38;
	[tilespmem:$0x1A5F8] =	vst v63  }
0x53: {  	_ =	swait.ge [sflag:s15], $0x1400  }
0x54: {  	[sflag:s15] =	ssyncset.done $0x0  }
0x55: {  	s6 =	rddreg [dreg:$0x18];
	[sflag:s15] =	ssyncadd.s32 $0xFFFFEC00  }
0x56: {  	[spmem:s6] =	stream.linear.scatter [tilespmem:s14], [sflag:$0x1], $0x1400, $0x38;
	[tilespmem:$0x1A5F8] =	vst v63  }
0x57: {  	_ =	swait.ge [sflag:s15], $0x1400  }
0x58: {  	[sflag:s15] =	ssyncset.done $0x0  }
0x59: {  	s13 =	rddreg [dreg:$0x19];
	[sflag:s15] =	ssyncadd.s32 $0xFFFFEC00  }
0x5a: {  	[spmem:s13] =	stream.linear.scatter [tilespmem:s14], [sflag:$0x1], $0x1400, $0x38;
	[tilespmem:$0x1A5F8] =	vst v63  }
0x5b: {  	_ =	swait.ge [sflag:s15], $0x1400  }
0x5c: {  	[sflag:s15] =	ssyncset.done $0x0  }
0x5d: {  	s19 =	rddreg [dreg:$0x1a];
	[sflag:s15] =	ssyncadd.s32 $0xFFFFEC00  }
0x5e: {  	[spmem:s19] =	stream.linear.scatter [tilespmem:s14], [sflag:$0x1], $0x1400, $0x38;
	[tilespmem:$0x1A5F8] =	vst v63  }
0x5f: {  	_ =	swait.ge [sflag:s15], $0x1400  }
0x60: {  	[sflag:s15] =	ssyncset.done $0x0  }
0x61: {  	s23 =	rddreg [dreg:$0x1b];
	[sflag:s15] =	ssyncadd.s32 $0xFFFFEC00  }
0x62: {  	[spmem:s23] =	stream.linear.scatter [tilespmem:s14], [sflag:$0x1], $0x1400, $0x38;
	[tilespmem:$0x1A5F8] =	vst v63  }
0x63: {  	_ =	swait.ge [sflag:s15], $0x1400  }
0x64: {  	[sflag:s15] =	ssyncset.done $0x0  }
0x65: {  	s6 =	rddreg [dreg:$0x1c];
	[sflag:s15] =	ssyncadd.s32 $0xFFFFEC00  }
0x66: {  	[spmem:s6] =	stream.linear.scatter [tilespmem:s14], [sflag:$0x1], $0x1400, $0x38;
	[tilespmem:$0x1A5F8] =	vst v63  }
0x67: {  	_ =	swait.ge [sflag:s15], $0x1400  }
0x68: {  	[sflag:s15] =	ssyncset.done $0x0  }
0x69: {  	s13 =	rddreg [dreg:$0x1d];
	[sflag:s15] =	ssyncadd.s32 $0xFFFFEC00  }
0x6a: {  	[spmem:s13] =	stream.linear.scatter [tilespmem:s14], [sflag:$0x1], $0x1400, $0x38;
	[tilespmem:$0x1A5F8] =	vst v63  }
0x6b: {  	_ =	swait.ge [sflag:s15], $0x1400  }
0x6c: {  	[sflag:s15] =	ssyncset.done $0x0  }
0x6d: {  	s19 =	rddreg [dreg:$0x1e];
	[sflag:s15] =	ssyncadd.s32 $0xFFFFEC00  }
0x6e: {  	[spmem:s19] =	stream.linear.scatter [tilespmem:s14], [sflag:$0x1], $0x1400, $0x38;
	[tilespmem:$0x1A5F8] =	vst v63  }
0x6f: {  	_ =	swait.ge [sflag:s15], $0x1400  }
0x70: {  	[sflag:s15] =	ssyncset.done $0x0  }
0x71: {  	s23 =	rddreg [dreg:$0x1f];
	[sflag:s15] =	ssyncadd.s32 $0xFFFFEC00  }
0x72: {  	[spmem:s23] =	stream.linear.scatter [tilespmem:s14], [sflag:$0x1], $0x1400, $0x38;
	[tilespmem:$0x1A5F8] =	vst v63  }
0x73: {  	_ =	swait.ge [sflag:s15], $0x1400  }
0x74: {  	s6 =	sld [smem:$0x7F2]  }
0x75: {  	[sflag:s15] =	ssyncset.done $0x0  }
0x76: {  	[sflag:s15] =	ssyncadd.s32 $0xFFFFEC00  }
0x77: {  	[spmem:s6] =	stream.linear.scatter [tilespmem:s14], [sflag:$0x1], $0x1400, $0x38;
	[tilespmem:$0x1A5F8] =	vst v63  }
0x78: {  	_ =	swait.ge [sflag:s15], $0x1400  }
0x79: {  	s13 =	sld [smem:$0x7F3]  }
0x7a: {  	[sflag:s15] =	ssyncset.done $0x0  }
0x7b: {  	[sflag:s15] =	ssyncadd.s32 $0xFFFFEC00  }
0x7c: {  	[spmem:s13] =	stream.linear.scatter [tilespmem:s14], [sflag:$0x1], $0x1400, $0x38;
	[tilespmem:$0x1A5F8] =	vst v63  }
0x7d: {  	_ =	swait.ge [sflag:s15], $0x1400  }
0x7e: {  	s19 =	sld [smem:$0x7F4]  }
0x7f: {  	[sflag:s15] =	ssyncset.done $0x0  }
0x80: {  	[sflag:s15] =	ssyncadd.s32 $0xFFFFEC00  }
0x81: {  	[spmem:s19] =	stream.linear.scatter [tilespmem:s14], [sflag:$0x1], $0x1400, $0x38;
	[tilespmem:$0x1A5F8] =	vst v63  }
0x82: {  	_ =	swait.ge [sflag:s15], $0x1400  }
0x83: {  	[sflag:s15] =	ssyncset.done $0x0  }
0x84: {  	[sflag:s15] =	ssyncadd.s32 $0xFFFFEC00  }
0x85: {  	[spmem:s16] =	stream.linear.scatter [tilespmem:s14], [sflag:$0x1], $0x1400, $0x38;
	[tilespmem:$0x1A5F8] =	vst v63  }
0x86: {  	_ =	swait.ge [sflag:s15], $0x1400  }
0x87: {  	[sflag:s15] =	ssyncset.done $0x0  }
0x88: {  	[sflag:s15] =	ssyncadd.s32 $0xFFFFEC00  }
0x89: {  	[spmem:s17] =	stream.linear.scatter [tilespmem:s14], [sflag:$0x1], $0x1400, $0x38;
	[tilespmem:$0x1A5F8] =	vst v63  }
0x8a: {  	_ =	swait.ge [sflag:s15], $0x1400  }
0x8b: {  	[sflag:s15] =	ssyncset.done $0x0  }
0x8c: {  	[sflag:s15] =	ssyncadd.s32 $0xFFFFEC00  }
0x8d: {  	[spmem:s18] =	stream.linear.scatter [tilespmem:s14], [sflag:$0x1], $0xC00, $0x38;
	[tilespmem:$0x1A5F8] =	vst v63  }
0x8e: {  	_ =	swait.ge [sflag:s15], $0xC00  }
0x8f: {  	[sflag:s15] =	ssyncset.done $0x0  }
0x90: {  	[sflag:s15] =	ssyncadd.s32 $0xFFFFF400  }
0x91: {  	[tilespmem:$0x6880] =	vst v0  }
0x92: {  	[tilespmem:$0x6890] =	vst v0  }
0x93: {  	[tilespmem:$0x68A0] =	vst v0  }
0x94: {  	[tilespmem:$0x68B0] =	vst v0  }
0x95: {  	[tilespmem:$0x68C0] =	vst v0  }
0x96: {  	[tilespmem:$0x68D0] =	vst v0  }
0x97: {  	[tilespmem:$0x68E0] =	vst v0  }
0x98: {  	[tilespmem:$0x68F0] =	vst v0  }
0x99: {  	[tilespmem:$0x6900] =	vst v0  }
0x9a: {  	[tilespmem:$0x6910] =	vst v0  }
0x9b: {  	[tilespmem:$0x6920] =	vst v0  }
0x9c: {  	[tilespmem:$0x6930] =	vst v0  }
0x9d: {  	[tilespmem:$0x6940] =	vst v0  }
0x9e: {  	[tilespmem:$0x6950] =	vst v0  }
0x9f: {  	[tilespmem:$0x6960] =	vst v0  }
0xa0: {  	[tilespmem:$0x6970] =	vst v0  }
0xa1: {  	[tilespmem:$0x6980] =	vst v0  }
0xa2: {  	[tilespmem:$0x6990] =	vst v0  }
0xa3: {  	[tilespmem:$0x69A0] =	vst v0  }
0xa4: {  	[tilespmem:$0x69B0] =	vst v0  }
0xa5: {  	[tilespmem:$0x69C0] =	vst v0  }
0xa6: {  	[tilespmem:$0x69D0] =	vst v0  }
0xa7: {  	[tilespmem:$0x69E0] =	vst v0  }
0xa8: {  	[tilespmem:$0x69F0] =	vst v0  }
0xa9: {  	[tilespmem:$0x6A00] =	vst v0  }
0xaa: {  	[tilespmem:$0x6A10] =	vst v0  }
0xab: {  	[tilespmem:$0x6A20] =	vst v0  }
0xac: {  	[tilespmem:$0x6A30] =	vst v0  }
0xad: {  	[tilespmem:$0x6A40] =	vst v0  }
0xae: {  	[tilespmem:$0x6A50] =	vst v0  }
0xaf: {  	[tilespmem:$0x6A60] =	vst v0  }
0xb0: {  	[tilespmem:$0x6A70] =	vst v0  }
0xb1: {  	[tilespmem:$0x6A80] =	vst v0  }
0xb2: {  	[tilespmem:$0x6A90] =	vst v0  }
0xb3: {  	[tilespmem:$0x6AA0] =	vst v0  }
0xb4: {  	[tilespmem:$0x6AB0] =	vst v0  }
0xb5: {  	s23 =	sld [smem:$0x7F5];
	[tilespmem:$0x6AC0] =	vst v0  }
0xb6: {  	[tilespmem:$0x6AD0] =	vst v0  }
0xb7: {  	s6 =	simm.s32 $0x6880;
	[tilespmem:$0x6AE0] =	vst v0  }
0xb8: {  	[spmem:s23] =	stream.linear.scatter [tilespmem:s6], [sflag:$0x1], $0x270, $0x38;
	[tilespmem:$0x1A5F8] =	vst v63  }
0xb9: {  	_ =	swait.ge [sflag:s15], $0x270  }
0xba: {  	[sflag:s15] =	ssyncset.done $0x0  }
0xbb: {  	s5 =	simm.s32 @!p0 $0x5400;
	[sflag:s15] =	ssyncadd.s32 $0xFFFFFD90  }
0xbc: {  	[spmem:s21] =	stream.linear.scatter @!p0 [tilespmem:s5], [sflag:$0x1], $0x800, $0x38;
	[tilespmem:$0x1A5F8] =	vst v63  }
0xbd: {  	s5 =	simm.s32 @!p0 $0x1  }
0xbe: {  	_ =	swait.ge @!p0 [sflag:s5], $0x800  }
0xbf: {  	s13 =	sld [smem:$0x7F9]  }
0xc0: {  	[sflag:s5] =	ssyncset.done @!p0 $0x0  }
0xc1: {  	s6 =	simm.s32 @!p0 $0x6880;
	[sflag:s5] =	ssyncadd.s32 @!p0 $0xFFFFF800  }
0xc2: {  	[spmem:s13] =	stream.linear.scatter @!p0 [tilespmem:s6], [sflag:$0x1], $0x10, $0x38;
	[tilespmem:$0x1A5F8] =	vst v63  }
0xc3: {  	_ =	swait.ge @!p0 [sflag:s5], $0x10  }
0xc4: {  	[sflag:s5] =	ssyncset.done @!p0 $0x0  }
0xc5: {  	[sflag:s5] =	ssyncadd.s32 @!p0 $0xFFFFFFF0  }
0xc6: {  	[tilespmem:$0x6800] =	vst v1  }
0xc7: {  	[tilespmem:$0x6810] =	vst v1  }
0xc8: {  	[tilespmem:$0x6818] =	vst v1  }
0xc9: {  	s17 =	simm.s32 $0x0;
	s6 =	simm.s32 $0x0;
	[bflag:$0x0] =	sbarrier.arrive $0xFFFF  }
.LBB2_4:
0xca: {  	s5 =	smul.u32 $0x28, s17;
	_ =	sdelay $0x1  }
0xcb: {  	s5 =	sadd.s32 s7, s5  }
0xcc: {  	s5 =	sshrl.u32 s5, $0x3  }
0xcd: {  	s13 =	sadd.s32 s8, s5  }
0xce: {  	[tilespmem:s6], [sflag:$0x1] =	stream.linear.gather [hbm4b:s13+s6], $0x28, $0x38;
	[tilespmem:$0x1A5F8] =	vst v63  }
0xcf: {  	_ =	swait.ge [sflag:s15], $0x28  }
0xd0: {  	[sflag:s15] =	ssyncset.done $0x0  }
0xd1: {  	[sflag:s15] =	ssyncadd.s32 $0xFFFFFFD8  }
0xd2: {  	s16 =	rddreg [dreg:$0x1]  }
0xd3: {  	s13 =	sadd.s32 s16, s5  }
0xd4: {  	[tilespmem:s22], [sflag:$0x1] =	stream.linear.gather [hbm4b:s13+s6], $0x28, $0x38;
	[tilespmem:$0x1A5F8] =	vst v63  }
0xd5: {  	_ =	swait.ge [sflag:s15], $0x28  }
0xd6: {  	[sflag:s15] =	ssyncset.done $0x0  }
0xd7: {  	s18 =	sadd.s32 s9, s5;
	s16 =	simm.s32 $0x100;
	[sflag:s15] =	ssyncadd.s32 $0xFFFFFFD8  }
0xd8: {  	[tilespmem:s16], [sflag:$0x1] =	stream.linear.gather [hbm4b:s18+s6], $0x28, $0x38;
	[tilespmem:$0x1A5F8] =	vst v63  }
0xd9: {  	_ =	swait.ge [sflag:s15], $0x28  }
0xda: {  	[sflag:s15] =	ssyncset.done $0x0  }
0xdb: {  	s19 =	simm.s32 $0x180;
	s5 =	sadd.s32 s10, s5;
	[sflag:s15] =	ssyncadd.s32 $0xFFFFFFD8  }
0xdc: {  	[tilespmem:s19], [sflag:$0x1] =	stream.linear.gather [hbm4b:s5+s6], $0x28, $0x38;
	[tilespmem:$0x1A5F8] =	vst v63  }
0xdd: {  	_ =	swait.ge [sflag:s15], $0x28  }
0xde: {  	[sflag:s15] =	ssyncset.done $0x0  }
0xdf: {  	[sflag:s15] =	ssyncadd.s32 $0xFFFFFFD8  }
0xe0: {  	v5 =	vld [tilespmem:$0x100]  }
0xe1: {  	v6 =	vld [tilespmem:$0x180];
	_ =	sdelay $0x2  }
0xe2: {  	v7 =	vld [tilespmem:$0x110]  }
0xe3: {  	v8 =	vld [tilespmem:$0x190]  }
0xe4: {  	v9 =	vsub.f32 $1.000000000e+00, v5;
	v10 =	vsub.f32 $1.000000000e+00, v6  }
0xe5: {  	v11 =	vld [tilespmem:$0x0]  }
0xe6: {  	v13 =	vld [tilespmem:$0x118];
	v12 =	vmul.f32 v10, v9  }
0xe7: {  	v14 =	vld [tilespmem:$0x198];
	v9 =	vmul.f32 v6, v9  }
0xe8: {  	v61 =	vsub.f32 $1.000000000e+00, v7;
	v15 =	vsub.f32 $1.000000000e+00, v8;
	v10 =	vmul.f32 v10, v5;
	[tilespmem:$0x200] =	vst v12  }
0xe9: {  	v5 =	vmul.f32 v6, v5;
	[tilespmem:$0x280] =	vst v9  }
0xea: {  	v6 =	vmul.f32 v15, v61;
	[tilespmem:$0x300] =	vst v10;
	v9 =	vmul.f32 v8, v61;
	v10 =	vshll.u32 v11, $0x2  }
0xeb: {  	[tilespmem:$0x380] =	vst v5;
	v5 =	vmul.f32 v15, v7;
	v11 =	vand.u32 $0x7, v11;
	v10 =	vand.u32 $0xFFFFFFE0, v10  }
0xec: {  	[tilespmem:$0x210] =	vst v6;
	v6 =	vsub.f32 $1.000000000e+00, v13;
	v10 =	vor.u32 v11, v10;
	v11 =	vsub.f32 $1.000000000e+00, v14  }
0xed: {  	v7 =	vmul.f32 v8, v7;
	[tilespmem:$0x290] =	vst v9;
	v8 =	vperm.xlane v10, v2  }
0xee: {  	[tilespmem:$0x310] =	vst v5;
	v5 =	vmul.f32 v11, v6  }
0xef: {  	[tilespmem:$0x390] =	vst v7;
	v6 =	vmul.f32 v14, v6;
	v7 =	vadd.s32 v3, v8  }
0xf0: {  	[tilespmem:$0x218] =	vst v5;
	v5 =	vmul.f32 v11, v13  }
0xf1: {  	v8 =	vperm.xlane v10, v4;
	[tilespmem:$0x298] =	vst v6;
	v6 =	vmul.f32 v14, v13  }
0xf2: {  	[tilespmem:$0x318] =	vst v5  }
0xf3: {  	[tilespmem:$0x398] =	vst v6;
	v5 =	vadd.s32 v3, v8  }
0xf4: {  	[tilespmem:s25], [sflag:$0x1] =	stream.indirect_vreg.gather [hbm4b:s11+s6], $0x80, v7, vm0, $0xb8;
	[tilespmem:$0x1A5F8] =	vst v63  }
0xf5: {  	_ = 	snop  }
0xf6: {  	[tilespmem:s26], [sflag:$0x1] =	stream.indirect_vreg.gather [hbm4b:s12+s6], $0x80, v7, vm0, $0xb8;
	[tilespmem:$0x1A5F8] =	vst v63  }
0xf7: {  	_ = 	snop  }
0xf8: {  	[tilespmem:s28], [sflag:$0x1] =	stream.indirect_vreg.gather [hbm4b:s11+s6], $0x80, v5, vm0, $0xb8;
	[tilespmem:$0x1A5F8] =	vst v63  }
0xf9: {  	_ = 	snop  }
0xfa: {  	[tilespmem:s29], [sflag:$0x1] =	stream.indirect_vreg.gather [hbm4b:s12+s6], $0x80, v5, vm0, $0xb8;
	[tilespmem:$0x1A5F8] =	vst v63  }
0xfb: {  	v5 =	vld [tilespmem:$0x10];
	_ =	sdelay $0x4  }
0xfc: {  	v6 =	vshll.u32 v5, $0x2  }
0xfd: {  	v5 =	vand.u32 $0x7, v5;
	v6 =	vand.u32 $0xFFFFFFE0, v6  }
0xfe: {  	v5 =	vor.u32 v5, v6  }
0xff: {  	v6 =	vperm.xlane v5, v2;
	_ =	sdelay $0x1  }
0x100: {  	v6 =	vadd.s32 v3, v6;
	_ =	sdelay $0x1  }
0x101: {  	v5 =	vperm.xlane v5, v4;
	_ =	sdelay $0x1  }
0x102: {  	v5 =	vadd.s32 v3, v5  }
0x103: {  	[tilespmem:s30], [sflag:$0x1] =	stream.indirect_vreg.gather [hbm4b:s11+s6], $0x80, v6, vm0, $0xb8;
	[tilespmem:$0x1A5F8] =	vst v63  }
0x104: {  	_ = 	snop  }
0x105: {  	[tilespmem:s31], [sflag:$0x1] =	stream.indirect_vreg.gather [hbm4b:s12+s6], $0x80, v6, vm0, $0xb8;
	[tilespmem:$0x1A5F8] =	vst v63  }
0x106: {  	_ = 	snop  }
0x107: {  	[tilespmem:s20], [sflag:$0x1] =	stream.indirect_vreg.gather [hbm4b:s11+s6], $0x80, v5, vm0, $0xb8;
	[tilespmem:$0x1A5F8] =	vst v63  }
0x108: {  	_ = 	snop  }
0x109: {  	[tilespmem:s0], [sflag:$0x1] =	stream.indirect_vreg.gather [hbm4b:s12+s6], $0x80, v5, vm0, $0xb8;
	[tilespmem:$0x1A5F8] =	vst v63  }
0x10a: {  	v5 =	vld.msk [tilespmem:$0x20], $0xff;
	_ =	sdelay $0x4  }
0x10b: {  	v6 =	vshll.u32 v5, $0x2  }
0x10c: {  	v5 =	vand.u32 $0x7, v5;
	v6 =	vand.u32 $0xFFFFFFE0, v6  }
0x10d: {  	v5 =	vor.u32 v5, v6  }
0x10e: {  	v5 =	vperm.xlane v5, v2;
	_ =	sdelay $0x1  }
0x10f: {  	v5 =	vadd.s32 v3, v5;
	_ =	sdelay $0x4  }
0x110: {  	[tilespmem:s1], [sflag:$0x1] =	stream.indirect_vreg.gather [hbm4b:s11+s6], $0x80, v5, vm0, $0xb8;
	[tilespmem:$0x1A5F8] =	vst v63  }
0x111: {  	_ = 	snop  }
0x112: {  	[tilespmem:s2], [sflag:$0x1] =	stream.indirect_vreg.gather [hbm4b:s12+s6], $0x80, v5, vm0, $0xb8;
	[tilespmem:$0x1A5F8] =	vst v63  }
0x113: {  	_ =	swait.ge [sflag:s15], $0x5000  }
0x114: {  	s21 =	sand.u32 $0x7000, s6;
	[sflag:s15] =	ssyncset.done $0x0  }
0x115: {  	s23 =	sand.u32 $0x380, s6;
	s16 =	simm.s32 $0x300;
	[sflag:s15] =	ssyncadd.s32 $0xFFFFB000  }
0x116: {  	s13 =	sor.u32 s23, s21;
	v5 =	vld.msk [tilespmem:s16+$0xFFFFFF80 ss:$0x0], $0xffff  }
0x117: {  	v9 =	vld [tilespmem:s13+$0x800]  }
0x118: {  	v6 =	vld.msk [tilespmem:s16+$0xFFFFFF00 ss:$0x0], $0xffff  }
0x119: {  	v10 =	vld [tilespmem:s13+$0x400]  }
0x11a: {  	v7 =	vld.msk [tilespmem:s16+$0x0 ss:$0x0], $0xffff  }
0x11b: {  	v11 =	vld [tilespmem:s13+$0xC00]  }
0x11c: {  	v8 =	vld.msk [tilespmem:s16+$0x80 ss:$0x0], $0xffff  }
0x11d: {  	v62 =	vld [tilespmem:s13+$0x1000]  }
0x11e: {  	v9 =	vmul.f32 v9, v5;
	v10 =	vmul.f32 v10, v6;
	_ =	sdelay $0x1  }
0x11f: {  	v9 =	vadd.f32 v9, v10;
	v10 =	vmul.f32 v11, v7;
	_ =	sdelay $0x1  }
0x120: {  	v9 =	vadd.f32 v10, v9;
	v10 =	vmul.f32 v62, v8;
	_ =	sdelay $0x1  }
0x121: {  	v9 =	vadd.f32 v10, v9  }
0x122: {  	s5 =	simm.s32 $0x0  }
0x123: {  	[tilespmem:s5+$0x5400] =	vst v9  }
0x124: {  	v9 =	vld [tilespmem:s13+$0x410]  }
0x125: {  	v10 =	vld [tilespmem:s13+$0x810];
	_ =	sdelay $0x1  }
0x126: {  	v11 =	vld [tilespmem:s13+$0xC10];
	_ =	sdelay $0x1  }
0x127: {  	v63 =	vld [tilespmem:s13+$0x1010]  }
0x128: {  	v9 =	vmul.f32 v9, v6;
	v10 =	vmul.f32 v10, v5;
	_ =	sdelay $0x1  }
0x129: {  	v9 =	vadd.f32 v10, v9;
	v10 =	vmul.f32 v11, v7;
	_ =	sdelay $0x1  }
0x12a: {  	v9 =	vadd.f32 v10, v9;
	v10 =	vmul.f32 v63, v8;
	_ =	sdelay $0x1  }
0x12b: {  	v9 =	vadd.f32 v10, v9;
	_ =	sdelay $0x1  }
0x12c: {  	[tilespmem:s5+$0x5410] =	vst v9  }
0x12d: {  	v9 =	vld [tilespmem:s13+$0x420]  }
0x12e: {  	s21 =	simm.s32 $0x0;
	s18 =	simm.s32 $0x80;
	v10 =	vld [tilespmem:s13+$0x820]  }
.LBB2_5:
0x12f: {  	p1 =	sne.s32 s18, $0x1380;
	v11 =	vld [tilespmem:s13+$0xC20];
	s16 =	sadd.s32 $0x1, s16;
	s21 =	sadd.s32 $0x200, s21  }
0x130: {  	s19 =	smov.u32 s18;
	s18 =	sadd.s32 $0x80, s18;
	_ =	sdelay $0x1  }
0x131: {  	v9 =	vmul.f32 v9, v6;
	v12 =	vld [tilespmem:s13+$0x1020]  }
0x132: {  	v10 =	vmul.f32 v10, v5  }
0x133: {  	v11 =	vmul.f32 v11, v7  }
0x134: {  	v9 =	vadd.f32 v10, v9;
	_ =	sdelay $0x1  }
0x135: {  	v9 =	vadd.f32 v11, v9;
	v10 =	vmul.f32 v12, v8  }
0x136: {  	s23 =	sand.u32 $0x7000, s21;
	s19 =	sand.u32 $0x380, s19  }
0x137: {  	s19 =	sor.u32 s19, s23;
	v9 =	vadd.f32 v10, v9;
	_ =	sdelay $0x1  }
0x138: {  	[tilespmem:s5+$0x5420] =	vst v9  }
0x139: {  	v9 =	vld [tilespmem:s13+$0x430]  }
0x13a: {  	v10 =	vld [tilespmem:s13+$0x830]  }
0x13b: {  	v11 =	vld [tilespmem:s13+$0xC30];
	_ =	sdelay $0x2  }
0x13c: {  	v9 =	vmul.f32 v9, v6;
	v12 =	vld [tilespmem:s13+$0x1030]  }
0x13d: {  	v10 =	vmul.f32 v10, v5  }
0x13e: {  	v11 =	vmul.f32 v11, v7  }
0x13f: {  	v9 =	vadd.f32 v10, v9;
	_ =	sdelay $0x1  }
0x140: {  	v9 =	vadd.f32 v11, v9;
	v10 =	vmul.f32 v12, v8;
	_ =	sdelay $0x1  }
0x141: {  	v9 =	vadd.f32 v10, v9;
	_ =	sdelay $0x1  }
0x142: {  	[tilespmem:s5+$0x5430] =	vst v9  }
0x143: {  	v9 =	vld [tilespmem:s13+$0x440]  }
0x144: {  	v10 =	vld [tilespmem:s13+$0x840]  }
0x145: {  	v11 =	vld [tilespmem:s13+$0xC40]  }
0x146: {  	v12 =	vld [tilespmem:s13+$0x1040];
	_ =	sdelay $0x1  }
0x147: {  	v9 =	vmul.f32 v9, v6  }
0x148: {  	v10 =	vmul.f32 v10, v5  }
0x149: {  	v11 =	vmul.f32 v11, v7  }
0x14a: {  	v9 =	vadd.f32 v10, v9;
	v10 =	vmul.f32 v12, v8;
	_ =	sdelay $0x1  }
0x14b: {  	v9 =	vadd.f32 v11, v9;
	_ =	sdelay $0x1  }
0x14c: {  	v9 =	vadd.f32 v10, v9;
	_ =	sdelay $0x1  }
0x14d: {  	[tilespmem:s5+$0x5440] =	vst v9  }
0x14e: {  	v9 =	vld [tilespmem:s13+$0x450]  }
0x14f: {  	v10 =	vld [tilespmem:s13+$0x850]  }
0x150: {  	v11 =	vld [tilespmem:s13+$0xC50]  }
0x151: {  	v12 =	vld [tilespmem:s13+$0x1050];
	_ =	sdelay $0x1  }
0x152: {  	v9 =	vmul.f32 v9, v6  }
0x153: {  	v10 =	vmul.f32 v10, v5  }
0x154: {  	v11 =	vmul.f32 v11, v7  }
0x155: {  	v9 =	vadd.f32 v10, v9;
	v10 =	vmul.f32 v12, v8;
	_ =	sdelay $0x1  }
0x156: {  	v9 =	vadd.f32 v11, v9;
	_ =	sdelay $0x1  }
0x157: {  	v9 =	vadd.f32 v10, v9;
	_ =	sdelay $0x1  }
0x158: {  	[tilespmem:s5+$0x5450] =	vst v9  }
0x159: {  	v9 =	vld [tilespmem:s13+$0x460]  }
0x15a: {  	v10 =	vld [tilespmem:s13+$0x860]  }
0x15b: {  	v11 =	vld [tilespmem:s13+$0xC60]  }
0x15c: {  	v12 =	vld [tilespmem:s13+$0x1060];
	_ =	sdelay $0x1  }
0x15d: {  	v9 =	vmul.f32 v9, v6  }
0x15e: {  	v10 =	vmul.f32 v10, v5  }
0x15f: {  	v11 =	vmul.f32 v11, v7  }
0x160: {  	v9 =	vadd.f32 v10, v9;
	v10 =	vmul.f32 v12, v8;
	_ =	sdelay $0x1  }
0x161: {  	v9 =	vadd.f32 v11, v9;
	_ =	sdelay $0x1  }
0x162: {  	v9 =	vadd.f32 v10, v9;
	_ =	sdelay $0x1  }
0x163: {  	[tilespmem:s5+$0x5460] =	vst v9  }
0x164: {  	v9 =	vld [tilespmem:s13+$0x470]  }
0x165: {  	v10 =	vld [tilespmem:s13+$0x870]  }
0x166: {  	v11 =	vld [tilespmem:s13+$0xC70]  }
0x167: {  	v12 =	vld [tilespmem:s13+$0x1070];
	s13 =	smov.u32 s19;
	_ =	sdelay $0x1  }
0x168: {  	v6 =	vmul.f32 v9, v6  }
0x169: {  	v5 =	vmul.f32 v10, v5  }
0x16a: {  	v7 =	vmul.f32 v11, v7  }
0x16b: {  	v5 =	vadd.f32 v5, v6;
	v6 =	vmul.f32 v12, v8;
	_ =	sdelay $0x1  }
0x16c: {  	v5 =	vadd.f32 v7, v5;
	_ =	sdelay $0x1  }
0x16d: {  	v5 =	vadd.f32 v6, v5;
	_ =	sdelay $0x1  }
0x16e: {  	[tilespmem:s5+$0x5470] =	vst v5  }
0x16f: {  	v5 =	vld.msk [tilespmem:s16+$0xFFFFFF80 ss:$0x0], $0xffff  }
0x170: {  	v9 =	vld [tilespmem:s13+$0x800]  }
0x171: {  	v6 =	vld.msk [tilespmem:s16+$0xFFFFFF00 ss:$0x0], $0xffff  }
0x172: {  	v10 =	vld [tilespmem:s13+$0x400]  }
0x173: {  	v7 =	vld.msk [tilespmem:s16+$0x0 ss:$0x0], $0xffff  }
0x174: {  	v11 =	vld [tilespmem:s13+$0xC00]  }
0x175: {  	v8 =	vld.msk [tilespmem:s16+$0x80 ss:$0x0], $0xffff  }
0x176: {  	v9 =	vmul.f32 v9, v5;
	v12 =	vld [tilespmem:s13+$0x1000]  }
0x177: {  	v10 =	vmul.f32 v10, v6;
	_ =	sdelay $0x1  }
0x178: {  	v9 =	vadd.f32 v9, v10;
	v10 =	vmul.f32 v11, v7;
	_ =	sdelay $0x1  }
0x179: {  	v9 =	vadd.f32 v10, v9;
	v10 =	vmul.f32 v12, v8;
	_ =	sdelay $0x1  }
0x17a: {  	v9 =	vadd.f32 v10, v9  }
0x17b: {  	s5 =	sshra.s32 s21, $0x2  }
0x17c: {  	[tilespmem:s5+$0x5400] =	vst v9  }
0x17d: {  	v9 =	vld [tilespmem:s13+$0x410]  }
0x17e: {  	v10 =	vld [tilespmem:s13+$0x810];
	_ =	sdelay $0x1  }
0x17f: {  	v11 =	vld [tilespmem:s13+$0xC10];
	_ =	sdelay $0x1  }
0x180: {  	v9 =	vmul.f32 v9, v6;
	v12 =	vld [tilespmem:s13+$0x1010]  }
0x181: {  	v10 =	vmul.f32 v10, v5;
	_ =	sdelay $0x1  }
0x182: {  	v9 =	vadd.f32 v10, v9;
	v10 =	vmul.f32 v11, v7;
	_ =	sdelay $0x1  }
0x183: {  	v9 =	vadd.f32 v10, v9;
	v10 =	vmul.f32 v12, v8;
	_ =	sdelay $0x1  }
.Ltmp1:
0x184: {  	v9 =	vadd.f32 v10, v9;
	(pc) =	sbr.rel @p1 .LBB2_5-.Ltmp1, $4  }
0x185: {  	_ = 	snop  }
0x186: {  	[tilespmem:s5+$0x5410] =	vst v9  }
0x187: {  	v9 =	vld [tilespmem:s13+$0x420]  }
0x188: {  	v10 =	vld [tilespmem:s13+$0x820]  }
0x189: {  	_ = 	snop  }
0x18a: {  	v11 =	vld [tilespmem:s13+$0xC20];
	_ =	sdelay $0x1  }
0x18b: {  	v12 =	vld [tilespmem:s13+$0x1020]  }
0x18c: {  	v9 =	vmul.f32 v9, v6;
	v10 =	vmul.f32 v10, v5;
	_ =	sdelay $0x1  }
0x18d: {  	v11 =	vmul.f32 v11, v7;
	v9 =	vadd.f32 v10, v9;
	_ =	sdelay $0x1  }
0x18e: {  	v44 =	vmul.f32 v12, v8;
	v9 =	vadd.f32 v11, v9;
	_ =	sdelay $0x1  }
0x18f: {  	v9 =	vadd.f32 v44, v9;
	_ =	sdelay $0x1  }
0x190: {  	[tilespmem:s5+$0x5420] =	vst v9  }
0x191: {  	v9 =	vld [tilespmem:s13+$0x430]  }
0x192: {  	v45 =	vld [tilespmem:s13+$0x830];
	_ =	sdelay $0x1  }
0x193: {  	v46 =	vld [tilespmem:s13+$0xC30];
	_ =	sdelay $0x1  }
0x194: {  	v47 =	vld [tilespmem:s13+$0x1030]  }
0x195: {  	v9 =	vmul.f32 v9, v6;
	v10 =	vmul.f32 v45, v5;
	_ =	sdelay $0x1  }
0x196: {  	v11 =	vmul.f32 v46, v7;
	v9 =	vadd.f32 v10, v9;
	_ =	sdelay $0x1  }
0x197: {  	v48 =	vmul.f32 v47, v8;
	v9 =	vadd.f32 v11, v9;
	_ =	sdelay $0x1  }
0x198: {  	v9 =	vadd.f32 v48, v9;
	_ =	sdelay $0x1  }
0x199: {  	[tilespmem:s5+$0x5430] =	vst v9  }
0x19a: {  	v9 =	vld [tilespmem:s13+$0x440]  }
0x19b: {  	v49 =	vld [tilespmem:s13+$0x840];
	_ =	sdelay $0x1  }
0x19c: {  	v50 =	vld [tilespmem:s13+$0xC40];
	_ =	sdelay $0x1  }
0x19d: {  	v51 =	vld [tilespmem:s13+$0x1040]  }
0x19e: {  	v9 =	vmul.f32 v9, v6;
	v10 =	vmul.f32 v49, v5;
	_ =	sdelay $0x1  }
0x19f: {  	v11 =	vmul.f32 v50, v7;
	v9 =	vadd.f32 v10, v9;
	_ =	sdelay $0x1  }
0x1a0: {  	v52 =	vmul.f32 v51, v8;
	v9 =	vadd.f32 v11, v9;
	_ =	sdelay $0x1  }
0x1a1: {  	v9 =	vadd.f32 v52, v9;
	_ =	sdelay $0x1  }
0x1a2: {  	[tilespmem:s5+$0x5440] =	vst v9  }
0x1a3: {  	v9 =	vld [tilespmem:s13+$0x450]  }
0x1a4: {  	v53 =	vld [tilespmem:s13+$0x850];
	_ =	sdelay $0x1  }
0x1a5: {  	v54 =	vld [tilespmem:s13+$0xC50];
	_ =	sdelay $0x1  }
0x1a6: {  	v55 =	vld [tilespmem:s13+$0x1050]  }
0x1a7: {  	v9 =	vmul.f32 v9, v6;
	v10 =	vmul.f32 v53, v5;
	_ =	sdelay $0x1  }
0x1a8: {  	v11 =	vmul.f32 v54, v7;
	v9 =	vadd.f32 v10, v9;
	_ =	sdelay $0x1  }
0x1a9: {  	v56 =	vmul.f32 v55, v8;
	v9 =	vadd.f32 v11, v9;
	_ =	sdelay $0x1  }
0x1aa: {  	v9 =	vadd.f32 v56, v9;
	_ =	sdelay $0x1  }
0x1ab: {  	[tilespmem:s5+$0x5450] =	vst v9  }
0x1ac: {  	v9 =	vld [tilespmem:s13+$0x460]  }
0x1ad: {  	v57 =	vld [tilespmem:s13+$0x860];
	_ =	sdelay $0x1  }
0x1ae: {  	v58 =	vld [tilespmem:s13+$0xC60];
	_ =	sdelay $0x1  }
0x1af: {  	v59 =	vld [tilespmem:s13+$0x1060]  }
0x1b0: {  	v9 =	vmul.f32 v9, v6;
	v10 =	vmul.f32 v57, v5;
	_ =	sdelay $0x1  }
0x1b1: {  	v11 =	vmul.f32 v58, v7;
	v9 =	vadd.f32 v10, v9;
	_ =	sdelay $0x1  }
0x1b2: {  	v60 =	vmul.f32 v59, v8;
	v9 =	vadd.f32 v11, v9;
	_ =	sdelay $0x1  }
0x1b3: {  	v9 =	vadd.f32 v60, v9;
	_ =	sdelay $0x1  }
0x1b4: {  	[tilespmem:s5+$0x5460] =	vst v9  }
0x1b5: {  	v9 =	vld [tilespmem:s13+$0x470]  }
0x1b6: {  	v61 =	vld [tilespmem:s13+$0x870];
	_ =	sdelay $0x1  }
0x1b7: {  	v62 =	vld [tilespmem:s13+$0xC70];
	_ =	sdelay $0x1  }
0x1b8: {  	v63 =	vld [tilespmem:s13+$0x1070]  }
0x1b9: {  	v6 =	vmul.f32 v9, v6;
	v5 =	vmul.f32 v61, v5;
	_ =	sdelay $0x1  }
0x1ba: {  	v7 =	vmul.f32 v62, v7;
	v5 =	vadd.f32 v5, v6;
	_ =	sdelay $0x1  }
0x1bb: {  	v6 =	vmul.f32 v63, v8;
	v5 =	vadd.f32 v7, v5;
	_ =	sdelay $0x1  }
0x1bc: {  	v5 =	vadd.f32 v6, v5;
	_ =	sdelay $0x1  }
0x1bd: {  	s23 =	rddreg [dreg:$0x2];
	[tilespmem:s5+$0x5470] =	vst v5  }
0x1be: {  	[spmem:s23] =	stream.indirect.scatter.add.f32 [tilespmem:s14], [sflag:$0x1], $0x80, s22, s3, $0xb8;
	[tilespmem:$0x1A5F8] =	vst v63  }
0x1bf: {  	s17 =	sadd.s32 $0x1, s17;
	_ =	swait.ge [sflag:s15], $0x1400  }
0x1c0: {  	p1 =	sne.s32 s17, $0xFA;
	[sflag:s15] =	ssyncset.done $0x0  }
.Ltmp2:
0x1c1: {  	[sflag:s15] =	ssyncadd.s32 $0xFFFFEC00;
	(pc) =	sbr.rel @p1 .LBB2_4-.Ltmp2, $4  }
0x1c2: {  	[spmem:s24] =	stream.indirect.scatter.add.f32 [tilespmem:s4], [sflag:$0x1], $0x1, s22, s3, $0xb8;
	[tilespmem:$0x1A5F8] =	vst v63  }
0x1c3: {  	_ =	swait.ge [sflag:s15], $0x28  }
0x1c4: {  	[sflag:s15] =	ssyncset.done $0x0  }
0x1c5: {  	[sflag:s15] =	ssyncadd.s32 $0xFFFFFFD8  }
0x1c6: {  	[bflag:$0x0] =	sbarrier.arrive $0xFFFF  }
0x1c7: {  	s23 =	rddreg [dreg:$0x16]  }
0x1c8: {  	[tilespmem:s14], [sflag:$0x1] =	stream.linear.gather [spmem:s23], $0x1400, $0x38;
	[tilespmem:$0x1A5F8] =	vst v63  }
0x1c9: {  	_ =	swait.ge [sflag:s15], $0x1400  }
0x1ca: {  	[sflag:s15] =	ssyncset.done $0x0  }
0x1cb: {  	s6 =	simm.s32 $0x0;
	s5 =	rddreg [dreg:$0x5];
	[sflag:s15] =	ssyncadd.s32 $0xFFFFEC00  }
0x1cc: {  	[hbm4b:s5+s6] =	stream.linear.scatter [tilespmem:s14], [sflag:$0x1], $0x1400, $0x38;
	[tilespmem:$0x1A5F8] =	vst v63  }
0x1cd: {  	_ =	swait.ge [sflag:s15], $0x1400  }
0x1ce: {  	[sflag:s15] =	ssyncset.done $0x0  }
0x1cf: {  	s19 =	rddreg [dreg:$0x17];
	[sflag:s15] =	ssyncadd.s32 $0xFFFFEC00  }
0x1d0: {  	[tilespmem:s14], [sflag:$0x1] =	stream.linear.gather [spmem:s19], $0x1400, $0x38;
	[tilespmem:$0x1A5F8] =	vst v63  }
0x1d1: {  	_ =	swait.ge [sflag:s15], $0x1400  }
0x1d2: {  	[sflag:s15] =	ssyncset.done $0x0  }
0x1d3: {  	s21 =	rddreg [dreg:$0x6];
	[sflag:s15] =	ssyncadd.s32 $0xFFFFEC00  }
0x1d4: {  	[hbm4b:s21+s6] =	stream.linear.scatter [tilespmem:s14], [sflag:$0x1], $0x1400, $0x38;
	[tilespmem:$0x1A5F8] =	vst v63  }
0x1d5: {  	_ =	swait.ge [sflag:s15], $0x1400  }
0x1d6: {  	[sflag:s15] =	ssyncset.done $0x0  }
0x1d7: {  	s13 =	rddreg [dreg:$0x18];
	[sflag:s15] =	ssyncadd.s32 $0xFFFFEC00  }
0x1d8: {  	[tilespmem:s14], [sflag:$0x1] =	stream.linear.gather [spmem:s13], $0x1400, $0x38;
	[tilespmem:$0x1A5F8] =	vst v63  }
0x1d9: {  	_ =	swait.ge [sflag:s15], $0x1400  }
0x1da: {  	[sflag:s15] =	ssyncset.done $0x0  }
0x1db: {  	s16 =	rddreg [dreg:$0x7];
	[sflag:s15] =	ssyncadd.s32 $0xFFFFEC00  }
0x1dc: {  	[hbm4b:s16+s6] =	stream.linear.scatter [tilespmem:s14], [sflag:$0x1], $0x1400, $0x38;
	[tilespmem:$0x1A5F8] =	vst v63  }
0x1dd: {  	_ =	swait.ge [sflag:s15], $0x1400  }
0x1de: {  	[sflag:s15] =	ssyncset.done $0x0  }
0x1df: {  	s17 =	rddreg [dreg:$0x19];
	[sflag:s15] =	ssyncadd.s32 $0xFFFFEC00  }
0x1e0: {  	[tilespmem:s14], [sflag:$0x1] =	stream.linear.gather [spmem:s17], $0x1400, $0x38;
	[tilespmem:$0x1A5F8] =	vst v63  }
0x1e1: {  	_ =	swait.ge [sflag:s15], $0x1400  }
0x1e2: {  	[sflag:s15] =	ssyncset.done $0x0  }
0x1e3: {  	s18 =	rddreg [dreg:$0x8];
	[sflag:s15] =	ssyncadd.s32 $0xFFFFEC00  }
0x1e4: {  	[hbm4b:s18+s6] =	stream.linear.scatter [tilespmem:s14], [sflag:$0x1], $0x1400, $0x38;
	[tilespmem:$0x1A5F8] =	vst v63  }
0x1e5: {  	_ =	swait.ge [sflag:s15], $0x1400  }
0x1e6: {  	[sflag:s15] =	ssyncset.done $0x0  }
0x1e7: {  	s19 =	rddreg [dreg:$0x1a];
	[sflag:s15] =	ssyncadd.s32 $0xFFFFEC00  }
0x1e8: {  	[tilespmem:s14], [sflag:$0x1] =	stream.linear.gather [spmem:s19], $0x1400, $0x38;
	[tilespmem:$0x1A5F8] =	vst v63  }
0x1e9: {  	_ =	swait.ge [sflag:s15], $0x1400  }
0x1ea: {  	[sflag:s15] =	ssyncset.done $0x0  }
0x1eb: {  	s21 =	rddreg [dreg:$0x9];
	[sflag:s15] =	ssyncadd.s32 $0xFFFFEC00  }
0x1ec: {  	[hbm4b:s21+s6] =	stream.linear.scatter [tilespmem:s14], [sflag:$0x1], $0x1400, $0x38;
	[tilespmem:$0x1A5F8] =	vst v63  }
0x1ed: {  	_ =	swait.ge [sflag:s15], $0x1400  }
0x1ee: {  	[sflag:s15] =	ssyncset.done $0x0  }
0x1ef: {  	s13 =	rddreg [dreg:$0x1b];
	[sflag:s15] =	ssyncadd.s32 $0xFFFFEC00  }
0x1f0: {  	[tilespmem:s14], [sflag:$0x1] =	stream.linear.gather [spmem:s13], $0x1400, $0x38;
	[tilespmem:$0x1A5F8] =	vst v63  }
0x1f1: {  	_ =	swait.ge [sflag:s15], $0x1400  }
0x1f2: {  	[sflag:s15] =	ssyncset.done $0x0  }
0x1f3: {  	s16 =	rddreg [dreg:$0xa];
	[sflag:s15] =	ssyncadd.s32 $0xFFFFEC00  }
0x1f4: {  	[hbm4b:s16+s6] =	stream.linear.scatter [tilespmem:s14], [sflag:$0x1], $0x1400, $0x38;
	[tilespmem:$0x1A5F8] =	vst v63  }
0x1f5: {  	_ =	swait.ge [sflag:s15], $0x1400  }
0x1f6: {  	[sflag:s15] =	ssyncset.done $0x0  }
0x1f7: {  	s17 =	rddreg [dreg:$0x1c];
	[sflag:s15] =	ssyncadd.s32 $0xFFFFEC00  }
0x1f8: {  	[tilespmem:s14], [sflag:$0x1] =	stream.linear.gather [spmem:s17], $0x1400, $0x38;
	[tilespmem:$0x1A5F8] =	vst v63  }
0x1f9: {  	_ =	swait.ge [sflag:s15], $0x1400  }
0x1fa: {  	[sflag:s15] =	ssyncset.done $0x0  }
0x1fb: {  	s18 =	rddreg [dreg:$0xb];
	[sflag:s15] =	ssyncadd.s32 $0xFFFFEC00  }
0x1fc: {  	[hbm4b:s18+s6] =	stream.linear.scatter [tilespmem:s14], [sflag:$0x1], $0x1400, $0x38;
	[tilespmem:$0x1A5F8] =	vst v63  }
0x1fd: {  	_ =	swait.ge [sflag:s15], $0x1400  }
0x1fe: {  	[sflag:s15] =	ssyncset.done $0x0  }
0x1ff: {  	s19 =	rddreg [dreg:$0x1d];
	[sflag:s15] =	ssyncadd.s32 $0xFFFFEC00  }
0x200: {  	[tilespmem:s14], [sflag:$0x1] =	stream.linear.gather [spmem:s19], $0x1400, $0x38;
	[tilespmem:$0x1A5F8] =	vst v63  }
0x201: {  	_ =	swait.ge [sflag:s15], $0x1400  }
0x202: {  	[sflag:s15] =	ssyncset.done $0x0  }
0x203: {  	s21 =	rddreg [dreg:$0xc];
	[sflag:s15] =	ssyncadd.s32 $0xFFFFEC00  }
0x204: {  	[hbm4b:s21+s6] =	stream.linear.scatter [tilespmem:s14], [sflag:$0x1], $0x1400, $0x38;
	[tilespmem:$0x1A5F8] =	vst v63  }
0x205: {  	_ =	swait.ge [sflag:s15], $0x1400  }
0x206: {  	[sflag:s15] =	ssyncset.done $0x0  }
0x207: {  	s13 =	rddreg [dreg:$0x1e];
	[sflag:s15] =	ssyncadd.s32 $0xFFFFEC00  }
0x208: {  	[tilespmem:s14], [sflag:$0x1] =	stream.linear.gather [spmem:s13], $0x1400, $0x38;
	[tilespmem:$0x1A5F8] =	vst v63  }
0x209: {  	_ =	swait.ge [sflag:s15], $0x1400  }
0x20a: {  	[sflag:s15] =	ssyncset.done $0x0  }
0x20b: {  	s16 =	rddreg [dreg:$0xd];
	[sflag:s15] =	ssyncadd.s32 $0xFFFFEC00  }
0x20c: {  	[hbm4b:s16+s6] =	stream.linear.scatter [tilespmem:s14], [sflag:$0x1], $0x1400, $0x38;
	[tilespmem:$0x1A5F8] =	vst v63  }
0x20d: {  	_ =	swait.ge [sflag:s15], $0x1400  }
0x20e: {  	[sflag:s15] =	ssyncset.done $0x0  }
0x20f: {  	s17 =	rddreg [dreg:$0x1f];
	[sflag:s15] =	ssyncadd.s32 $0xFFFFEC00  }
0x210: {  	[tilespmem:s14], [sflag:$0x1] =	stream.linear.gather [spmem:s17], $0x1400, $0x38;
	[tilespmem:$0x1A5F8] =	vst v63  }
0x211: {  	_ =	swait.ge [sflag:s15], $0x1400  }
0x212: {  	[sflag:s15] =	ssyncset.done $0x0  }
0x213: {  	s18 =	rddreg [dreg:$0xe];
	[sflag:s15] =	ssyncadd.s32 $0xFFFFEC00  }
0x214: {  	[hbm4b:s18+s6] =	stream.linear.scatter [tilespmem:s14], [sflag:$0x1], $0x1400, $0x38;
	[tilespmem:$0x1A5F8] =	vst v63  }
0x215: {  	_ =	swait.ge [sflag:s15], $0x1400  }
0x216: {  	s19 =	sld [smem:$0x7F2]  }
0x217: {  	[sflag:s15] =	ssyncset.done $0x0  }
0x218: {  	[sflag:s15] =	ssyncadd.s32 $0xFFFFEC00  }
0x219: {  	[tilespmem:s14], [sflag:$0x1] =	stream.linear.gather [spmem:s19], $0x1400, $0x38;
	[tilespmem:$0x1A5F8] =	vst v63  }
0x21a: {  	_ =	swait.ge [sflag:s15], $0x1400  }
0x21b: {  	[sflag:s15] =	ssyncset.done $0x0  }
0x21c: {  	s21 =	rddreg [dreg:$0xf];
	[sflag:s15] =	ssyncadd.s32 $0xFFFFEC00  }
0x21d: {  	[hbm4b:s21+s6] =	stream.linear.scatter [tilespmem:s14], [sflag:$0x1], $0x1400, $0x38;
	[tilespmem:$0x1A5F8] =	vst v63  }
0x21e: {  	_ =	swait.ge [sflag:s15], $0x1400  }
0x21f: {  	s13 =	sld [smem:$0x7F3]  }
0x220: {  	[sflag:s15] =	ssyncset.done $0x0  }
0x221: {  	[sflag:s15] =	ssyncadd.s32 $0xFFFFEC00  }
0x222: {  	[tilespmem:s14], [sflag:$0x1] =	stream.linear.gather [spmem:s13], $0x1400, $0x38;
	[tilespmem:$0x1A5F8] =	vst v63  }
0x223: {  	_ =	swait.ge [sflag:s15], $0x1400  }
0x224: {  	[sflag:s15] =	ssyncset.done $0x0  }
0x225: {  	s16 =	rddreg [dreg:$0x10];
	[sflag:s15] =	ssyncadd.s32 $0xFFFFEC00  }
0x226: {  	[hbm4b:s16+s6] =	stream.linear.scatter [tilespmem:s14], [sflag:$0x1], $0x1400, $0x38;
	[tilespmem:$0x1A5F8] =	vst v63  }
0x227: {  	_ =	swait.ge [sflag:s15], $0x1400  }
0x228: {  	s17 =	sld [smem:$0x7F4]  }
0x229: {  	[sflag:s15] =	ssyncset.done $0x0  }
0x22a: {  	[sflag:s15] =	ssyncadd.s32 $0xFFFFEC00  }
0x22b: {  	[tilespmem:s14], [sflag:$0x1] =	stream.linear.gather [spmem:s17], $0x1400, $0x38;
	[tilespmem:$0x1A5F8] =	vst v63  }
0x22c: {  	_ =	swait.ge [sflag:s15], $0x1400  }
0x22d: {  	[sflag:s15] =	ssyncset.done $0x0  }
0x22e: {  	s18 =	rddreg [dreg:$0x11];
	[sflag:s15] =	ssyncadd.s32 $0xFFFFEC00  }
0x22f: {  	[hbm4b:s18+s6] =	stream.linear.scatter [tilespmem:s14], [sflag:$0x1], $0x1400, $0x38;
	[tilespmem:$0x1A5F8] =	vst v63  }
0x230: {  	_ =	swait.ge [sflag:s15], $0x1400  }
0x231: {  	s16 =	sld [smem:$0x7FA]  }
0x232: {  	[sflag:s15] =	ssyncset.done $0x0  }
0x233: {  	[sflag:s15] =	ssyncadd.s32 $0xFFFFEC00  }
0x234: {  	[tilespmem:s14], [sflag:$0x1] =	stream.linear.gather [spmem:s16], $0x1400, $0x38;
	[tilespmem:$0x1A5F8] =	vst v63  }
0x235: {  	_ =	swait.ge [sflag:s15], $0x1400  }
0x236: {  	[sflag:s15] =	ssyncset.done $0x0  }
0x237: {  	s19 =	rddreg [dreg:$0x12];
	[sflag:s15] =	ssyncadd.s32 $0xFFFFEC00  }
0x238: {  	[hbm4b:s19+s6] =	stream.linear.scatter [tilespmem:s14], [sflag:$0x1], $0x1400, $0x38;
	[tilespmem:$0x1A5F8] =	vst v63  }
0x239: {  	_ =	swait.ge [sflag:s15], $0x1400  }
0x23a: {  	s17 =	sld [smem:$0x7FB]  }
0x23b: {  	[sflag:s15] =	ssyncset.done $0x0  }
0x23c: {  	[sflag:s15] =	ssyncadd.s32 $0xFFFFEC00  }
0x23d: {  	[tilespmem:s14], [sflag:$0x1] =	stream.linear.gather [spmem:s17], $0x1400, $0x38;
	[tilespmem:$0x1A5F8] =	vst v63  }
0x23e: {  	_ =	swait.ge [sflag:s15], $0x1400  }
0x23f: {  	[sflag:s15] =	ssyncset.done $0x0  }
0x240: {  	s21 =	rddreg [dreg:$0x13];
	[sflag:s15] =	ssyncadd.s32 $0xFFFFEC00  }
0x241: {  	[hbm4b:s21+s6] =	stream.linear.scatter [tilespmem:s14], [sflag:$0x1], $0x1400, $0x38;
	[tilespmem:$0x1A5F8] =	vst v63  }
0x242: {  	_ =	swait.ge [sflag:s15], $0x1400  }
0x243: {  	s18 =	sld [smem:$0x7FC]  }
0x244: {  	[sflag:s15] =	ssyncset.done $0x0  }
0x245: {  	[sflag:s15] =	ssyncadd.s32 $0xFFFFEC00  }
0x246: {  	[tilespmem:s14], [sflag:$0x1] =	stream.linear.gather [spmem:s18], $0xC00, $0x38;
	[tilespmem:$0x1A5F8] =	vst v63  }
0x247: {  	_ =	swait.ge [sflag:s15], $0xC00  }
0x248: {  	[sflag:s15] =	ssyncset.done $0x0  }
0x249: {  	s13 =	rddreg [dreg:$0x14];
	[sflag:s15] =	ssyncadd.s32 $0xFFFFF400  }
0x24a: {  	[hbm4b:s13+s6] =	stream.linear.scatter [tilespmem:s14], [sflag:$0x1], $0xC00, $0x38;
	[tilespmem:$0x1A5F8] =	vst v63  }
0x24b: {  	_ =	swait.ge [sflag:s15], $0xC00  }
0x24c: {  	s19 =	sld [smem:$0x7F5]  }
0x24d: {  	[sflag:s15] =	ssyncset.done $0x0  }
0x24e: {  	s13 =	simm.s32 $0x6880;
	[sflag:s15] =	ssyncadd.s32 $0xFFFFF400  }
0x24f: {  	[tilespmem:s13], [sflag:$0x1] =	stream.linear.gather [spmem:s19], $0x270, $0x38;
	[tilespmem:$0x1A5F8] =	vst v63  }
0x250: {  	_ =	swait.ge [sflag:s15], $0x270  }
0x251: {  	[sflag:s15] =	ssyncset.done $0x0  }
0x252: {  	s21 =	rddreg [dreg:$0x15];
	[sflag:s15] =	ssyncadd.s32 $0xFFFFFD90  }
0x253: {  	[hbm4b:s21+s6] =	stream.linear.scatter [tilespmem:s13], [sflag:$0x1], $0x270, $0x38;
	[tilespmem:$0x1A5F8] =	vst v63  }
0x254: {  	_ =	swait.ge [sflag:s15], $0x270  }
0x255: {  	s21 =	sld [smem:$0x7FD]  }
0x256: {  	[sflag:s15] =	ssyncset.done $0x0  }
0x257: {  	s5 =	simm.s32 @!p0 $0x5400;
	s6 =	simm.s32 @!p0 $0x1;
	[sflag:s15] =	ssyncadd.s32 $0xFFFFFD90  }
0x258: {  	[tilespmem:s5], [sflag:$0x1] =	stream.linear.gather @!p0 [spmem:s21], $0x800, $0x38;
	[tilespmem:$0x1A5F8] =	vst v63  }
0x259: {  	_ =	swait.ge @!p0 [sflag:s6], $0x800  }
0x25a: {  	s19 =	sld [smem:$0x7F6]  }
0x25b: {  	[sflag:s6] =	ssyncset.done @!p0 $0x0  }
0x25c: {  	s13 =	simm.s32 @!p0 $0x0;
	[sflag:s6] =	ssyncadd.s32 @!p0 $0xFFFFF800  }
0x25d: {  	[hbm4b:s19+s13] =	stream.linear.scatter @!p0 [tilespmem:s5], [sflag:$0x1], $0x800, $0x38;
	[tilespmem:$0x1A5F8] =	vst v63  }
0x25e: {  	_ =	swait.ge @!p0 [sflag:s6], $0x800  }
0x25f: {  	s19 =	sld [smem:$0x7F9]  }
0x260: {  	[sflag:s6] =	ssyncset.done @!p0 $0x0  }
0x261: {  	s5 =	simm.s32 @!p0 $0x6880;
	[sflag:s6] =	ssyncadd.s32 @!p0 $0xFFFFF800  }
0x262: {  	[tilespmem:s5], [sflag:$0x1] =	stream.linear.gather @!p0 [spmem:s19], $0x10, $0x38;
	[tilespmem:$0x1A5F8] =	vst v63  }
0x263: {  	_ =	swait.ge @!p0 [sflag:s6], $0x10  }
0x264: {  	s19 =	sld [smem:$0x7F7]  }
0x265: {  	[sflag:s6] =	ssyncset.done @!p0 $0x0  }
0x266: {  	[sflag:s6] =	ssyncadd.s32 @!p0 $0xFFFFFFF0  }
0x267: {  	[hbm4b:s19+s13] =	stream.linear.scatter @!p0 [tilespmem:s5], [sflag:$0x1], $0x10, $0x38;
	[tilespmem:$0x1A5F8] =	vst v63  }
0x268: {  	_ =	swait.ge @!p0 [sflag:s6], $0x10  }
0x269: {  	s5 =	sld [smem:$0x7F1]  }
0x26a: {  	s19 =	sld [smem:$0x7F8];
	_ =	sdelay $0x1  }
0x26b: {  	s13 =	sadd.s32 $0x1, s5  }
0x26c: {  	p1 =	sne.s32 s13, s19  }
.Ltmp3:
0x26d: {  	_ = 	snop;
	(pc) =	sbr.rel @p1 .LBB2_1-.Ltmp3, $3  }
0x26e: {  	_ =	sdelay $0x1  }
0x26f: {  	[sflag:s6] =	ssyncset.done @!p0 $0x0  }
0x270: {  	[sflag:s6] =	ssyncadd.s32 @!p0 $0xFFFFFFF0  }
0x271: {  	_ =	sfence.sel $0x180000  }
0x272: {  	[bflag:$0x0] =	sbarrier.arrive $0xFFFF  }
0x273: {  	_ =	strace $0x90000047  }
0x274: {  	[bflag:$0x2] =	sbarrier.arrive $0xFFFF  }
0x275: {  	s0 =	rddreg [dreg:$0x4]  }
0x276: {  	s0 =	sadd.s32 @!p0 $0x100000, s0  }
0x277: {  	[sflag:s0] =	ssyncadd.tile.s32 @!p0 $0x1;
	_ =	shalt  }
.Lfunc_end2:
_tile_overlayer_lowered:
.L_overlay_start_2:
0x278: {  	(tag) =	ssettag $0x2  }
0x279: {  	s0 =	rddreg [dreg:$0x0];
	s2 =	stileid.u32  }
0x27a: {  	s1 =	rddreg [dreg:$0x1];
	p0 =	sne.s32 s2, $0x0  }
0x27b: {  	s3 =	rddreg [dreg:$0x2];
	[bflag:$0x3] =	sbarrier.arrive $0xFFFF;
	s2 =	simm.s32 @!p0 $0x1C01  }
0x27c: {  	[timem:s3], [sflag:s2] =	dma.local @!p0 [hbm:s0], s1  }
0x27d: {  	s0 =	simm.s32 @!p0 $0x1  }
0x27e: {  	_ =	swait.ge @!p0 [sflag:s0], s1  }
0x27f: {  	s1 =	ssub.s32 @!p0 $0x0, s1;
	[sflag:s0] =	ssyncset.done @!p0 $0x0  }
0x280: {  	[sflag:s0] =	ssyncadd.s32 @!p0 s1  }
0x281: {  	[bflag:$0x3] =	sbarrier.arrive $0xFFFF  }
0x282: {  	_ =	shalt  }

</sc_bundles>
